<compile_context>
chip_gen: v7x
topology: tpu7x:2x2x1
jax: 0.10.2.dev20260603
libtpu: 0.0.44.dev20260713+nightly
codegen_flags: <defaults>
</compile_context>

<pallas_src>
import functools

import jax
import jax.numpy as jnp
from jax import lax
from jax.experimental import pallas as pl
from jax.experimental.pallas import tpu as pltpu
from jax.experimental.pallas import tpu_sc as plsc

N = 2048
E = 65536
D = 128
FIN = 64
H = 128
KNN = 10

NN = N * N
QW = NN // 4
TW = 131072
SPW = QW + TW

EB1 = 8192
ES1 = E // EB1
EB3 = 2048
ES3 = E // EB3
RB = 128
NRB = N // RB

SC_TOT = 2 * E
SC_CH = E // 16 // 128
SC_G = 8
ZW = 32768


def _dot(a, b, dims):
    return lax.dot_general(a, b, (dims, ((), ())),
                           precision=lax.Precision.DEFAULT,
                           preferred_element_type=jnp.float32)


def _estats_body(x_ref, o_ref):
    i = pl.program_id(0)
    x = x_ref[...]
    blk = jnp.concatenate([jnp.sum(x, axis=0, keepdims=True),
                           jnp.sum(x * x, axis=0, keepdims=True)], axis=0)

    @pl.when(i == 0)
    def _():
        o_ref[...] = blk

    @pl.when(i > 0)
    def _():
        o_ref[...] += blk


def _estats(edge_input):
    return pl.pallas_call(
        _estats_body,
        grid=(ES1,),
        in_specs=[pl.BlockSpec((EB1, D), lambda i: (i, 0))],
        out_specs=pl.BlockSpec((2, D), lambda i: (0, 0)),
        out_shape=jax.ShapeDtypeStruct((2, D), jnp.float32),
    )(edge_input)


def _standardize(x, st_ref):
    mu = st_ref[0:1, :] / E
    ex2 = st_ref[1:2, :] / E
    sig = jnp.sqrt(jnp.maximum(ex2 - mu * mu, 0.0)) + 1e-6
    return (x - mu) / sig


def _hstats_body(x_ref, st_ref, w1_ref, b1_ref, o_ref):
    i = pl.program_id(0)
    ei = _standardize(x_ref[...], st_ref)
    w1 = w1_ref[...]
    b1 = b1_ref[...]
    h1 = jnp.maximum(_dot(ei[:, :FIN], w1, ((1,), (0,))) + b1, 0.0)
    h2 = jnp.maximum(_dot(ei[:, FIN:], w1, ((1,), (0,))) + b1, 0.0)
    blk = jnp.concatenate([
        jnp.sum(h1, axis=0, keepdims=True),
        jnp.sum(h1 * h1, axis=0, keepdims=True),
        jnp.sum(h2, axis=0, keepdims=True),
        jnp.sum(h2 * h2, axis=0, keepdims=True),
    ], axis=0)

    @pl.when(i == 0)
    def _():
        o_ref[...] = blk

    @pl.when(i > 0)
    def _():
        o_ref[...] += blk


def _hstats(edge_input, stats, W1, b1):
    return pl.pallas_call(
        _hstats_body,
        grid=(ES1,),
        in_specs=[
            pl.BlockSpec((EB1, D), lambda i: (i, 0)),
            pl.BlockSpec((2, D), lambda i: (0, 0)),
            pl.BlockSpec((FIN, H), lambda i: (0, 0)),
            pl.BlockSpec((1, H), lambda i: (0, 0)),
        ],
        out_specs=pl.BlockSpec((4, D), lambda i: (0, 0)),
        out_shape=jax.ShapeDtypeStruct((4, D), jnp.float32),
    )(edge_input, stats, W1, b1)


def _edgeout_body(x_ref, st_ref, hs_ref, w1_ref, b1_ref, g_ref, be_ref,
                  w2_ref, b2_ref, ei_ref, w_ref, fsd_ref, fds_ref):
    ei = _standardize(x_ref[...], st_ref)
    w1 = w1_ref[...]
    b1 = b1_ref[...]
    gamma = g_ref[...]
    beta = be_ref[...]
    w2 = w2_ref[...]
    b2 = b2_ref[...]

    def tower(z, hs0, hs1):
        h = jnp.maximum(_dot(z, w1, ((1,), (0,))) + b1, 0.0)
        m = hs0 / E
        v = hs1 / E - m * m
        hn = (h - m) * (gamma / jnp.sqrt(v + 1e-5)) + beta
        return _dot(hn, w2, ((1,), (0,))) + b2

    o1 = tower(ei[:, :FIN], hs_ref[0:1, :], hs_ref[1:2, :])
    o2 = tower(ei[:, FIN:], hs_ref[2:3, :], hs_ref[3:4, :])
    n1 = jnp.maximum(jnp.sqrt(jnp.sum(o1 * o1, axis=1, keepdims=True)), 1e-8)
    n2 = jnp.maximum(jnp.sqrt(jnp.sum(o2 * o2, axis=1, keepdims=True)), 1e-8)
    cos = jnp.sum(o1 * o2, axis=1, keepdims=True) / (n1 * n2)
    w_ref[...] = ((cos + 1.0) * 0.5)[None]

    i = pl.program_id(0)
    eb = ei_ref[0, :, pl.ds(i * EB3, EB3)]
    src = eb[0:1, :]
    dst = eb[1:2, :]
    fsd_ref[...] = (src * N + dst)[:, :, None]
    fds_ref[...] = (dst * N + src)[:, :, None]


def _edgeout(edge_input, stats, hstats, W1, b1, gamma, beta, W2, b2, eiT):
    c = pl.pallas_call(
        _edgeout_body,
        grid=(ES3,),
        in_specs=[
            pl.BlockSpec((EB3, D), lambda i: (i, 0)),
            pl.BlockSpec((2, D), lambda i: (0, 0)),
            pl.BlockSpec((4, D), lambda i: (0, 0)),
            pl.BlockSpec((FIN, H), lambda i: (0, 0)),
            pl.BlockSpec((1, H), lambda i: (0, 0)),
            pl.BlockSpec((1, H), lambda i: (0, 0)),
            pl.BlockSpec((1, H), lambda i: (0, 0)),
            pl.BlockSpec((H, H), lambda i: (0, 0)),
            pl.BlockSpec((1, H), lambda i: (0, 0)),
            pl.BlockSpec((1, 2, E), lambda i: (0, 0, 0)),
        ],
        out_specs=[
            pl.BlockSpec((1, EB3, 1), lambda i: (i, 0, 0)),
            pl.BlockSpec((1, EB3, 1), lambda i: (i, 0, 0)),
            pl.BlockSpec((1, EB3, 1), lambda i: (i, 0, 0)),
        ],
        out_shape=[
            jax.ShapeDtypeStruct((ES3, EB3, 1), jnp.float32),
            jax.ShapeDtypeStruct((ES3, EB3, 1), jnp.int32),
            jax.ShapeDtypeStruct((ES3, EB3, 1), jnp.int32),
        ],
    )
    return c(edge_input, stats, hstats, W1, b1, gamma, beta, W2, b2, eiT)


def _topk_body(e_ref, t_ref, a_ref, at_ref, normed):
    m = pl.program_id(0)
    i = pl.program_id(1)

    @pl.when(i == 0)
    def _():
        x = jnp.where(m == 0, e_ref[...], t_ref[...])
        normed[...] = x / jnp.sqrt(jnp.sum(x * x, axis=1, keepdims=True))

    nb = normed[pl.ds(i * RB, RB), :]
    s = _dot(nb, normed[...], ((1,), (1,)))
    s = (s + 1.0) * 0.5
    colidx = lax.broadcasted_iota(jnp.int32, (RB, N), 1)
    for _ in range(KNN):
        mx = jnp.max(s, axis=1, keepdims=True)
        cand = jnp.min(jnp.where(s >= mx, colidx, N), axis=1, keepdims=True)
        s = jnp.where(colidx == cand, -jnp.inf, s)
    ablk = jnp.where(s == -jnp.inf, 1.0, 0.0).astype(jnp.bfloat16)
    a_ref[0] = ablk
    at_ref[0] = ablk.T


def _topk(emb, t1):
    return pl.pallas_call(
        _topk_body,
        grid=(2, NRB),
        in_specs=[pl.BlockSpec((N, D), lambda m, i: (0, 0)),
                  pl.BlockSpec((N, D), lambda m, i: (0, 0))],
        out_specs=[
            pl.BlockSpec((1, RB, N), lambda m, i: (m, i, 0)),
            pl.BlockSpec((1, N, RB), lambda m, i: (m, 0, i)),
        ],
        out_shape=[
            jax.ShapeDtypeStruct((2, N, N), jnp.bfloat16),
            jax.ShapeDtypeStruct((2, N, N), jnp.bfloat16),
        ],
        scratch_shapes=[pltpu.VMEM((N, D), jnp.float32)],
    )(emb, t1)


def _sc_scatter(fsd_t, fds_t, val_t):
    mesh = plsc.VectorSubcoreMesh(core_axis_name="c", subcore_axis_name="s")

    @functools.partial(
        pl.kernel,
        out_type=jax.ShapeDtypeStruct((NN,), jnp.float32),
        mesh=mesh,
        scratch_types=[
            pltpu.VMEM((2 * SC_CH, 128), jnp.int32),
            pltpu.VMEM((SC_CH, 128), jnp.float32),
            pltpu.VMEM((2 * SC_CH, 128), jnp.int32),
            pltpu.VMEM((ZW,), jnp.float32),
            pltpu.VMEM_SHARED((SPW,), jnp.float32),
            pltpu.SemaphoreType.DMA,
            pltpu.SemaphoreType.DMA,
        ],
    )
    def scat(fsd_hbm, fds_hbm, val_hbm, out_hbm, idx_v, val_v, sidx_v, zbuf,
             sp, sem, zsem):
        cid = lax.axis_index("c")
        sid = lax.axis_index("s")

        pltpu.sync_copy(fsd_hbm.at[sid], idx_v.at[pl.ds(0, SC_CH)])
        pltpu.sync_copy(fds_hbm.at[sid], idx_v.at[pl.ds(SC_CH, SC_CH)])
        pltpu.sync_copy(val_hbm.at[sid], val_v)

        def zinit(j, carry):
            zbuf[pl.ds(j * 16, 16)] = jnp.zeros((16,), jnp.float32)
            return carry

        lax.fori_loop(0, ZW // 16, zinit, 0)

        stripe = QW // 16
        tbase = QW + sid * (2 * SC_CH * 128)

        for p in range(2):
            base = (2 * cid + p) * QW

            for j in range(stripe // ZW):
                pltpu.async_copy(
                    zbuf, sp.at[pl.ds(sid * stripe + j * ZW, ZW)], zsem)

            def clamp(ci, carry):
                for l in range(8):
                    v = idx_v[ci, pl.ds(l * 16, 16)] - base
                    keep = (v >= 0) & (v < QW)
                    trash = (tbase + ci * 128 + l * 16) + lax.iota(
                        jnp.int32, 16)
                    sidx_v[ci, pl.ds(l * 16, 16)] = jnp.where(keep, v, trash)
                return carry

            lax.fori_loop(0, 2 * SC_CH, clamp, 0)

            for j in range(stripe // ZW):
                pltpu.make_async_copy(
                    zbuf, sp.at[pl.ds(sid * stripe + j * ZW, ZW)],
                    zsem).wait()
            plsc.subcore_barrier()

            def sloop(g, carry):
                cps = []
                for b in range(SC_G):
                    ci = g * SC_G + b
                    cps.append(pltpu.async_copy(
                        val_v.at[ci - SC_CH * (ci // SC_CH)],
                        sp.at[sidx_v.at[ci]], sem))
                for cp in cps:
                    cp.wait()
                return carry

            lax.fori_loop(0, 2 * SC_CH // SC_G, sloop, 0)
            plsc.subcore_barrier()

            for j in range(stripe // ZW):
                pltpu.async_copy(
                    sp.at[pl.ds(sid * stripe + j * ZW, ZW)],
                    out_hbm.at[pl.ds(base + sid * stripe + j * ZW, ZW)],
                    zsem)
            for j in range(stripe // ZW):
                pltpu.make_async_copy(
                    sp.at[pl.ds(sid * stripe + j * ZW, ZW)],
                    out_hbm.at[pl.ds(base + sid * stripe + j * ZW, ZW)],
                    zsem).wait()

    return scat(fsd_t, fds_t, val_t)


def _rownorm_body(sadj_ref, a_ref, at_ref, o_ref):
    m = pl.program_id(0)
    i = pl.program_id(1)
    knn = jnp.maximum(a_ref[0], at_ref[0]).astype(jnp.float32)
    a = jnp.where(m == 0, sadj_ref[0], knn)
    rowg = i * RB + lax.broadcasted_iota(jnp.int32, (RB, 1), 0)
    col = lax.broadcasted_iota(jnp.int32, (RB, N), 1)
    a = a + jnp.where(col == rowg, 1.0, 0.0)
    s = jnp.sum(a, axis=1, keepdims=True)
    o_ref[0] = a * (1.0 / s)


def _rownorm(sadj17, knn_a, knn_at):
    return pl.pallas_call(
        _rownorm_body,
        grid=(3, NRB),
        in_specs=[
            pl.BlockSpec((1, RB, N),
                         lambda m, i: ((m == 0) * i, 0, 0)),
            pl.BlockSpec((1, RB, N),
                         lambda m, i: ((m > 0) * (m - 1), (m > 0) * i, 0)),
            pl.BlockSpec((1, RB, N),
                         lambda m, i: ((m > 0) * (m - 1), (m > 0) * i, 0)),
        ],
        out_specs=pl.BlockSpec((1, RB, N), lambda m, i: (m, i, 0)),
        out_shape=jax.ShapeDtypeStruct((3, N, N), jnp.float32),
    )(sadj17, knn_a, knn_at)


def kernel(embeddings, t1_features, edge_input, W1, b1, gamma, beta, W2, b2,
           edge_index):
    b1r = b1.reshape(1, H)
    gr = gamma.reshape(1, H)
    ber = beta.reshape(1, H)
    b2r = b2.reshape(1, H)
    ei2 = edge_index.astype(jnp.int32).reshape(1, 2, E)

    stats = _estats(edge_input)
    hstats = _hstats(edge_input, stats, W1, b1r)
    w3, fsd3, fds3 = _edgeout(edge_input, stats, hstats, W1, b1r, gr, ber,
                              W2, b2r, ei2)

    fsd_t = fsd3.reshape(16, SC_CH, 128)
    fds_t = fds3.reshape(16, SC_CH, 128)
    val_t = w3.reshape(16, SC_CH, 128)
    sadj_flat = _sc_scatter(fsd_t, fds_t, val_t)

    knn_a, knn_at = _topk(embeddings, t1_features)

    sadj16 = sadj_flat.reshape(NN // (RB * N), RB, N)
    return _rownorm(sadj16, knn_a, knn_at)

# --- scband reference (transcript-rebuilt; emitter-appended) ---
"""Pipeline reference for scband-lgmf-gnn-85822036509066 (READ-ONLY COPY).

The authoritative reference and input builder live on the scoring server;
editing this copy changes nothing except your own understanding.
"""

import jax, jax.numpy as jnp
import numpy as np

N = 2048
E = 65536
D = 128
FIN = 64
H = 128
K = 10  # k_num passed as n=10 (in range(8,12))


def setup_inputs(seed: int = 0) -> dict:
    key = jax.random.key(seed)
    ks = jax.random.split(key, 8)
    embeddings = jax.random.normal(ks[0], (N, D), dtype=jnp.float32)
    t1_features = jax.random.normal(ks[1], (N, D), dtype=jnp.float32)
    edge_input = jax.random.normal(ks[2], (E, 2 * FIN), dtype=jnp.float32)
    edge_index = jax.random.randint(ks[3], (2, E), 0, N)
    W1 = jax.random.normal(ks[4], (FIN, H), dtype=jnp.float32) * (2.0 / FIN) ** 0.5
    b1 = jnp.zeros((H,), dtype=jnp.float32)
    gamma = jnp.ones((H,), dtype=jnp.float32)
    beta = jnp.zeros((H,), dtype=jnp.float32)
    W2 = jax.random.normal(ks[5], (H, H), dtype=jnp.float32) * (2.0 / H) ** 0.5
    b2 = jnp.zeros((H,), dtype=jnp.float32)
    return {
        'embeddings': embeddings,
        't1_features': t1_features,
        'edge_input': edge_input,
        'W1': W1, 'b1': b1, 'gamma': gamma, 'beta': beta, 'W2': W2, 'b2': b2,
        'edge_index': edge_index,
    }


def _parser(z, W1, b1, gamma, beta, W2, b2):
    # Linear -> ReLU -> BatchNorm1d (train-mode batch stats) -> (dropout=identity in eval) -> Linear
    h = jax.nn.relu(z @ W1 + b1)
    m = h.mean(axis=0)
    v = h.var(axis=0)
    h = (h - m) / jnp.sqrt(v + 1e-5) * gamma + beta
    return h @ W2 + b2


def _pae(x, W1, b1, gamma, beta, W2, b2):
    x1 = x[:, :FIN]
    x2 = x[:, FIN:]
    h1 = _parser(x1, W1, b1, gamma, beta, W2, b2)
    h2 = _parser(x2, W1, b1, gamma, beta, W2, b2)
    n1 = jnp.maximum(jnp.linalg.norm(h1, axis=1), 1e-8)
    n2 = jnp.maximum(jnp.linalg.norm(h2, axis=1), 1e-8)
    cos = jnp.sum(h1 * h2, axis=1) / (n1 * n2)
    return (cos + 1.0) * 0.5


def _row_normalize(a):
    r = a.sum(axis=1)
    rinv = jnp.where(r > 0, 1.0 / r, 0.0)
    return a * rinv[:, None]


def _prepare_adj(a):
    # symmetrize by elementwise max: a + a.T*(a.T>a) - a*(a.T>a)
    m = (a.T > a).astype(a.dtype)
    a = a + a.T * m - a * m
    return _row_normalize(jnp.eye(a.shape[0], dtype=a.dtype) + a)


def reference(embeddings, t1_features, edge_input, W1, b1, gamma, beta, W2, b2, edge_index):
    emb = embeddings / jnp.linalg.norm(embeddings, axis=-1, keepdims=True)
    t1 = t1_features / jnp.linalg.norm(t1_features, axis=-1, keepdims=True)
    ei = (edge_input - edge_input.mean(axis=0)) / (edge_input.std(axis=0) + 1e-6)
    edge_weight = _pae(ei, W1, b1, gamma, beta, W2, b2)
    src = edge_index[0]
    dst = edge_index[1]
    sadj = jnp.zeros((N, N), dtype=jnp.float32)
    sadj = sadj.at[src, dst].set(edge_weight)
    sadj = sadj.at[dst, src].set(edge_weight)
    fadj1 = (emb @ emb.T + 1.0) * 0.5
    fadj2 = (t1 @ t1.T + 1.0) * 0.5
    _, idx1 = jax.lax.top_k(fadj1, K)
    _, idx2 = jax.lax.top_k(fadj2, K)
    rows = jnp.arange(N)[:, None]
    knn1 = jnp.zeros((N, N), dtype=jnp.float32).at[rows, idx1].set(1.0)
    knn2 = jnp.zeros((N, N), dtype=jnp.float32).at[rows, idx2].set(1.0)
    fadj1 = _prepare_adj(knn1)
    fadj2 = _prepare_adj(knn2)
    sadj = _prepare_adj(sadj)
    return jnp.stack([sadj, fadj1, fadj2], axis=0)

if __name__ == "__main__":
    import jax
    _d = setup_inputs()
    print(jax.jit(kernel)(*tuple(_d.values())))

</pallas_src>

<mosaic_0001>
#map = affine_map<(d0, d1) -> (0, 0, 0)>
#map1 = affine_map<(d0, d1) -> (0)>
module attributes {stable_mosaic.version = 14 : i64} {
  func.func @scat(%arg0: i32, %arg1: i32, %arg2: memref<16x32x128xi32, #tpu.memory_space<hbm>>, %arg3: memref<16x32x128xi32, #tpu.memory_space<hbm>>, %arg4: memref<16x32x128xf32, #tpu.memory_space<hbm>>, %arg5: memref<4194304xf32, #tpu.memory_space<hbm>>, %arg6: memref<64x128xi32, #tpu.memory_space<vmem>>, %arg7: memref<32x128xf32, #tpu.memory_space<vmem>>, %arg8: memref<64x128xi32, #tpu.memory_space<vmem>>, %arg9: memref<32768xf32, #tpu.memory_space<vmem>>, %arg10: memref<1179648xf32, #tpu.memory_space<vmem_shared>>, %arg11: memref<!tpu.dma_semaphore, #tpu.memory_space<semaphore_mem>>, %arg12: memref<!tpu.dma_semaphore, #tpu.memory_space<semaphore_mem>>) attributes {dimension_semantics = [#tpu.dimension_semantics<core_parallel>, #tpu.dimension_semantics<subcore_parallel>], iteration_bounds = array<i64: 2, 16>, scalar_prefetch = 0 : i64, scratch_operands = 7 : i64, tpu.core_type = #tpu.core_type<sc_vector_subcore>, window_params = [{transform_indices = #map}, {transform_indices = #map}, {transform_indices = #map}, {transform_indices = #map1}]} {
    "tpu.region"() ({
      %run_scoped3A = tpu.sem_alloc : memref<!tpu.dma_semaphore, #tpu.memory_space<semaphore_mem>>
      %dma_start3A_180 = arith.constant 0 : i32
      %dma_start3A_181 = arith.constant 0 : i32
      %dma_start3A_182 = tpu.memref_slice %arg6[%dma_start3A_180, %dma_start3A_181] : memref<64x128xi32, #tpu.memory_space<vmem>> -> memref<32x128xi32, #tpu.memory_space<vmem>>
      %dma_start3A_183 = arith.constant 0 : i32
      %dma_start3A_184 = arith.constant 0 : i32
      %dma_start3A_185 = tpu.memref_slice %arg2[%arg1, %dma_start3A_183, %dma_start3A_184] : memref<16x32x128xi32, #tpu.memory_space<hbm>> -> memref<1x32x128xi32, #tpu.memory_space<hbm>>
      %dma_start3A_186 = tpu.memref_squeeze %dma_start3A_185 : memref<1x32x128xi32, #tpu.memory_space<hbm>> -> memref<32x128xi32, #tpu.memory_space<hbm>>
      %dma_start3A_187 = arith.constant 0 : i32
      %dma_start3A_188 = arith.constant 0 : i32
      %dma_start3A_189 = tpu.memref_slice %arg6[%dma_start3A_187, %dma_start3A_188] : memref<64x128xi32, #tpu.memory_space<vmem>> -> memref<32x128xi32, #tpu.memory_space<vmem>>
      %dma_start3A_190 = arith.constant 0 : i32
      %dma_start3A_191 = arith.constant 0 : i32
      %dma_start3A_192 = tpu.memref_slice %arg2[%arg1, %dma_start3A_190, %dma_start3A_191] : memref<16x32x128xi32, #tpu.memory_space<hbm>> -> memref<1x32x128xi32, #tpu.memory_space<hbm>>
      %dma_start3A_193 = tpu.memref_squeeze %dma_start3A_192 : memref<1x32x128xi32, #tpu.memory_space<hbm>> -> memref<32x128xi32, #tpu.memory_space<hbm>>
      tpu.enqueue_dma source(%dma_start3A_193 : memref<32x128xi32, #tpu.memory_space<hbm>>) target(%dma_start3A_189 : memref<32x128xi32, #tpu.memory_space<vmem>>) target_semaphore(%run_scoped3A : memref<!tpu.dma_semaphore, #tpu.memory_space<semaphore_mem>>)
      %dma_wait3A_194 = arith.constant 0 : i32
      %dma_wait3A_195 = arith.constant 0 : i32
      %dma_wait3A_196 = tpu.memref_slice %arg6[%dma_wait3A_194, %dma_wait3A_195] : memref<64x128xi32, #tpu.memory_space<vmem>> -> memref<32x128xi32, #tpu.memory_space<vmem>>
      %dma_wait3A_197 = arith.constant 0 : i32
      %dma_wait3A_198 = arith.constant 0 : i32
      %dma_wait3A_199 = tpu.memref_slice %arg2[%arg1, %dma_wait3A_197, %dma_wait3A_198] : memref<16x32x128xi32, #tpu.memory_space<hbm>> -> memref<1x32x128xi32, #tpu.memory_space<hbm>>
      %dma_wait3A_200 = tpu.memref_squeeze %dma_wait3A_199 : memref<1x32x128xi32, #tpu.memory_space<hbm>> -> memref<32x128xi32, #tpu.memory_space<hbm>>
      %dma_wait3A_201 = arith.constant 0 : i32
      %dma_wait3A_202 = arith.constant 0 : i32
      %dma_wait3A_203 = tpu.memref_slice %arg6[%dma_wait3A_201, %dma_wait3A_202] : memref<64x128xi32, #tpu.memory_space<vmem>> -> memref<32x128xi32, #tpu.memory_space<vmem>>
      %dma_wait3A_204 = arith.constant 0 : i32
      %dma_wait3A_205 = arith.constant 0 : i32
      %dma_wait3A_206 = tpu.memref_slice %arg2[%arg1, %dma_wait3A_204, %dma_wait3A_205] : memref<16x32x128xi32, #tpu.memory_space<hbm>> -> memref<1x32x128xi32, #tpu.memory_space<hbm>>
      %dma_wait3A_207 = tpu.memref_squeeze %dma_wait3A_206 : memref<1x32x128xi32, #tpu.memory_space<hbm>> -> memref<32x128xi32, #tpu.memory_space<hbm>>
      tpu.wait_dma2 semaphore(%run_scoped3A : memref<!tpu.dma_semaphore, #tpu.memory_space<semaphore_mem>>) src(%dma_wait3A_207 : memref<32x128xi32, #tpu.memory_space<hbm>>) dst(%dma_wait3A_203 : memref<32x128xi32, #tpu.memory_space<vmem>>)
      tpu.yield
    }) : () -> ()
    "tpu.region"() ({
      %run_scoped3A = tpu.sem_alloc : memref<!tpu.dma_semaphore, #tpu.memory_space<semaphore_mem>>
      %dma_start3A_180 = arith.constant 32 : i32
      %dma_start3A_181 = arith.constant 0 : i32
      %dma_start3A_182 = tpu.memref_slice %arg6[%dma_start3A_180, %dma_start3A_181] : memref<64x128xi32, #tpu.memory_space<vmem>> -> memref<32x128xi32, #tpu.memory_space<vmem>>
      %dma_start3A_183 = arith.constant 0 : i32
      %dma_start3A_184 = arith.constant 0 : i32
      %dma_start3A_185 = tpu.memref_slice %arg3[%arg1, %dma_start3A_183, %dma_start3A_184] : memref<16x32x128xi32, #tpu.memory_space<hbm>> -> memref<1x32x128xi32, #tpu.memory_space<hbm>>
      %dma_start3A_186 = tpu.memref_squeeze %dma_start3A_185 : memref<1x32x128xi32, #tpu.memory_space<hbm>> -> memref<32x128xi32, #tpu.memory_space<hbm>>
      %dma_start3A_187 = arith.constant 32 : i32
      %dma_start3A_188 = arith.constant 0 : i32
      %dma_start3A_189 = tpu.memref_slice %arg6[%dma_start3A_187, %dma_start3A_188] : memref<64x128xi32, #tpu.memory_space<vmem>> -> memref<32x128xi32, #tpu.memory_space<vmem>>
      %dma_start3A_190 = arith.constant 0 : i32
      %dma_start3A_191 = arith.constant 0 : i32
      %dma_start3A_192 = tpu.memref_slice %arg3[%arg1, %dma_start3A_190, %dma_start3A_191] : memref<16x32x128xi32, #tpu.memory_space<hbm>> -> memref<1x32x128xi32, #tpu.memory_space<hbm>>
      %dma_start3A_193 = tpu.memref_squeeze %dma_start3A_192 : memref<1x32x128xi32, #tpu.memory_space<hbm>> -> memref<32x128xi32, #tpu.memory_space<hbm>>
      tpu.enqueue_dma source(%dma_start3A_193 : memref<32x128xi32, #tpu.memory_space<hbm>>) target(%dma_start3A_189 : memref<32x128xi32, #tpu.memory_space<vmem>>) target_semaphore(%run_scoped3A : memref<!tpu.dma_semaphore, #tpu.memory_space<semaphore_mem>>)
      %dma_wait3A_194 = arith.constant 32 : i32
      %dma_wait3A_195 = arith.constant 0 : i32
      %dma_wait3A_196 = tpu.memref_slice %arg6[%dma_wait3A_194, %dma_wait3A_195] : memref<64x128xi32, #tpu.memory_space<vmem>> -> memref<32x128xi32, #tpu.memory_space<vmem>>
      %dma_wait3A_197 = arith.constant 0 : i32
      %dma_wait3A_198 = arith.constant 0 : i32
      %dma_wait3A_199 = tpu.memref_slice %arg3[%arg1, %dma_wait3A_197, %dma_wait3A_198] : memref<16x32x128xi32, #tpu.memory_space<hbm>> -> memref<1x32x128xi32, #tpu.memory_space<hbm>>
      %dma_wait3A_200 = tpu.memref_squeeze %dma_wait3A_199 : memref<1x32x128xi32, #tpu.memory_space<hbm>> -> memref<32x128xi32, #tpu.memory_space<hbm>>
      %dma_wait3A_201 = arith.constant 32 : i32
      %dma_wait3A_202 = arith.constant 0 : i32
      %dma_wait3A_203 = tpu.memref_slice %arg6[%dma_wait3A_201, %dma_wait3A_202] : memref<64x128xi32, #tpu.memory_space<vmem>> -> memref<32x128xi32, #tpu.memory_space<vmem>>
      %dma_wait3A_204 = arith.constant 0 : i32
      %dma_wait3A_205 = arith.constant 0 : i32
      %dma_wait3A_206 = tpu.memref_slice %arg3[%arg1, %dma_wait3A_204, %dma_wait3A_205] : memref<16x32x128xi32, #tpu.memory_space<hbm>> -> memref<1x32x128xi32, #tpu.memory_space<hbm>>
      %dma_wait3A_207 = tpu.memref_squeeze %dma_wait3A_206 : memref<1x32x128xi32, #tpu.memory_space<hbm>> -> memref<32x128xi32, #tpu.memory_space<hbm>>
      tpu.wait_dma2 semaphore(%run_scoped3A : memref<!tpu.dma_semaphore, #tpu.memory_space<semaphore_mem>>) src(%dma_wait3A_207 : memref<32x128xi32, #tpu.memory_space<hbm>>) dst(%dma_wait3A_203 : memref<32x128xi32, #tpu.memory_space<vmem>>)
      tpu.yield
    }) : () -> ()
    "tpu.region"() ({
      %run_scoped3A = tpu.sem_alloc : memref<!tpu.dma_semaphore, #tpu.memory_space<semaphore_mem>>
      %dma_start3A_180 = arith.constant 0 : i32
      %dma_start3A_181 = arith.constant 0 : i32
      %dma_start3A_182 = tpu.memref_slice %arg4[%arg1, %dma_start3A_180, %dma_start3A_181] : memref<16x32x128xf32, #tpu.memory_space<hbm>> -> memref<1x32x128xf32, #tpu.memory_space<hbm>>
      %dma_start3A_183 = tpu.memref_squeeze %dma_start3A_182 : memref<1x32x128xf32, #tpu.memory_space<hbm>> -> memref<32x128xf32, #tpu.memory_space<hbm>>
      %dma_start3A_184 = arith.constant 0 : i32
      %dma_start3A_185 = arith.constant 0 : i32
      %dma_start3A_186 = tpu.memref_slice %arg4[%arg1, %dma_start3A_184, %dma_start3A_185] : memref<16x32x128xf32, #tpu.memory_space<hbm>> -> memref<1x32x128xf32, #tpu.memory_space<hbm>>
      %dma_start3A_187 = tpu.memref_squeeze %dma_start3A_186 : memref<1x32x128xf32, #tpu.memory_space<hbm>> -> memref<32x128xf32, #tpu.memory_space<hbm>>
      tpu.enqueue_dma source(%dma_start3A_187 : memref<32x128xf32, #tpu.memory_space<hbm>>) target(%arg7 : memref<32x128xf32, #tpu.memory_space<vmem>>) target_semaphore(%run_scoped3A : memref<!tpu.dma_semaphore, #tpu.memory_space<semaphore_mem>>)
      %dma_wait3A_188 = arith.constant 0 : i32
      %dma_wait3A_189 = arith.constant 0 : i32
      %dma_wait3A_190 = tpu.memref_slice %arg4[%arg1, %dma_wait3A_188, %dma_wait3A_189] : memref<16x32x128xf32, #tpu.memory_space<hbm>> -> memref<1x32x128xf32, #tpu.memory_space<hbm>>
      %dma_wait3A_191 = tpu.memref_squeeze %dma_wait3A_190 : memref<1x32x128xf32, #tpu.memory_space<hbm>> -> memref<32x128xf32, #tpu.memory_space<hbm>>
      %dma_wait3A_192 = arith.constant 0 : i32
      %dma_wait3A_193 = arith.constant 0 : i32
      %dma_wait3A_194 = tpu.memref_slice %arg4[%arg1, %dma_wait3A_192, %dma_wait3A_193] : memref<16x32x128xf32, #tpu.memory_space<hbm>> -> memref<1x32x128xf32, #tpu.memory_space<hbm>>
      %dma_wait3A_195 = tpu.memref_squeeze %dma_wait3A_194 : memref<1x32x128xf32, #tpu.memory_space<hbm>> -> memref<32x128xf32, #tpu.memory_space<hbm>>
      tpu.wait_dma2 semaphore(%run_scoped3A : memref<!tpu.dma_semaphore, #tpu.memory_space<semaphore_mem>>) src(%dma_wait3A_195 : memref<32x128xf32, #tpu.memory_space<hbm>>) dst(%arg7 : memref<32x128xf32, #tpu.memory_space<vmem>>)
      tpu.yield
    }) : () -> ()
    %scan3A = arith.constant 0 : i32
    %scan3A_0 = arith.constant 0 : i32
    %scan3A_1 = arith.constant 2048 : i32
    %scan3A_2 = arith.addi %scan3A_0, %scan3A_1 : i32
    %scan3A_3 = arith.constant 1 : i32
    scf.for %scan3A_180 = %scan3A_0 to %scan3A_2 step %scan3A_3  : i32 {
      %broadcast_in_dim3A = arith.constant 0.000000e+00 : f32
      %broadcast_in_dim3A_181 = vector.broadcast %broadcast_in_dim3A : f32 to vector<16xf32>
      %mul3A_182 = arith.constant 16 : i32
      %mul3A_183 = arith.muli %scan3A_180, %mul3A_182 : i32
      %swap3A = arith.index_cast %mul3A_183 : i32 to index
      %swap3A_184 = tpu.vector_load %arg9[%swap3A] {strides = array<i32>} : memref<32768xf32, #tpu.memory_space<vmem>>, vector<16xf32>,
      %swap3A_185 = vector.shape_cast %swap3A_184 : vector<16xf32> to vector<16xf32>
      %swap3A_186 = vector.shape_cast %broadcast_in_dim3A_181 : vector<16xf32> to vector<16xf32>
      tpu.vector_store %arg9[%swap3A], %swap3A_186 {strides = array<i32>} : memref<32768xf32, #tpu.memory_space<vmem>>, vector<16xf32>,
    }
    %scan3A_4 = arith.constant 2048 : i32
    %mul3A = arith.constant 8192 : i32
    %mul3A_5 = arith.muli %arg1, %mul3A : i32
    %add3A = arith.constant 1048576 : i32
    %add3A_6 = arith.addi %add3A, %mul3A_5 : i32
    %mul3A_7 = arith.constant 2 : i32
    %mul3A_8 = arith.muli %mul3A_7, %arg0 : i32
    %add3A_9 = arith.constant 0 : i32
    %add3A_10 = arith.addi %mul3A_8, %add3A_9 : i32
    %mul3A_11 = arith.constant 1048576 : i32
    %mul3A_12 = arith.muli %add3A_10, %mul3A_11 : i32
    %mul3A_13 = arith.constant 65536 : i32
    %mul3A_14 = arith.muli %arg1, %mul3A_13 : i32
    %add3A_15 = arith.constant 0 : i32
    %add3A_16 = arith.addi %mul3A_14, %add3A_15 : i32
    %dma_start3A = tpu.memref_slice %arg10[%add3A_16] : memref<1179648xf32, #tpu.memory_space<vmem_shared>> -> memref<32768xf32, #tpu.memory_space<vmem_shared>>
    %dma_start3A_17 = tpu.memref_slice %arg10[%add3A_16] : memref<1179648xf32, #tpu.memory_space<vmem_shared>> -> memref<32768xf32, #tpu.memory_space<vmem_shared>>
    tpu.enqueue_dma source(%arg9 : memref<32768xf32, #tpu.memory_space<vmem>>) target(%dma_start3A_17 : memref<32768xf32, #tpu.memory_space<vmem_shared>>) target_semaphore(%arg12 : memref<!tpu.dma_semaphore, #tpu.memory_space<semaphore_mem>>)
    %mul3A_18 = arith.constant 65536 : i32
    %mul3A_19 = arith.muli %arg1, %mul3A_18 : i32
    %add3A_20 = arith.constant 32768 : i32
    %add3A_21 = arith.addi %mul3A_19, %add3A_20 : i32
    %dma_start3A_22 = tpu.memref_slice %arg10[%add3A_21] : memref<1179648xf32, #tpu.memory_space<vmem_shared>> -> memref<32768xf32, #tpu.memory_space<vmem_shared>>
    %dma_start3A_23 = tpu.memref_slice %arg10[%add3A_21] : memref<1179648xf32, #tpu.memory_space<vmem_shared>> -> memref<32768xf32, #tpu.memory_space<vmem_shared>>
    tpu.enqueue_dma source(%arg9 : memref<32768xf32, #tpu.memory_space<vmem>>) target(%dma_start3A_23 : memref<32768xf32, #tpu.memory_space<vmem_shared>>) target_semaphore(%arg12 : memref<!tpu.dma_semaphore, #tpu.memory_space<semaphore_mem>>)
    %scan3A_24 = arith.constant 0 : i32
    %scan3A_25 = arith.constant 0 : i32
    %scan3A_26 = arith.constant 64 : i32
    %scan3A_27 = arith.addi %scan3A_25, %scan3A_26 : i32
    %scan3A_28 = arith.constant 1 : i32
    scf.for %scan3A_180 = %scan3A_25 to %scan3A_27 step %scan3A_28  : i32 {
      %get3A = arith.index_cast %scan3A_180 : i32 to index
      %get3A_181 = arith.constant 0 : index
      %get3A_182 = tpu.vector_load %arg6[%get3A, %get3A_181] {strides = array<i32>} : memref<64x128xi32, #tpu.memory_space<vmem>>, vector<1x16xi32>,
      %get3A_183 = vector.shape_cast %get3A_182 : vector<1x16xi32> to vector<16xi32>
      %sub3A = vector.broadcast %mul3A_12 : i32 to vector<16xi32>
      %sub3A_184 = arith.subi %get3A_183, %sub3A : vector<16xi32>
      %ge3A = arith.constant 0 : i32
      %ge3A_185 = vector.broadcast %ge3A : i32 to vector<16xi32>
      %ge3A_186 = arith.cmpi sge, %sub3A_184, %ge3A_185 : vector<16xi32>
      %lt3A = arith.constant 1048576 : i32
      %lt3A_187 = vector.broadcast %lt3A : i32 to vector<16xi32>
      %lt3A_188 = arith.cmpi slt, %sub3A_184, %lt3A_187 : vector<16xi32>
      %and3A = arith.andi %ge3A_186, %lt3A_188 : vector<16xi1>
      %mul3A_189 = arith.constant 128 : i32
      %mul3A_190 = arith.muli %scan3A_180, %mul3A_189 : i32
      %add3A_191 = arith.addi %add3A_6, %mul3A_190 : i32
      %add3A_192 = arith.constant 0 : i32
      %add3A_193 = arith.addi %add3A_191, %add3A_192 : i32
      %iota3A = tpu.iota {dimensions = array<i32: 0>} : vector<16xi32>
      %add3A_194 = vector.broadcast %add3A_193 : i32 to vector<16xi32>
      %add3A_195 = arith.addi %add3A_194, %iota3A : vector<16xi32>
      %select_n3A = arith.select %and3A, %sub3A_184, %add3A_195 : vector<16xi1>, vector<16xi32>
      %swap3A = arith.index_cast %scan3A_180 : i32 to index
      %swap3A_196 = arith.constant 0 : index
      %swap3A_197 = tpu.vector_load %arg8[%swap3A, %swap3A_196] {strides = array<i32>} : memref<64x128xi32, #tpu.memory_space<vmem>>, vector<1x16xi32>,
      %swap3A_198 = vector.shape_cast %swap3A_197 : vector<1x16xi32> to vector<16xi32>
      %swap3A_199 = vector.shape_cast %select_n3A : vector<16xi32> to vector<1x16xi32>
      tpu.vector_store %arg8[%swap3A, %swap3A_196], %swap3A_199 {strides = array<i32>} : memref<64x128xi32, #tpu.memory_space<vmem>>, vector<1x16xi32>,
      %get3A_200 = arith.index_cast %scan3A_180 : i32 to index
      %get3A_201 = arith.constant 16 : index
      %get3A_202 = tpu.vector_load %arg6[%get3A_200, %get3A_201] {strides = array<i32>} : memref<64x128xi32, #tpu.memory_space<vmem>>, vector<1x16xi32>,
      %get3A_203 = vector.shape_cast %get3A_202 : vector<1x16xi32> to vector<16xi32>
      %sub3A_204 = vector.broadcast %mul3A_12 : i32 to vector<16xi32>
      %sub3A_205 = arith.subi %get3A_203, %sub3A_204 : vector<16xi32>
      %ge3A_206 = arith.constant 0 : i32
      %ge3A_207 = vector.broadcast %ge3A_206 : i32 to vector<16xi32>
      %ge3A_208 = arith.cmpi sge, %sub3A_205, %ge3A_207 : vector<16xi32>
      %lt3A_209 = arith.constant 1048576 : i32
      %lt3A_210 = vector.broadcast %lt3A_209 : i32 to vector<16xi32>
      %lt3A_211 = arith.cmpi slt, %sub3A_205, %lt3A_210 : vector<16xi32>
      %and3A_212 = arith.andi %ge3A_208, %lt3A_211 : vector<16xi1>
      %mul3A_213 = arith.constant 128 : i32
      %mul3A_214 = arith.muli %scan3A_180, %mul3A_213 : i32
      %add3A_215 = arith.addi %add3A_6, %mul3A_214 : i32
      %add3A_216 = arith.constant 16 : i32
      %add3A_217 = arith.addi %add3A_215, %add3A_216 : i32
      %iota3A_218 = tpu.iota {dimensions = array<i32: 0>} : vector<16xi32>
      %add3A_219 = vector.broadcast %add3A_217 : i32 to vector<16xi32>
      %add3A_220 = arith.addi %add3A_219, %iota3A_218 : vector<16xi32>
      %select_n3A_221 = arith.select %and3A_212, %sub3A_205, %add3A_220 : vector<16xi1>, vector<16xi32>
      %swap3A_222 = arith.index_cast %scan3A_180 : i32 to index
      %swap3A_223 = arith.constant 16 : index
      %swap3A_224 = tpu.vector_load %arg8[%swap3A_222, %swap3A_223] {strides = array<i32>} : memref<64x128xi32, #tpu.memory_space<vmem>>, vector<1x16xi32>,
      %swap3A_225 = vector.shape_cast %swap3A_224 : vector<1x16xi32> to vector<16xi32>
      %swap3A_226 = vector.shape_cast %select_n3A_221 : vector<16xi32> to vector<1x16xi32>
      tpu.vector_store %arg8[%swap3A_222, %swap3A_223], %swap3A_226 {strides = array<i32>} : memref<64x128xi32, #tpu.memory_space<vmem>>, vector<1x16xi32>,
      %get3A_227 = arith.index_cast %scan3A_180 : i32 to index
      %get3A_228 = arith.constant 32 : index
      %get3A_229 = tpu.vector_load %arg6[%get3A_227, %get3A_228] {strides = array<i32>} : memref<64x128xi32, #tpu.memory_space<vmem>>, vector<1x16xi32>,
      %get3A_230 = vector.shape_cast %get3A_229 : vector<1x16xi32> to vector<16xi32>
      %sub3A_231 = vector.broadcast %mul3A_12 : i32 to vector<16xi32>
      %sub3A_232 = arith.subi %get3A_230, %sub3A_231 : vector<16xi32>
      %ge3A_233 = arith.constant 0 : i32
      %ge3A_234 = vector.broadcast %ge3A_233 : i32 to vector<16xi32>
      %ge3A_235 = arith.cmpi sge, %sub3A_232, %ge3A_234 : vector<16xi32>
      %lt3A_236 = arith.constant 1048576 : i32
      %lt3A_237 = vector.broadcast %lt3A_236 : i32 to vector<16xi32>
      %lt3A_238 = arith.cmpi slt, %sub3A_232, %lt3A_237 : vector<16xi32>
      %and3A_239 = arith.andi %ge3A_235, %lt3A_238 : vector<16xi1>
      %mul3A_240 = arith.constant 128 : i32
      %mul3A_241 = arith.muli %scan3A_180, %mul3A_240 : i32
      %add3A_242 = arith.addi %add3A_6, %mul3A_241 : i32
      %add3A_243 = arith.constant 32 : i32
      %add3A_244 = arith.addi %add3A_242, %add3A_243 : i32
      %iota3A_245 = tpu.iota {dimensions = array<i32: 0>} : vector<16xi32>
      %add3A_246 = vector.broadcast %add3A_244 : i32 to vector<16xi32>
      %add3A_247 = arith.addi %add3A_246, %iota3A_245 : vector<16xi32>
      %select_n3A_248 = arith.select %and3A_239, %sub3A_232, %add3A_247 : vector<16xi1>, vector<16xi32>
      %swap3A_249 = arith.index_cast %scan3A_180 : i32 to index
      %swap3A_250 = arith.constant 32 : index
      %swap3A_251 = tpu.vector_load %arg8[%swap3A_249, %swap3A_250] {strides = array<i32>} : memref<64x128xi32, #tpu.memory_space<vmem>>, vector<1x16xi32>,
      %swap3A_252 = vector.shape_cast %swap3A_251 : vector<1x16xi32> to vector<16xi32>
      %swap3A_253 = vector.shape_cast %select_n3A_248 : vector<16xi32> to vector<1x16xi32>
      tpu.vector_store %arg8[%swap3A_249, %swap3A_250], %swap3A_253 {strides = array<i32>} : memref<64x128xi32, #tpu.memory_space<vmem>>, vector<1x16xi32>,
      %get3A_254 = arith.index_cast %scan3A_180 : i32 to index
      %get3A_255 = arith.constant 48 : index
      %get3A_256 = tpu.vector_load %arg6[%get3A_254, %get3A_255] {strides = array<i32>} : memref<64x128xi32, #tpu.memory_space<vmem>>, vector<1x16xi32>,
      %get3A_257 = vector.shape_cast %get3A_256 : vector<1x16xi32> to vector<16xi32>
      %sub3A_258 = vector.broadcast %mul3A_12 : i32 to vector<16xi32>
      %sub3A_259 = arith.subi %get3A_257, %sub3A_258 : vector<16xi32>
      %ge3A_260 = arith.constant 0 : i32
      %ge3A_261 = vector.broadcast %ge3A_260 : i32 to vector<16xi32>
      %ge3A_262 = arith.cmpi sge, %sub3A_259, %ge3A_261 : vector<16xi32>
      %lt3A_263 = arith.constant 1048576 : i32
      %lt3A_264 = vector.broadcast %lt3A_263 : i32 to vector<16xi32>
      %lt3A_265 = arith.cmpi slt, %sub3A_259, %lt3A_264 : vector<16xi32>
      %and3A_266 = arith.andi %ge3A_262, %lt3A_265 : vector<16xi1>
      %mul3A_267 = arith.constant 128 : i32
      %mul3A_268 = arith.muli %scan3A_180, %mul3A_267 : i32
      %add3A_269 = arith.addi %add3A_6, %mul3A_268 : i32
      %add3A_270 = arith.constant 48 : i32
      %add3A_271 = arith.addi %add3A_269, %add3A_270 : i32
      %iota3A_272 = tpu.iota {dimensions = array<i32: 0>} : vector<16xi32>
      %add3A_273 = vector.broadcast %add3A_271 : i32 to vector<16xi32>
      %add3A_274 = arith.addi %add3A_273, %iota3A_272 : vector<16xi32>
      %select_n3A_275 = arith.select %and3A_266, %sub3A_259, %add3A_274 : vector<16xi1>, vector<16xi32>
      %swap3A_276 = arith.index_cast %scan3A_180 : i32 to index
      %swap3A_277 = arith.constant 48 : index
      %swap3A_278 = tpu.vector_load %arg8[%swap3A_276, %swap3A_277] {strides = array<i32>} : memref<64x128xi32, #tpu.memory_space<vmem>>, vector<1x16xi32>,
      %swap3A_279 = vector.shape_cast %swap3A_278 : vector<1x16xi32> to vector<16xi32>
      %swap3A_280 = vector.shape_cast %select_n3A_275 : vector<16xi32> to vector<1x16xi32>
      tpu.vector_store %arg8[%swap3A_276, %swap3A_277], %swap3A_280 {strides = array<i32>} : memref<64x128xi32, #tpu.memory_space<vmem>>, vector<1x16xi32>,
      %get3A_281 = arith.index_cast %scan3A_180 : i32 to index
      %get3A_282 = arith.constant 64 : index
      %get3A_283 = tpu.vector_load %arg6[%get3A_281, %get3A_282] {strides = array<i32>} : memref<64x128xi32, #tpu.memory_space<vmem>>, vector<1x16xi32>,
      %get3A_284 = vector.shape_cast %get3A_283 : vector<1x16xi32> to vector<16xi32>
      %sub3A_285 = vector.broadcast %mul3A_12 : i32 to vector<16xi32>
      %sub3A_286 = arith.subi %get3A_284, %sub3A_285 : vector<16xi32>
      %ge3A_287 = arith.constant 0 : i32
      %ge3A_288 = vector.broadcast %ge3A_287 : i32 to vector<16xi32>
      %ge3A_289 = arith.cmpi sge, %sub3A_286, %ge3A_288 : vector<16xi32>
      %lt3A_290 = arith.constant 1048576 : i32
      %lt3A_291 = vector.broadcast %lt3A_290 : i32 to vector<16xi32>
      %lt3A_292 = arith.cmpi slt, %sub3A_286, %lt3A_291 : vector<16xi32>
      %and3A_293 = arith.andi %ge3A_289, %lt3A_292 : vector<16xi1>
      %mul3A_294 = arith.constant 128 : i32
      %mul3A_295 = arith.muli %scan3A_180, %mul3A_294 : i32
      %add3A_296 = arith.addi %add3A_6, %mul3A_295 : i32
      %add3A_297 = arith.constant 64 : i32
      %add3A_298 = arith.addi %add3A_296, %add3A_297 : i32
      %iota3A_299 = tpu.iota {dimensions = array<i32: 0>} : vector<16xi32>
      %add3A_300 = vector.broadcast %add3A_298 : i32 to vector<16xi32>
      %add3A_301 = arith.addi %add3A_300, %iota3A_299 : vector<16xi32>
      %select_n3A_302 = arith.select %and3A_293, %sub3A_286, %add3A_301 : vector<16xi1>, vector<16xi32>
      %swap3A_303 = arith.index_cast %scan3A_180 : i32 to index
      %swap3A_304 = arith.constant 64 : index
      %swap3A_305 = tpu.vector_load %arg8[%swap3A_303, %swap3A_304] {strides = array<i32>} : memref<64x128xi32, #tpu.memory_space<vmem>>, vector<1x16xi32>,
      %swap3A_306 = vector.shape_cast %swap3A_305 : vector<1x16xi32> to vector<16xi32>
      %swap3A_307 = vector.shape_cast %select_n3A_302 : vector<16xi32> to vector<1x16xi32>
      tpu.vector_store %arg8[%swap3A_303, %swap3A_304], %swap3A_307 {strides = array<i32>} : memref<64x128xi32, #tpu.memory_space<vmem>>, vector<1x16xi32>,
      %get3A_308 = arith.index_cast %scan3A_180 : i32 to index
      %get3A_309 = arith.constant 80 : index
      %get3A_310 = tpu.vector_load %arg6[%get3A_308, %get3A_309] {strides = array<i32>} : memref<64x128xi32, #tpu.memory_space<vmem>>, vector<1x16xi32>,
      %get3A_311 = vector.shape_cast %get3A_310 : vector<1x16xi32> to vector<16xi32>
      %sub3A_312 = vector.broadcast %mul3A_12 : i32 to vector<16xi32>
      %sub3A_313 = arith.subi %get3A_311, %sub3A_312 : vector<16xi32>
      %ge3A_314 = arith.constant 0 : i32
      %ge3A_315 = vector.broadcast %ge3A_314 : i32 to vector<16xi32>
      %ge3A_316 = arith.cmpi sge, %sub3A_313, %ge3A_315 : vector<16xi32>
      %lt3A_317 = arith.constant 1048576 : i32
      %lt3A_318 = vector.broadcast %lt3A_317 : i32 to vector<16xi32>
      %lt3A_319 = arith.cmpi slt, %sub3A_313, %lt3A_318 : vector<16xi32>
      %and3A_320 = arith.andi %ge3A_316, %lt3A_319 : vector<16xi1>
      %mul3A_321 = arith.constant 128 : i32
      %mul3A_322 = arith.muli %scan3A_180, %mul3A_321 : i32
      %add3A_323 = arith.addi %add3A_6, %mul3A_322 : i32
      %add3A_324 = arith.constant 80 : i32
      %add3A_325 = arith.addi %add3A_323, %add3A_324 : i32
      %iota3A_326 = tpu.iota {dimensions = array<i32: 0>} : vector<16xi32>
      %add3A_327 = vector.broadcast %add3A_325 : i32 to vector<16xi32>
      %add3A_328 = arith.addi %add3A_327, %iota3A_326 : vector<16xi32>
      %select_n3A_329 = arith.select %and3A_320, %sub3A_313, %add3A_328 : vector<16xi1>, vector<16xi32>
      %swap3A_330 = arith.index_cast %scan3A_180 : i32 to index
      %swap3A_331 = arith.constant 80 : index
      %swap3A_332 = tpu.vector_load %arg8[%swap3A_330, %swap3A_331] {strides = array<i32>} : memref<64x128xi32, #tpu.memory_space<vmem>>, vector<1x16xi32>,
      %swap3A_333 = vector.shape_cast %swap3A_332 : vector<1x16xi32> to vector<16xi32>
      %swap3A_334 = vector.shape_cast %select_n3A_329 : vector<16xi32> to vector<1x16xi32>
      tpu.vector_store %arg8[%swap3A_330, %swap3A_331], %swap3A_334 {strides = array<i32>} : memref<64x128xi32, #tpu.memory_space<vmem>>, vector<1x16xi32>,
      %get3A_335 = arith.index_cast %scan3A_180 : i32 to index
      %get3A_336 = arith.constant 96 : index
      %get3A_337 = tpu.vector_load %arg6[%get3A_335, %get3A_336] {strides = array<i32>} : memref<64x128xi32, #tpu.memory_space<vmem>>, vector<1x16xi32>,
      %get3A_338 = vector.shape_cast %get3A_337 : vector<1x16xi32> to vector<16xi32>
      %sub3A_339 = vector.broadcast %mul3A_12 : i32 to vector<16xi32>
      %sub3A_340 = arith.subi %get3A_338, %sub3A_339 : vector<16xi32>
      %ge3A_341 = arith.constant 0 : i32
      %ge3A_342 = vector.broadcast %ge3A_341 : i32 to vector<16xi32>
      %ge3A_343 = arith.cmpi sge, %sub3A_340, %ge3A_342 : vector<16xi32>
      %lt3A_344 = arith.constant 1048576 : i32
      %lt3A_345 = vector.broadcast %lt3A_344 : i32 to vector<16xi32>
      %lt3A_346 = arith.cmpi slt, %sub3A_340, %lt3A_345 : vector<16xi32>
      %and3A_347 = arith.andi %ge3A_343, %lt3A_346 : vector<16xi1>
      %mul3A_348 = arith.constant 128 : i32
      %mul3A_349 = arith.muli %scan3A_180, %mul3A_348 : i32
      %add3A_350 = arith.addi %add3A_6, %mul3A_349 : i32
      %add3A_351 = arith.constant 96 : i32
      %add3A_352 = arith.addi %add3A_350, %add3A_351 : i32
      %iota3A_353 = tpu.iota {dimensions = array<i32: 0>} : vector<16xi32>
      %add3A_354 = vector.broadcast %add3A_352 : i32 to vector<16xi32>
      %add3A_355 = arith.addi %add3A_354, %iota3A_353 : vector<16xi32>
      %select_n3A_356 = arith.select %and3A_347, %sub3A_340, %add3A_355 : vector<16xi1>, vector<16xi32>
      %swap3A_357 = arith.index_cast %scan3A_180 : i32 to index
      %swap3A_358 = arith.constant 96 : index
      %swap3A_359 = tpu.vector_load %arg8[%swap3A_357, %swap3A_358] {strides = array<i32>} : memref<64x128xi32, #tpu.memory_space<vmem>>, vector<1x16xi32>,
      %swap3A_360 = vector.shape_cast %swap3A_359 : vector<1x16xi32> to vector<16xi32>
      %swap3A_361 = vector.shape_cast %select_n3A_356 : vector<16xi32> to vector<1x16xi32>
      tpu.vector_store %arg8[%swap3A_357, %swap3A_358], %swap3A_361 {strides = array<i32>} : memref<64x128xi32, #tpu.memory_space<vmem>>, vector<1x16xi32>,
      %get3A_362 = arith.index_cast %scan3A_180 : i32 to index
      %get3A_363 = arith.constant 112 : index
      %get3A_364 = tpu.vector_load %arg6[%get3A_362, %get3A_363] {strides = array<i32>} : memref<64x128xi32, #tpu.memory_space<vmem>>, vector<1x16xi32>,
      %get3A_365 = vector.shape_cast %get3A_364 : vector<1x16xi32> to vector<16xi32>
      %sub3A_366 = vector.broadcast %mul3A_12 : i32 to vector<16xi32>
      %sub3A_367 = arith.subi %get3A_365, %sub3A_366 : vector<16xi32>
      %ge3A_368 = arith.constant 0 : i32
      %ge3A_369 = vector.broadcast %ge3A_368 : i32 to vector<16xi32>
      %ge3A_370 = arith.cmpi sge, %sub3A_367, %ge3A_369 : vector<16xi32>
      %lt3A_371 = arith.constant 1048576 : i32
      %lt3A_372 = vector.broadcast %lt3A_371 : i32 to vector<16xi32>
      %lt3A_373 = arith.cmpi slt, %sub3A_367, %lt3A_372 : vector<16xi32>
      %and3A_374 = arith.andi %ge3A_370, %lt3A_373 : vector<16xi1>
      %mul3A_375 = arith.constant 128 : i32
      %mul3A_376 = arith.muli %scan3A_180, %mul3A_375 : i32
      %add3A_377 = arith.addi %add3A_6, %mul3A_376 : i32
      %add3A_378 = arith.constant 112 : i32
      %add3A_379 = arith.addi %add3A_377, %add3A_378 : i32
      %iota3A_380 = tpu.iota {dimensions = array<i32: 0>} : vector<16xi32>
      %add3A_381 = vector.broadcast %add3A_379 : i32 to vector<16xi32>
      %add3A_382 = arith.addi %add3A_381, %iota3A_380 : vector<16xi32>
      %select_n3A_383 = arith.select %and3A_374, %sub3A_367, %add3A_382 : vector<16xi1>, vector<16xi32>
      %swap3A_384 = arith.index_cast %scan3A_180 : i32 to index
      %swap3A_385 = arith.constant 112 : index
      %swap3A_386 = tpu.vector_load %arg8[%swap3A_384, %swap3A_385] {strides = array<i32>} : memref<64x128xi32, #tpu.memory_space<vmem>>, vector<1x16xi32>,
      %swap3A_387 = vector.shape_cast %swap3A_386 : vector<1x16xi32> to vector<16xi32>
      %swap3A_388 = vector.shape_cast %select_n3A_383 : vector<16xi32> to vector<1x16xi32>
      tpu.vector_store %arg8[%swap3A_384, %swap3A_385], %swap3A_388 {strides = array<i32>} : memref<64x128xi32, #tpu.memory_space<vmem>>, vector<1x16xi32>,
    }
    %scan3A_29 = arith.constant 64 : i32
    %mul3A_30 = arith.constant 65536 : i32
    %mul3A_31 = arith.muli %arg1, %mul3A_30 : i32
    %add3A_32 = arith.constant 0 : i32
    %add3A_33 = arith.addi %mul3A_31, %add3A_32 : i32
    %dma_wait3A = tpu.memref_slice %arg10[%add3A_33] : memref<1179648xf32, #tpu.memory_space<vmem_shared>> -> memref<32768xf32, #tpu.memory_space<vmem_shared>>
    %dma_wait3A_34 = tpu.memref_slice %arg10[%add3A_33] : memref<1179648xf32, #tpu.memory_space<vmem_shared>> -> memref<32768xf32, #tpu.memory_space<vmem_shared>>
    tpu.wait_dma2 semaphore(%arg12 : memref<!tpu.dma_semaphore, #tpu.memory_space<semaphore_mem>>) src(%arg9 : memref<32768xf32, #tpu.memory_space<vmem>>) dst(%dma_wait3A_34 : memref<32768xf32, #tpu.memory_space<vmem_shared>>)
    %mul3A_35 = arith.constant 65536 : i32
    %mul3A_36 = arith.muli %arg1, %mul3A_35 : i32
    %add3A_37 = arith.constant 32768 : i32
    %add3A_38 = arith.addi %mul3A_36, %add3A_37 : i32
    %dma_wait3A_39 = tpu.memref_slice %arg10[%add3A_38] : memref<1179648xf32, #tpu.memory_space<vmem_shared>> -> memref<32768xf32, #tpu.memory_space<vmem_shared>>
    %dma_wait3A_40 = tpu.memref_slice %arg10[%add3A_38] : memref<1179648xf32, #tpu.memory_space<vmem_shared>> -> memref<32768xf32, #tpu.memory_space<vmem_shared>>
    tpu.wait_dma2 semaphore(%arg12 : memref<!tpu.dma_semaphore, #tpu.memory_space<semaphore_mem>>) src(%arg9 : memref<32768xf32, #tpu.memory_space<vmem>>) dst(%dma_wait3A_40 : memref<32768xf32, #tpu.memory_space<vmem_shared>>)
    %barrier3A = arith.constant 0 : index
    tpu.barrier barrier_id(%barrier3A)
    %scan3A_41 = arith.constant 0 : i32
    %scan3A_42 = arith.constant 0 : i32
    %scan3A_43 = arith.constant 8 : i32
    %scan3A_44 = arith.addi %scan3A_42, %scan3A_43 : i32
    %scan3A_45 = arith.constant 1 : i32
    scf.for %scan3A_180 = %scan3A_42 to %scan3A_44 step %scan3A_45  : i32 {
      %mul3A_181 = arith.constant 8 : i32
      %mul3A_182 = arith.muli %scan3A_180, %mul3A_181 : i32
      %add3A_183 = arith.constant 0 : i32
      %add3A_184 = arith.addi %mul3A_182, %add3A_183 : i32
      %jit3A = arith.constant 32 : i32
      %div3A = arith.divsi %add3A_184, %jit3A : i32
      %sign3A = arith.constant 0 : i32
      %sign3A_185 = arith.cmpi sgt, %add3A_184, %sign3A : i32
      %sign3A_186 = arith.extui %sign3A_185 : i1 to i32
      %sign3A_187 = arith.constant 0 : i32
      %sign3A_188 = arith.cmpi slt, %add3A_184, %sign3A_187 : i32
      %sign3A_189 = arith.extui %sign3A_188 : i1 to i32
      %sign3A_190 = arith.subi %sign3A_186, %sign3A_189 : i32
      %sign3A_191 = arith.constant 0 : i32
      %sign3A_192 = arith.cmpi sgt, %jit3A, %sign3A_191 : i32
      %sign3A_193 = arith.extui %sign3A_192 : i1 to i32
      %sign3A_194 = arith.constant 0 : i32
      %sign3A_195 = arith.cmpi slt, %jit3A, %sign3A_194 : i32
      %sign3A_196 = arith.extui %sign3A_195 : i1 to i32
      %sign3A_197 = arith.subi %sign3A_193, %sign3A_196 : i32
      %ne3A = arith.cmpi ne, %sign3A_190, %sign3A_197 : i32
      %rem3A = arith.remsi %add3A_184, %jit3A : i32
      %ne3A_198 = arith.constant 0 : i32
      %ne3A_199 = arith.cmpi ne, %rem3A, %ne3A_198 : i32
      %and3A = arith.andi %ne3A, %ne3A_199 : i1
      %sub3A = arith.constant 1 : i32
      %sub3A_200 = arith.subi %div3A, %sub3A : i32
      %select_n3A = arith.select %and3A, %sub3A_200, %div3A : i32
      %mul3A_201 = arith.constant 32 : i32
      %mul3A_202 = arith.muli %mul3A_201, %select_n3A : i32
      %sub3A_203 = arith.subi %add3A_184, %mul3A_202 : i32
      %dma_start3A_204 = arith.constant 0 : i32
      %dma_start3A_205 = tpu.memref_slice %arg7[%sub3A_203, %dma_start3A_204] : memref<32x128xf32, #tpu.memory_space<vmem>> -> memref<1x128xf32, #tpu.memory_space<vmem>>
      %dma_start3A_206 = tpu.memref_squeeze %dma_start3A_205 : memref<1x128xf32, #tpu.memory_space<vmem>> -> memref<128xf32, #tpu.memory_space<vmem>>
      %dma_start3A_207 = arith.constant 0 : i32
      %dma_start3A_208 = tpu.memref_slice %arg8[%add3A_184, %dma_start3A_207] : memref<64x128xi32, #tpu.memory_space<vmem>> -> memref<1x128xi32, #tpu.memory_space<vmem>>
      %dma_start3A_209 = tpu.memref_squeeze %dma_start3A_208 : memref<1x128xi32, #tpu.memory_space<vmem>> -> memref<128xi32, #tpu.memory_space<vmem>>
      %dma_start3A_210 = arith.constant 0 : i32
      %dma_start3A_211 = tpu.memref_slice %arg10[%dma_start3A_210] : memref<1179648xf32, #tpu.memory_space<vmem_shared>> -> memref<1179648xf32, #tpu.memory_space<vmem_shared>>
      tpu.enqueue_indirect_dma source(%dma_start3A_206 : memref<128xf32, #tpu.memory_space<vmem>>) target(%dma_start3A_211 : memref<1179648xf32, #tpu.memory_space<vmem_shared>>) offsets(%dma_start3A_209 : memref<128xi32, #tpu.memory_space<vmem>>) semaphore(%arg11 : memref<!tpu.dma_semaphore, #tpu.memory_space<semaphore_mem>>)
      %mul3A_212 = arith.constant 8 : i32
      %mul3A_213 = arith.muli %scan3A_180, %mul3A_212 : i32
      %add3A_214 = arith.constant 1 : i32
      %add3A_215 = arith.addi %mul3A_213, %add3A_214 : i32
      %jit3A_216 = arith.constant 32 : i32
      %div3A_217 = arith.divsi %add3A_215, %jit3A_216 : i32
      %sign3A_218 = arith.constant 0 : i32
      %sign3A_219 = arith.cmpi sgt, %add3A_215, %sign3A_218 : i32
      %sign3A_220 = arith.extui %sign3A_219 : i1 to i32
      %sign3A_221 = arith.constant 0 : i32
      %sign3A_222 = arith.cmpi slt, %add3A_215, %sign3A_221 : i32
      %sign3A_223 = arith.extui %sign3A_222 : i1 to i32
      %sign3A_224 = arith.subi %sign3A_220, %sign3A_223 : i32
      %sign3A_225 = arith.constant 0 : i32
      %sign3A_226 = arith.cmpi sgt, %jit3A_216, %sign3A_225 : i32
      %sign3A_227 = arith.extui %sign3A_226 : i1 to i32
      %sign3A_228 = arith.constant 0 : i32
      %sign3A_229 = arith.cmpi slt, %jit3A_216, %sign3A_228 : i32
      %sign3A_230 = arith.extui %sign3A_229 : i1 to i32
      %sign3A_231 = arith.subi %sign3A_227, %sign3A_230 : i32
      %ne3A_232 = arith.cmpi ne, %sign3A_224, %sign3A_231 : i32
      %rem3A_233 = arith.remsi %add3A_215, %jit3A_216 : i32
      %ne3A_234 = arith.constant 0 : i32
      %ne3A_235 = arith.cmpi ne, %rem3A_233, %ne3A_234 : i32
      %and3A_236 = arith.andi %ne3A_232, %ne3A_235 : i1
      %sub3A_237 = arith.constant 1 : i32
      %sub3A_238 = arith.subi %div3A_217, %sub3A_237 : i32
      %select_n3A_239 = arith.select %and3A_236, %sub3A_238, %div3A_217 : i32
      %mul3A_240 = arith.constant 32 : i32
      %mul3A_241 = arith.muli %mul3A_240, %select_n3A_239 : i32
      %sub3A_242 = arith.subi %add3A_215, %mul3A_241 : i32
      %dma_start3A_243 = arith.constant 0 : i32
      %dma_start3A_244 = tpu.memref_slice %arg7[%sub3A_242, %dma_start3A_243] : memref<32x128xf32, #tpu.memory_space<vmem>> -> memref<1x128xf32, #tpu.memory_space<vmem>>
      %dma_start3A_245 = tpu.memref_squeeze %dma_start3A_244 : memref<1x128xf32, #tpu.memory_space<vmem>> -> memref<128xf32, #tpu.memory_space<vmem>>
      %dma_start3A_246 = arith.constant 0 : i32
      %dma_start3A_247 = tpu.memref_slice %arg8[%add3A_215, %dma_start3A_246] : memref<64x128xi32, #tpu.memory_space<vmem>> -> memref<1x128xi32, #tpu.memory_space<vmem>>
      %dma_start3A_248 = tpu.memref_squeeze %dma_start3A_247 : memref<1x128xi32, #tpu.memory_space<vmem>> -> memref<128xi32, #tpu.memory_space<vmem>>
      %dma_start3A_249 = arith.constant 0 : i32
      %dma_start3A_250 = tpu.memref_slice %arg10[%dma_start3A_249] : memref<1179648xf32, #tpu.memory_space<vmem_shared>> -> memref<1179648xf32, #tpu.memory_space<vmem_shared>>
      tpu.enqueue_indirect_dma source(%dma_start3A_245 : memref<128xf32, #tpu.memory_space<vmem>>) target(%dma_start3A_250 : memref<1179648xf32, #tpu.memory_space<vmem_shared>>) offsets(%dma_start3A_248 : memref<128xi32, #tpu.memory_space<vmem>>) semaphore(%arg11 : memref<!tpu.dma_semaphore, #tpu.memory_space<semaphore_mem>>)
      %mul3A_251 = arith.constant 8 : i32
      %mul3A_252 = arith.muli %scan3A_180, %mul3A_251 : i32
      %add3A_253 = arith.constant 2 : i32
      %add3A_254 = arith.addi %mul3A_252, %add3A_253 : i32
      %jit3A_255 = arith.constant 32 : i32
      %div3A_256 = arith.divsi %add3A_254, %jit3A_255 : i32
      %sign3A_257 = arith.constant 0 : i32
      %sign3A_258 = arith.cmpi sgt, %add3A_254, %sign3A_257 : i32
      %sign3A_259 = arith.extui %sign3A_258 : i1 to i32
      %sign3A_260 = arith.constant 0 : i32
      %sign3A_261 = arith.cmpi slt, %add3A_254, %sign3A_260 : i32
      %sign3A_262 = arith.extui %sign3A_261 : i1 to i32
      %sign3A_263 = arith.subi %sign3A_259, %sign3A_262 : i32
      %sign3A_264 = arith.constant 0 : i32
      %sign3A_265 = arith.cmpi sgt, %jit3A_255, %sign3A_264 : i32
      %sign3A_266 = arith.extui %sign3A_265 : i1 to i32
      %sign3A_267 = arith.constant 0 : i32
      %sign3A_268 = arith.cmpi slt, %jit3A_255, %sign3A_267 : i32
      %sign3A_269 = arith.extui %sign3A_268 : i1 to i32
      %sign3A_270 = arith.subi %sign3A_266, %sign3A_269 : i32
      %ne3A_271 = arith.cmpi ne, %sign3A_263, %sign3A_270 : i32
      %rem3A_272 = arith.remsi %add3A_254, %jit3A_255 : i32
      %ne3A_273 = arith.constant 0 : i32
      %ne3A_274 = arith.cmpi ne, %rem3A_272, %ne3A_273 : i32
      %and3A_275 = arith.andi %ne3A_271, %ne3A_274 : i1
      %sub3A_276 = arith.constant 1 : i32
      %sub3A_277 = arith.subi %div3A_256, %sub3A_276 : i32
      %select_n3A_278 = arith.select %and3A_275, %sub3A_277, %div3A_256 : i32
      %mul3A_279 = arith.constant 32 : i32
      %mul3A_280 = arith.muli %mul3A_279, %select_n3A_278 : i32
      %sub3A_281 = arith.subi %add3A_254, %mul3A_280 : i32
      %dma_start3A_282 = arith.constant 0 : i32
      %dma_start3A_283 = tpu.memref_slice %arg7[%sub3A_281, %dma_start3A_282] : memref<32x128xf32, #tpu.memory_space<vmem>> -> memref<1x128xf32, #tpu.memory_space<vmem>>
      %dma_start3A_284 = tpu.memref_squeeze %dma_start3A_283 : memref<1x128xf32, #tpu.memory_space<vmem>> -> memref<128xf32, #tpu.memory_space<vmem>>
      %dma_start3A_285 = arith.constant 0 : i32
      %dma_start3A_286 = tpu.memref_slice %arg8[%add3A_254, %dma_start3A_285] : memref<64x128xi32, #tpu.memory_space<vmem>> -> memref<1x128xi32, #tpu.memory_space<vmem>>
      %dma_start3A_287 = tpu.memref_squeeze %dma_start3A_286 : memref<1x128xi32, #tpu.memory_space<vmem>> -> memref<128xi32, #tpu.memory_space<vmem>>
      %dma_start3A_288 = arith.constant 0 : i32
      %dma_start3A_289 = tpu.memref_slice %arg10[%dma_start3A_288] : memref<1179648xf32, #tpu.memory_space<vmem_shared>> -> memref<1179648xf32, #tpu.memory_space<vmem_shared>>
      tpu.enqueue_indirect_dma source(%dma_start3A_284 : memref<128xf32, #tpu.memory_space<vmem>>) target(%dma_start3A_289 : memref<1179648xf32, #tpu.memory_space<vmem_shared>>) offsets(%dma_start3A_287 : memref<128xi32, #tpu.memory_space<vmem>>) semaphore(%arg11 : memref<!tpu.dma_semaphore, #tpu.memory_space<semaphore_mem>>)
      %mul3A_290 = arith.constant 8 : i32
      %mul3A_291 = arith.muli %scan3A_180, %mul3A_290 : i32
      %add3A_292 = arith.constant 3 : i32
      %add3A_293 = arith.addi %mul3A_291, %add3A_292 : i32
      %jit3A_294 = arith.constant 32 : i32
      %div3A_295 = arith.divsi %add3A_293, %jit3A_294 : i32
      %sign3A_296 = arith.constant 0 : i32
      %sign3A_297 = arith.cmpi sgt, %add3A_293, %sign3A_296 : i32
      %sign3A_298 = arith.extui %sign3A_297 : i1 to i32
      %sign3A_299 = arith.constant 0 : i32
      %sign3A_300 = arith.cmpi slt, %add3A_293, %sign3A_299 : i32
      %sign3A_301 = arith.extui %sign3A_300 : i1 to i32
      %sign3A_302 = arith.subi %sign3A_298, %sign3A_301 : i32
      %sign3A_303 = arith.constant 0 : i32
      %sign3A_304 = arith.cmpi sgt, %jit3A_294, %sign3A_303 : i32
      %sign3A_305 = arith.extui %sign3A_304 : i1 to i32
      %sign3A_306 = arith.constant 0 : i32
      %sign3A_307 = arith.cmpi slt, %jit3A_294, %sign3A_306 : i32
      %sign3A_308 = arith.extui %sign3A_307 : i1 to i32
      %sign3A_309 = arith.subi %sign3A_305, %sign3A_308 : i32
      %ne3A_310 = arith.cmpi ne, %sign3A_302, %sign3A_309 : i32
      %rem3A_311 = arith.remsi %add3A_293, %jit3A_294 : i32
      %ne3A_312 = arith.constant 0 : i32
      %ne3A_313 = arith.cmpi ne, %rem3A_311, %ne3A_312 : i32
      %and3A_314 = arith.andi %ne3A_310, %ne3A_313 : i1
      %sub3A_315 = arith.constant 1 : i32
      %sub3A_316 = arith.subi %div3A_295, %sub3A_315 : i32
      %select_n3A_317 = arith.select %and3A_314, %sub3A_316, %div3A_295 : i32
      %mul3A_318 = arith.constant 32 : i32
      %mul3A_319 = arith.muli %mul3A_318, %select_n3A_317 : i32
      %sub3A_320 = arith.subi %add3A_293, %mul3A_319 : i32
      %dma_start3A_321 = arith.constant 0 : i32
      %dma_start3A_322 = tpu.memref_slice %arg7[%sub3A_320, %dma_start3A_321] : memref<32x128xf32, #tpu.memory_space<vmem>> -> memref<1x128xf32, #tpu.memory_space<vmem>>
      %dma_start3A_323 = tpu.memref_squeeze %dma_start3A_322 : memref<1x128xf32, #tpu.memory_space<vmem>> -> memref<128xf32, #tpu.memory_space<vmem>>
      %dma_start3A_324 = arith.constant 0 : i32
      %dma_start3A_325 = tpu.memref_slice %arg8[%add3A_293, %dma_start3A_324] : memref<64x128xi32, #tpu.memory_space<vmem>> -> memref<1x128xi32, #tpu.memory_space<vmem>>
      %dma_start3A_326 = tpu.memref_squeeze %dma_start3A_325 : memref<1x128xi32, #tpu.memory_space<vmem>> -> memref<128xi32, #tpu.memory_space<vmem>>
      %dma_start3A_327 = arith.constant 0 : i32
      %dma_start3A_328 = tpu.memref_slice %arg10[%dma_start3A_327] : memref<1179648xf32, #tpu.memory_space<vmem_shared>> -> memref<1179648xf32, #tpu.memory_space<vmem_shared>>
      tpu.enqueue_indirect_dma source(%dma_start3A_323 : memref<128xf32, #tpu.memory_space<vmem>>) target(%dma_start3A_328 : memref<1179648xf32, #tpu.memory_space<vmem_shared>>) offsets(%dma_start3A_326 : memref<128xi32, #tpu.memory_space<vmem>>) semaphore(%arg11 : memref<!tpu.dma_semaphore, #tpu.memory_space<semaphore_mem>>)
      %mul3A_329 = arith.constant 8 : i32
      %mul3A_330 = arith.muli %scan3A_180, %mul3A_329 : i32
      %add3A_331 = arith.constant 4 : i32
      %add3A_332 = arith.addi %mul3A_330, %add3A_331 : i32
      %jit3A_333 = arith.constant 32 : i32
      %div3A_334 = arith.divsi %add3A_332, %jit3A_333 : i32
      %sign3A_335 = arith.constant 0 : i32
      %sign3A_336 = arith.cmpi sgt, %add3A_332, %sign3A_335 : i32
      %sign3A_337 = arith.extui %sign3A_336 : i1 to i32
      %sign3A_338 = arith.constant 0 : i32
      %sign3A_339 = arith.cmpi slt, %add3A_332, %sign3A_338 : i32
      %sign3A_340 = arith.extui %sign3A_339 : i1 to i32
      %sign3A_341 = arith.subi %sign3A_337, %sign3A_340 : i32
      %sign3A_342 = arith.constant 0 : i32
      %sign3A_343 = arith.cmpi sgt, %jit3A_333, %sign3A_342 : i32
      %sign3A_344 = arith.extui %sign3A_343 : i1 to i32
      %sign3A_345 = arith.constant 0 : i32
      %sign3A_346 = arith.cmpi slt, %jit3A_333, %sign3A_345 : i32
      %sign3A_347 = arith.extui %sign3A_346 : i1 to i32
      %sign3A_348 = arith.subi %sign3A_344, %sign3A_347 : i32
      %ne3A_349 = arith.cmpi ne, %sign3A_341, %sign3A_348 : i32
      %rem3A_350 = arith.remsi %add3A_332, %jit3A_333 : i32
      %ne3A_351 = arith.constant 0 : i32
      %ne3A_352 = arith.cmpi ne, %rem3A_350, %ne3A_351 : i32
      %and3A_353 = arith.andi %ne3A_349, %ne3A_352 : i1
      %sub3A_354 = arith.constant 1 : i32
      %sub3A_355 = arith.subi %div3A_334, %sub3A_354 : i32
      %select_n3A_356 = arith.select %and3A_353, %sub3A_355, %div3A_334 : i32
      %mul3A_357 = arith.constant 32 : i32
      %mul3A_358 = arith.muli %mul3A_357, %select_n3A_356 : i32
      %sub3A_359 = arith.subi %add3A_332, %mul3A_358 : i32
      %dma_start3A_360 = arith.constant 0 : i32
      %dma_start3A_361 = tpu.memref_slice %arg7[%sub3A_359, %dma_start3A_360] : memref<32x128xf32, #tpu.memory_space<vmem>> -> memref<1x128xf32, #tpu.memory_space<vmem>>
      %dma_start3A_362 = tpu.memref_squeeze %dma_start3A_361 : memref<1x128xf32, #tpu.memory_space<vmem>> -> memref<128xf32, #tpu.memory_space<vmem>>
      %dma_start3A_363 = arith.constant 0 : i32
      %dma_start3A_364 = tpu.memref_slice %arg8[%add3A_332, %dma_start3A_363] : memref<64x128xi32, #tpu.memory_space<vmem>> -> memref<1x128xi32, #tpu.memory_space<vmem>>
      %dma_start3A_365 = tpu.memref_squeeze %dma_start3A_364 : memref<1x128xi32, #tpu.memory_space<vmem>> -> memref<128xi32, #tpu.memory_space<vmem>>
      %dma_start3A_366 = arith.constant 0 : i32
      %dma_start3A_367 = tpu.memref_slice %arg10[%dma_start3A_366] : memref<1179648xf32, #tpu.memory_space<vmem_shared>> -> memref<1179648xf32, #tpu.memory_space<vmem_shared>>
      tpu.enqueue_indirect_dma source(%dma_start3A_362 : memref<128xf32, #tpu.memory_space<vmem>>) target(%dma_start3A_367 : memref<1179648xf32, #tpu.memory_space<vmem_shared>>) offsets(%dma_start3A_365 : memref<128xi32, #tpu.memory_space<vmem>>) semaphore(%arg11 : memref<!tpu.dma_semaphore, #tpu.memory_space<semaphore_mem>>)
      %mul3A_368 = arith.constant 8 : i32
      %mul3A_369 = arith.muli %scan3A_180, %mul3A_368 : i32
      %add3A_370 = arith.constant 5 : i32
      %add3A_371 = arith.addi %mul3A_369, %add3A_370 : i32
      %jit3A_372 = arith.constant 32 : i32
      %div3A_373 = arith.divsi %add3A_371, %jit3A_372 : i32
      %sign3A_374 = arith.constant 0 : i32
      %sign3A_375 = arith.cmpi sgt, %add3A_371, %sign3A_374 : i32
      %sign3A_376 = arith.extui %sign3A_375 : i1 to i32
      %sign3A_377 = arith.constant 0 : i32
      %sign3A_378 = arith.cmpi slt, %add3A_371, %sign3A_377 : i32
      %sign3A_379 = arith.extui %sign3A_378 : i1 to i32
      %sign3A_380 = arith.subi %sign3A_376, %sign3A_379 : i32
      %sign3A_381 = arith.constant 0 : i32
      %sign3A_382 = arith.cmpi sgt, %jit3A_372, %sign3A_381 : i32
      %sign3A_383 = arith.extui %sign3A_382 : i1 to i32
      %sign3A_384 = arith.constant 0 : i32
      %sign3A_385 = arith.cmpi slt, %jit3A_372, %sign3A_384 : i32
      %sign3A_386 = arith.extui %sign3A_385 : i1 to i32
      %sign3A_387 = arith.subi %sign3A_383, %sign3A_386 : i32
      %ne3A_388 = arith.cmpi ne, %sign3A_380, %sign3A_387 : i32
      %rem3A_389 = arith.remsi %add3A_371, %jit3A_372 : i32
      %ne3A_390 = arith.constant 0 : i32
      %ne3A_391 = arith.cmpi ne, %rem3A_389, %ne3A_390 : i32
      %and3A_392 = arith.andi %ne3A_388, %ne3A_391 : i1
      %sub3A_393 = arith.constant 1 : i32
      %sub3A_394 = arith.subi %div3A_373, %sub3A_393 : i32
      %select_n3A_395 = arith.select %and3A_392, %sub3A_394, %div3A_373 : i32
      %mul3A_396 = arith.constant 32 : i32
      %mul3A_397 = arith.muli %mul3A_396, %select_n3A_395 : i32
      %sub3A_398 = arith.subi %add3A_371, %mul3A_397 : i32
      %dma_start3A_399 = arith.constant 0 : i32
      %dma_start3A_400 = tpu.memref_slice %arg7[%sub3A_398, %dma_start3A_399] : memref<32x128xf32, #tpu.memory_space<vmem>> -> memref<1x128xf32, #tpu.memory_space<vmem>>
      %dma_start3A_401 = tpu.memref_squeeze %dma_start3A_400 : memref<1x128xf32, #tpu.memory_space<vmem>> -> memref<128xf32, #tpu.memory_space<vmem>>
      %dma_start3A_402 = arith.constant 0 : i32
      %dma_start3A_403 = tpu.memref_slice %arg8[%add3A_371, %dma_start3A_402] : memref<64x128xi32, #tpu.memory_space<vmem>> -> memref<1x128xi32, #tpu.memory_space<vmem>>
      %dma_start3A_404 = tpu.memref_squeeze %dma_start3A_403 : memref<1x128xi32, #tpu.memory_space<vmem>> -> memref<128xi32, #tpu.memory_space<vmem>>
      %dma_start3A_405 = arith.constant 0 : i32
      %dma_start3A_406 = tpu.memref_slice %arg10[%dma_start3A_405] : memref<1179648xf32, #tpu.memory_space<vmem_shared>> -> memref<1179648xf32, #tpu.memory_space<vmem_shared>>
      tpu.enqueue_indirect_dma source(%dma_start3A_401 : memref<128xf32, #tpu.memory_space<vmem>>) target(%dma_start3A_406 : memref<1179648xf32, #tpu.memory_space<vmem_shared>>) offsets(%dma_start3A_404 : memref<128xi32, #tpu.memory_space<vmem>>) semaphore(%arg11 : memref<!tpu.dma_semaphore, #tpu.memory_space<semaphore_mem>>)
      %mul3A_407 = arith.constant 8 : i32
      %mul3A_408 = arith.muli %scan3A_180, %mul3A_407 : i32
      %add3A_409 = arith.constant 6 : i32
      %add3A_410 = arith.addi %mul3A_408, %add3A_409 : i32
      %jit3A_411 = arith.constant 32 : i32
      %div3A_412 = arith.divsi %add3A_410, %jit3A_411 : i32
      %sign3A_413 = arith.constant 0 : i32
      %sign3A_414 = arith.cmpi sgt, %add3A_410, %sign3A_413 : i32
      %sign3A_415 = arith.extui %sign3A_414 : i1 to i32
      %sign3A_416 = arith.constant 0 : i32
      %sign3A_417 = arith.cmpi slt, %add3A_410, %sign3A_416 : i32
      %sign3A_418 = arith.extui %sign3A_417 : i1 to i32
      %sign3A_419 = arith.subi %sign3A_415, %sign3A_418 : i32
      %sign3A_420 = arith.constant 0 : i32
      %sign3A_421 = arith.cmpi sgt, %jit3A_411, %sign3A_420 : i32
      %sign3A_422 = arith.extui %sign3A_421 : i1 to i32
      %sign3A_423 = arith.constant 0 : i32
      %sign3A_424 = arith.cmpi slt, %jit3A_411, %sign3A_423 : i32
      %sign3A_425 = arith.extui %sign3A_424 : i1 to i32
      %sign3A_426 = arith.subi %sign3A_422, %sign3A_425 : i32
      %ne3A_427 = arith.cmpi ne, %sign3A_419, %sign3A_426 : i32
      %rem3A_428 = arith.remsi %add3A_410, %jit3A_411 : i32
      %ne3A_429 = arith.constant 0 : i32
      %ne3A_430 = arith.cmpi ne, %rem3A_428, %ne3A_429 : i32
      %and3A_431 = arith.andi %ne3A_427, %ne3A_430 : i1
      %sub3A_432 = arith.constant 1 : i32
      %sub3A_433 = arith.subi %div3A_412, %sub3A_432 : i32
      %select_n3A_434 = arith.select %and3A_431, %sub3A_433, %div3A_412 : i32
      %mul3A_435 = arith.constant 32 : i32
      %mul3A_436 = arith.muli %mul3A_435, %select_n3A_434 : i32
      %sub3A_437 = arith.subi %add3A_410, %mul3A_436 : i32
      %dma_start3A_438 = arith.constant 0 : i32
      %dma_start3A_439 = tpu.memref_slice %arg7[%sub3A_437, %dma_start3A_438] : memref<32x128xf32, #tpu.memory_space<vmem>> -> memref<1x128xf32, #tpu.memory_space<vmem>>
      %dma_start3A_440 = tpu.memref_squeeze %dma_start3A_439 : memref<1x128xf32, #tpu.memory_space<vmem>> -> memref<128xf32, #tpu.memory_space<vmem>>
      %dma_start3A_441 = arith.constant 0 : i32
      %dma_start3A_442 = tpu.memref_slice %arg8[%add3A_410, %dma_start3A_441] : memref<64x128xi32, #tpu.memory_space<vmem>> -> memref<1x128xi32, #tpu.memory_space<vmem>>
      %dma_start3A_443 = tpu.memref_squeeze %dma_start3A_442 : memref<1x128xi32, #tpu.memory_space<vmem>> -> memref<128xi32, #tpu.memory_space<vmem>>
      %dma_start3A_444 = arith.constant 0 : i32
      %dma_start3A_445 = tpu.memref_slice %arg10[%dma_start3A_444] : memref<1179648xf32, #tpu.memory_space<vmem_shared>> -> memref<1179648xf32, #tpu.memory_space<vmem_shared>>
      tpu.enqueue_indirect_dma source(%dma_start3A_440 : memref<128xf32, #tpu.memory_space<vmem>>) target(%dma_start3A_445 : memref<1179648xf32, #tpu.memory_space<vmem_shared>>) offsets(%dma_start3A_443 : memref<128xi32, #tpu.memory_space<vmem>>) semaphore(%arg11 : memref<!tpu.dma_semaphore, #tpu.memory_space<semaphore_mem>>)
      %mul3A_446 = arith.constant 8 : i32
      %mul3A_447 = arith.muli %scan3A_180, %mul3A_446 : i32
      %add3A_448 = arith.constant 7 : i32
      %add3A_449 = arith.addi %mul3A_447, %add3A_448 : i32
      %jit3A_450 = arith.constant 32 : i32
      %div3A_451 = arith.divsi %add3A_449, %jit3A_450 : i32
      %sign3A_452 = arith.constant 0 : i32
      %sign3A_453 = arith.cmpi sgt, %add3A_449, %sign3A_452 : i32
      %sign3A_454 = arith.extui %sign3A_453 : i1 to i32
      %sign3A_455 = arith.constant 0 : i32
      %sign3A_456 = arith.cmpi slt, %add3A_449, %sign3A_455 : i32
      %sign3A_457 = arith.extui %sign3A_456 : i1 to i32
      %sign3A_458 = arith.subi %sign3A_454, %sign3A_457 : i32
      %sign3A_459 = arith.constant 0 : i32
      %sign3A_460 = arith.cmpi sgt, %jit3A_450, %sign3A_459 : i32
      %sign3A_461 = arith.extui %sign3A_460 : i1 to i32
      %sign3A_462 = arith.constant 0 : i32
      %sign3A_463 = arith.cmpi slt, %jit3A_450, %sign3A_462 : i32
      %sign3A_464 = arith.extui %sign3A_463 : i1 to i32
      %sign3A_465 = arith.subi %sign3A_461, %sign3A_464 : i32
      %ne3A_466 = arith.cmpi ne, %sign3A_458, %sign3A_465 : i32
      %rem3A_467 = arith.remsi %add3A_449, %jit3A_450 : i32
      %ne3A_468 = arith.constant 0 : i32
      %ne3A_469 = arith.cmpi ne, %rem3A_467, %ne3A_468 : i32
      %and3A_470 = arith.andi %ne3A_466, %ne3A_469 : i1
      %sub3A_471 = arith.constant 1 : i32
      %sub3A_472 = arith.subi %div3A_451, %sub3A_471 : i32
      %select_n3A_473 = arith.select %and3A_470, %sub3A_472, %div3A_451 : i32
      %mul3A_474 = arith.constant 32 : i32
      %mul3A_475 = arith.muli %mul3A_474, %select_n3A_473 : i32
      %sub3A_476 = arith.subi %add3A_449, %mul3A_475 : i32
      %dma_start3A_477 = arith.constant 0 : i32
      %dma_start3A_478 = tpu.memref_slice %arg7[%sub3A_476, %dma_start3A_477] : memref<32x128xf32, #tpu.memory_space<vmem>> -> memref<1x128xf32, #tpu.memory_space<vmem>>
      %dma_start3A_479 = tpu.memref_squeeze %dma_start3A_478 : memref<1x128xf32, #tpu.memory_space<vmem>> -> memref<128xf32, #tpu.memory_space<vmem>>
      %dma_start3A_480 = arith.constant 0 : i32
      %dma_start3A_481 = tpu.memref_slice %arg8[%add3A_449, %dma_start3A_480] : memref<64x128xi32, #tpu.memory_space<vmem>> -> memref<1x128xi32, #tpu.memory_space<vmem>>
      %dma_start3A_482 = tpu.memref_squeeze %dma_start3A_481 : memref<1x128xi32, #tpu.memory_space<vmem>> -> memref<128xi32, #tpu.memory_space<vmem>>
      %dma_start3A_483 = arith.constant 0 : i32
      %dma_start3A_484 = tpu.memref_slice %arg10[%dma_start3A_483] : memref<1179648xf32, #tpu.memory_space<vmem_shared>> -> memref<1179648xf32, #tpu.memory_space<vmem_shared>>
      tpu.enqueue_indirect_dma source(%dma_start3A_479 : memref<128xf32, #tpu.memory_space<vmem>>) target(%dma_start3A_484 : memref<1179648xf32, #tpu.memory_space<vmem_shared>>) offsets(%dma_start3A_482 : memref<128xi32, #tpu.memory_space<vmem>>) semaphore(%arg11 : memref<!tpu.dma_semaphore, #tpu.memory_space<semaphore_mem>>)
      %dma_wait3A_485 = arith.constant 0 : i32
      %dma_wait3A_486 = tpu.memref_slice %arg7[%sub3A_203, %dma_wait3A_485] : memref<32x128xf32, #tpu.memory_space<vmem>> -> memref<1x128xf32, #tpu.memory_space<vmem>>
      %dma_wait3A_487 = tpu.memref_squeeze %dma_wait3A_486 : memref<1x128xf32, #tpu.memory_space<vmem>> -> memref<128xf32, #tpu.memory_space<vmem>>
      %dma_wait3A_488 = arith.constant 0 : i32
      %dma_wait3A_489 = tpu.memref_slice %arg8[%add3A_184, %dma_wait3A_488] : memref<64x128xi32, #tpu.memory_space<vmem>> -> memref<1x128xi32, #tpu.memory_space<vmem>>
      %dma_wait3A_490 = tpu.memref_squeeze %dma_wait3A_489 : memref<1x128xi32, #tpu.memory_space<vmem>> -> memref<128xi32, #tpu.memory_space<vmem>>
      %dma_wait3A_491 = arith.constant 0 : i32
      %dma_wait3A_492 = tpu.memref_slice %arg10[%dma_wait3A_491] : memref<1179648xf32, #tpu.memory_space<vmem_shared>> -> memref<1179648xf32, #tpu.memory_space<vmem_shared>>
      tpu.wait_indirect_dma semaphore(%arg11 : memref<!tpu.dma_semaphore, #tpu.memory_space<semaphore_mem>>) src(%dma_wait3A_487 : memref<128xf32, #tpu.memory_space<vmem>>) dst(%dma_wait3A_492 : memref<1179648xf32, #tpu.memory_space<vmem_shared>>)
      %dma_wait3A_493 = arith.constant 0 : i32
      %dma_wait3A_494 = tpu.memref_slice %arg7[%sub3A_242, %dma_wait3A_493] : memref<32x128xf32, #tpu.memory_space<vmem>> -> memref<1x128xf32, #tpu.memory_space<vmem>>
      %dma_wait3A_495 = tpu.memref_squeeze %dma_wait3A_494 : memref<1x128xf32, #tpu.memory_space<vmem>> -> memref<128xf32, #tpu.memory_space<vmem>>
      %dma_wait3A_496 = arith.constant 0 : i32
      %dma_wait3A_497 = tpu.memref_slice %arg8[%add3A_215, %dma_wait3A_496] : memref<64x128xi32, #tpu.memory_space<vmem>> -> memref<1x128xi32, #tpu.memory_space<vmem>>
      %dma_wait3A_498 = tpu.memref_squeeze %dma_wait3A_497 : memref<1x128xi32, #tpu.memory_space<vmem>> -> memref<128xi32, #tpu.memory_space<vmem>>
      %dma_wait3A_499 = arith.constant 0 : i32
      %dma_wait3A_500 = tpu.memref_slice %arg10[%dma_wait3A_499] : memref<1179648xf32, #tpu.memory_space<vmem_shared>> -> memref<1179648xf32, #tpu.memory_space<vmem_shared>>
      tpu.wait_indirect_dma semaphore(%arg11 : memref<!tpu.dma_semaphore, #tpu.memory_space<semaphore_mem>>) src(%dma_wait3A_495 : memref<128xf32, #tpu.memory_space<vmem>>) dst(%dma_wait3A_500 : memref<1179648xf32, #tpu.memory_space<vmem_shared>>)
      %dma_wait3A_501 = arith.constant 0 : i32
      %dma_wait3A_502 = tpu.memref_slice %arg7[%sub3A_281, %dma_wait3A_501] : memref<32x128xf32, #tpu.memory_space<vmem>> -> memref<1x128xf32, #tpu.memory_space<vmem>>
      %dma_wait3A_503 = tpu.memref_squeeze %dma_wait3A_502 : memref<1x128xf32, #tpu.memory_space<vmem>> -> memref<128xf32, #tpu.memory_space<vmem>>
      %dma_wait3A_504 = arith.constant 0 : i32
      %dma_wait3A_505 = tpu.memref_slice %arg8[%add3A_254, %dma_wait3A_504] : memref<64x128xi32, #tpu.memory_space<vmem>> -> memref<1x128xi32, #tpu.memory_space<vmem>>
      %dma_wait3A_506 = tpu.memref_squeeze %dma_wait3A_505 : memref<1x128xi32, #tpu.memory_space<vmem>> -> memref<128xi32, #tpu.memory_space<vmem>>
      %dma_wait3A_507 = arith.constant 0 : i32
      %dma_wait3A_508 = tpu.memref_slice %arg10[%dma_wait3A_507] : memref<1179648xf32, #tpu.memory_space<vmem_shared>> -> memref<1179648xf32, #tpu.memory_space<vmem_shared>>
      tpu.wait_indirect_dma semaphore(%arg11 : memref<!tpu.dma_semaphore, #tpu.memory_space<semaphore_mem>>) src(%dma_wait3A_503 : memref<128xf32, #tpu.memory_space<vmem>>) dst(%dma_wait3A_508 : memref<1179648xf32, #tpu.memory_space<vmem_shared>>)
      %dma_wait3A_509 = arith.constant 0 : i32
      %dma_wait3A_510 = tpu.memref_slice %arg7[%sub3A_320, %dma_wait3A_509] : memref<32x128xf32, #tpu.memory_space<vmem>> -> memref<1x128xf32, #tpu.memory_space<vmem>>
      %dma_wait3A_511 = tpu.memref_squeeze %dma_wait3A_510 : memref<1x128xf32, #tpu.memory_space<vmem>> -> memref<128xf32, #tpu.memory_space<vmem>>
      %dma_wait3A_512 = arith.constant 0 : i32
      %dma_wait3A_513 = tpu.memref_slice %arg8[%add3A_293, %dma_wait3A_512] : memref<64x128xi32, #tpu.memory_space<vmem>> -> memref<1x128xi32, #tpu.memory_space<vmem>>
      %dma_wait3A_514 = tpu.memref_squeeze %dma_wait3A_513 : memref<1x128xi32, #tpu.memory_space<vmem>> -> memref<128xi32, #tpu.memory_space<vmem>>
      %dma_wait3A_515 = arith.constant 0 : i32
      %dma_wait3A_516 = tpu.memref_slice %arg10[%dma_wait3A_515] : memref<1179648xf32, #tpu.memory_space<vmem_shared>> -> memref<1179648xf32, #tpu.memory_space<vmem_shared>>
      tpu.wait_indirect_dma semaphore(%arg11 : memref<!tpu.dma_semaphore, #tpu.memory_space<semaphore_mem>>) src(%dma_wait3A_511 : memref<128xf32, #tpu.memory_space<vmem>>) dst(%dma_wait3A_516 : memref<1179648xf32, #tpu.memory_space<vmem_shared>>)
      %dma_wait3A_517 = arith.constant 0 : i32
      %dma_wait3A_518 = tpu.memref_slice %arg7[%sub3A_359, %dma_wait3A_517] : memref<32x128xf32, #tpu.memory_space<vmem>> -> memref<1x128xf32, #tpu.memory_space<vmem>>
      %dma_wait3A_519 = tpu.memref_squeeze %dma_wait3A_518 : memref<1x128xf32, #tpu.memory_space<vmem>> -> memref<128xf32, #tpu.memory_space<vmem>>
      %dma_wait3A_520 = arith.constant 0 : i32
      %dma_wait3A_521 = tpu.memref_slice %arg8[%add3A_332, %dma_wait3A_520] : memref<64x128xi32, #tpu.memory_space<vmem>> -> memref<1x128xi32, #tpu.memory_space<vmem>>
      %dma_wait3A_522 = tpu.memref_squeeze %dma_wait3A_521 : memref<1x128xi32, #tpu.memory_space<vmem>> -> memref<128xi32, #tpu.memory_space<vmem>>
      %dma_wait3A_523 = arith.constant 0 : i32
      %dma_wait3A_524 = tpu.memref_slice %arg10[%dma_wait3A_523] : memref<1179648xf32, #tpu.memory_space<vmem_shared>> -> memref<1179648xf32, #tpu.memory_space<vmem_shared>>
      tpu.wait_indirect_dma semaphore(%arg11 : memref<!tpu.dma_semaphore, #tpu.memory_space<semaphore_mem>>) src(%dma_wait3A_519 : memref<128xf32, #tpu.memory_space<vmem>>) dst(%dma_wait3A_524 : memref<1179648xf32, #tpu.memory_space<vmem_shared>>)
      %dma_wait3A_525 = arith.constant 0 : i32
      %dma_wait3A_526 = tpu.memref_slice %arg7[%sub3A_398, %dma_wait3A_525] : memref<32x128xf32, #tpu.memory_space<vmem>> -> memref<1x128xf32, #tpu.memory_space<vmem>>
      %dma_wait3A_527 = tpu.memref_squeeze %dma_wait3A_526 : memref<1x128xf32, #tpu.memory_space<vmem>> -> memref<128xf32, #tpu.memory_space<vmem>>
      %dma_wait3A_528 = arith.constant 0 : i32
      %dma_wait3A_529 = tpu.memref_slice %arg8[%add3A_371, %dma_wait3A_528] : memref<64x128xi32, #tpu.memory_space<vmem>> -> memref<1x128xi32, #tpu.memory_space<vmem>>
      %dma_wait3A_530 = tpu.memref_squeeze %dma_wait3A_529 : memref<1x128xi32, #tpu.memory_space<vmem>> -> memref<128xi32, #tpu.memory_space<vmem>>
      %dma_wait3A_531 = arith.constant 0 : i32
      %dma_wait3A_532 = tpu.memref_slice %arg10[%dma_wait3A_531] : memref<1179648xf32, #tpu.memory_space<vmem_shared>> -> memref<1179648xf32, #tpu.memory_space<vmem_shared>>
      tpu.wait_indirect_dma semaphore(%arg11 : memref<!tpu.dma_semaphore, #tpu.memory_space<semaphore_mem>>) src(%dma_wait3A_527 : memref<128xf32, #tpu.memory_space<vmem>>) dst(%dma_wait3A_532 : memref<1179648xf32, #tpu.memory_space<vmem_shared>>)
      %dma_wait3A_533 = arith.constant 0 : i32
      %dma_wait3A_534 = tpu.memref_slice %arg7[%sub3A_437, %dma_wait3A_533] : memref<32x128xf32, #tpu.memory_space<vmem>> -> memref<1x128xf32, #tpu.memory_space<vmem>>
      %dma_wait3A_535 = tpu.memref_squeeze %dma_wait3A_534 : memref<1x128xf32, #tpu.memory_space<vmem>> -> memref<128xf32, #tpu.memory_space<vmem>>
      %dma_wait3A_536 = arith.constant 0 : i32
      %dma_wait3A_537 = tpu.memref_slice %arg8[%add3A_410, %dma_wait3A_536] : memref<64x128xi32, #tpu.memory_space<vmem>> -> memref<1x128xi32, #tpu.memory_space<vmem>>
      %dma_wait3A_538 = tpu.memref_squeeze %dma_wait3A_537 : memref<1x128xi32, #tpu.memory_space<vmem>> -> memref<128xi32, #tpu.memory_space<vmem>>
      %dma_wait3A_539 = arith.constant 0 : i32
      %dma_wait3A_540 = tpu.memref_slice %arg10[%dma_wait3A_539] : memref<1179648xf32, #tpu.memory_space<vmem_shared>> -> memref<1179648xf32, #tpu.memory_space<vmem_shared>>
      tpu.wait_indirect_dma semaphore(%arg11 : memref<!tpu.dma_semaphore, #tpu.memory_space<semaphore_mem>>) src(%dma_wait3A_535 : memref<128xf32, #tpu.memory_space<vmem>>) dst(%dma_wait3A_540 : memref<1179648xf32, #tpu.memory_space<vmem_shared>>)
      %dma_wait3A_541 = arith.constant 0 : i32
      %dma_wait3A_542 = tpu.memref_slice %arg7[%sub3A_476, %dma_wait3A_541] : memref<32x128xf32, #tpu.memory_space<vmem>> -> memref<1x128xf32, #tpu.memory_space<vmem>>
      %dma_wait3A_543 = tpu.memref_squeeze %dma_wait3A_542 : memref<1x128xf32, #tpu.memory_space<vmem>> -> memref<128xf32, #tpu.memory_space<vmem>>
      %dma_wait3A_544 = arith.constant 0 : i32
      %dma_wait3A_545 = tpu.memref_slice %arg8[%add3A_449, %dma_wait3A_544] : memref<64x128xi32, #tpu.memory_space<vmem>> -> memref<1x128xi32, #tpu.memory_space<vmem>>
      %dma_wait3A_546 = tpu.memref_squeeze %dma_wait3A_545 : memref<1x128xi32, #tpu.memory_space<vmem>> -> memref<128xi32, #tpu.memory_space<vmem>>
      %dma_wait3A_547 = arith.constant 0 : i32
      %dma_wait3A_548 = tpu.memref_slice %arg10[%dma_wait3A_547] : memref<1179648xf32, #tpu.memory_space<vmem_shared>> -> memref<1179648xf32, #tpu.memory_space<vmem_shared>>
      tpu.wait_indirect_dma semaphore(%arg11 : memref<!tpu.dma_semaphore, #tpu.memory_space<semaphore_mem>>) src(%dma_wait3A_543 : memref<128xf32, #tpu.memory_space<vmem>>) dst(%dma_wait3A_548 : memref<1179648xf32, #tpu.memory_space<vmem_shared>>)
    }
    %scan3A_46 = arith.constant 8 : i32
    %barrier3A_47 = arith.constant 0 : index
    tpu.barrier barrier_id(%barrier3A_47)
    %mul3A_48 = arith.constant 65536 : i32
    %mul3A_49 = arith.muli %arg1, %mul3A_48 : i32
    %add3A_50 = arith.constant 0 : i32
    %add3A_51 = arith.addi %mul3A_49, %add3A_50 : i32
    %mul3A_52 = arith.constant 65536 : i32
    %mul3A_53 = arith.muli %arg1, %mul3A_52 : i32
    %add3A_54 = arith.addi %mul3A_12, %mul3A_53 : i32
    %add3A_55 = arith.constant 0 : i32
    %add3A_56 = arith.addi %add3A_54, %add3A_55 : i32
    %dma_start3A_57 = tpu.memref_slice %arg5[%add3A_56] : memref<4194304xf32, #tpu.memory_space<hbm>> -> memref<32768xf32, #tpu.memory_space<hbm>>
    %dma_start3A_58 = tpu.memref_slice %arg10[%add3A_51] : memref<1179648xf32, #tpu.memory_space<vmem_shared>> -> memref<32768xf32, #tpu.memory_space<vmem_shared>>
    tpu.enqueue_dma source(%dma_start3A_58 : memref<32768xf32, #tpu.memory_space<vmem_shared>>) target(%dma_start3A_57 : memref<32768xf32, #tpu.memory_space<hbm>>) target_semaphore(%arg12 : memref<!tpu.dma_semaphore, #tpu.memory_space<semaphore_mem>>)
    %mul3A_59 = arith.constant 65536 : i32
    %mul3A_60 = arith.muli %arg1, %mul3A_59 : i32
    %add3A_61 = arith.constant 32768 : i32
    %add3A_62 = arith.addi %mul3A_60, %add3A_61 : i32
    %mul3A_63 = arith.constant 65536 : i32
    %mul3A_64 = arith.muli %arg1, %mul3A_63 : i32
    %add3A_65 = arith.addi %mul3A_12, %mul3A_64 : i32
    %add3A_66 = arith.constant 32768 : i32
    %add3A_67 = arith.addi %add3A_65, %add3A_66 : i32
    %dma_start3A_68 = tpu.memref_slice %arg5[%add3A_67] : memref<4194304xf32, #tpu.memory_space<hbm>> -> memref<32768xf32, #tpu.memory_space<hbm>>
    %dma_start3A_69 = tpu.memref_slice %arg10[%add3A_62] : memref<1179648xf32, #tpu.memory_space<vmem_shared>> -> memref<32768xf32, #tpu.memory_space<vmem_shared>>
    tpu.enqueue_dma source(%dma_start3A_69 : memref<32768xf32, #tpu.memory_space<vmem_shared>>) target(%dma_start3A_68 : memref<32768xf32, #tpu.memory_space<hbm>>) target_semaphore(%arg12 : memref<!tpu.dma_semaphore, #tpu.memory_space<semaphore_mem>>)
    %mul3A_70 = arith.constant 65536 : i32
    %mul3A_71 = arith.muli %arg1, %mul3A_70 : i32
    %add3A_72 = arith.constant 0 : i32
    %add3A_73 = arith.addi %mul3A_71, %add3A_72 : i32
    %mul3A_74 = arith.constant 65536 : i32
    %mul3A_75 = arith.muli %arg1, %mul3A_74 : i32
    %add3A_76 = arith.addi %mul3A_12, %mul3A_75 : i32
    %add3A_77 = arith.constant 0 : i32
    %add3A_78 = arith.addi %add3A_76, %add3A_77 : i32
    %dma_wait3A_79 = tpu.memref_slice %arg5[%add3A_78] : memref<4194304xf32, #tpu.memory_space<hbm>> -> memref<32768xf32, #tpu.memory_space<hbm>>
    %dma_wait3A_80 = tpu.memref_slice %arg10[%add3A_73] : memref<1179648xf32, #tpu.memory_space<vmem_shared>> -> memref<32768xf32, #tpu.memory_space<vmem_shared>>
    tpu.wait_dma2 semaphore(%arg12 : memref<!tpu.dma_semaphore, #tpu.memory_space<semaphore_mem>>) src(%dma_wait3A_80 : memref<32768xf32, #tpu.memory_space<vmem_shared>>) dst(%dma_wait3A_79 : memref<32768xf32, #tpu.memory_space<hbm>>)
    %mul3A_81 = arith.constant 65536 : i32
    %mul3A_82 = arith.muli %arg1, %mul3A_81 : i32
    %add3A_83 = arith.constant 32768 : i32
    %add3A_84 = arith.addi %mul3A_82, %add3A_83 : i32
    %mul3A_85 = arith.constant 65536 : i32
    %mul3A_86 = arith.muli %arg1, %mul3A_85 : i32
    %add3A_87 = arith.addi %mul3A_12, %mul3A_86 : i32
    %add3A_88 = arith.constant 32768 : i32
    %add3A_89 = arith.addi %add3A_87, %add3A_88 : i32
    %dma_wait3A_90 = tpu.memref_slice %arg5[%add3A_89] : memref<4194304xf32, #tpu.memory_space<hbm>> -> memref<32768xf32, #tpu.memory_space<hbm>>
    %dma_wait3A_91 = tpu.memref_slice %arg10[%add3A_84] : memref<1179648xf32, #tpu.memory_space<vmem_shared>> -> memref<32768xf32, #tpu.memory_space<vmem_shared>>
    tpu.wait_dma2 semaphore(%arg12 : memref<!tpu.dma_semaphore, #tpu.memory_space<semaphore_mem>>) src(%dma_wait3A_91 : memref<32768xf32, #tpu.memory_space<vmem_shared>>) dst(%dma_wait3A_90 : memref<32768xf32, #tpu.memory_space<hbm>>)
    %mul3A_92 = arith.constant 2 : i32
    %mul3A_93 = arith.muli %mul3A_92, %arg0 : i32
    %add3A_94 = arith.constant 1 : i32
    %add3A_95 = arith.addi %mul3A_93, %add3A_94 : i32
    %mul3A_96 = arith.constant 1048576 : i32
    %mul3A_97 = arith.muli %add3A_95, %mul3A_96 : i32
    %mul3A_98 = arith.constant 65536 : i32
    %mul3A_99 = arith.muli %arg1, %mul3A_98 : i32
    %add3A_100 = arith.constant 0 : i32
    %add3A_101 = arith.addi %mul3A_99, %add3A_100 : i32
    %dma_start3A_102 = tpu.memref_slice %arg10[%add3A_101] : memref<1179648xf32, #tpu.memory_space<vmem_shared>> -> memref<32768xf32, #tpu.memory_space<vmem_shared>>
    %dma_start3A_103 = tpu.memref_slice %arg10[%add3A_101] : memref<1179648xf32, #tpu.memory_space<vmem_shared>> -> memref<32768xf32, #tpu.memory_space<vmem_shared>>
    tpu.enqueue_dma source(%arg9 : memref<32768xf32, #tpu.memory_space<vmem>>) target(%dma_start3A_103 : memref<32768xf32, #tpu.memory_space<vmem_shared>>) target_semaphore(%arg12 : memref<!tpu.dma_semaphore, #tpu.memory_space<semaphore_mem>>)
    %mul3A_104 = arith.constant 65536 : i32
    %mul3A_105 = arith.muli %arg1, %mul3A_104 : i32
    %add3A_106 = arith.constant 32768 : i32
    %add3A_107 = arith.addi %mul3A_105, %add3A_106 : i32
    %dma_start3A_108 = tpu.memref_slice %arg10[%add3A_107] : memref<1179648xf32, #tpu.memory_space<vmem_shared>> -> memref<32768xf32, #tpu.memory_space<vmem_shared>>
    %dma_start3A_109 = tpu.memref_slice %arg10[%add3A_107] : memref<1179648xf32, #tpu.memory_space<vmem_shared>> -> memref<32768xf32, #tpu.memory_space<vmem_shared>>
    tpu.enqueue_dma source(%arg9 : memref<32768xf32, #tpu.memory_space<vmem>>) target(%dma_start3A_109 : memref<32768xf32, #tpu.memory_space<vmem_shared>>) target_semaphore(%arg12 : memref<!tpu.dma_semaphore, #tpu.memory_space<semaphore_mem>>)
    %scan3A_110 = arith.constant 0 : i32
    %scan3A_111 = arith.constant 0 : i32
    %scan3A_112 = arith.constant 64 : i32
    %scan3A_113 = arith.addi %scan3A_111, %scan3A_112 : i32
    %scan3A_114 = arith.constant 1 : i32
    scf.for %scan3A_180 = %scan3A_111 to %scan3A_113 step %scan3A_114  : i32 {
      %get3A = arith.index_cast %scan3A_180 : i32 to index
      %get3A_181 = arith.constant 0 : index
      %get3A_182 = tpu.vector_load %arg6[%get3A, %get3A_181] {strides = array<i32>} : memref<64x128xi32, #tpu.memory_space<vmem>>, vector<1x16xi32>,
      %get3A_183 = vector.shape_cast %get3A_182 : vector<1x16xi32> to vector<16xi32>
      %sub3A = vector.broadcast %mul3A_97 : i32 to vector<16xi32>
      %sub3A_184 = arith.subi %get3A_183, %sub3A : vector<16xi32>
      %ge3A = arith.constant 0 : i32
      %ge3A_185 = vector.broadcast %ge3A : i32 to vector<16xi32>
      %ge3A_186 = arith.cmpi sge, %sub3A_184, %ge3A_185 : vector<16xi32>
      %lt3A = arith.constant 1048576 : i32
      %lt3A_187 = vector.broadcast %lt3A : i32 to vector<16xi32>
      %lt3A_188 = arith.cmpi slt, %sub3A_184, %lt3A_187 : vector<16xi32>
      %and3A = arith.andi %ge3A_186, %lt3A_188 : vector<16xi1>
      %mul3A_189 = arith.constant 128 : i32
      %mul3A_190 = arith.muli %scan3A_180, %mul3A_189 : i32
      %add3A_191 = arith.addi %add3A_6, %mul3A_190 : i32
      %add3A_192 = arith.constant 0 : i32
      %add3A_193 = arith.addi %add3A_191, %add3A_192 : i32
      %iota3A = tpu.iota {dimensions = array<i32: 0>} : vector<16xi32>
      %add3A_194 = vector.broadcast %add3A_193 : i32 to vector<16xi32>
      %add3A_195 = arith.addi %add3A_194, %iota3A : vector<16xi32>
      %select_n3A = arith.select %and3A, %sub3A_184, %add3A_195 : vector<16xi1>, vector<16xi32>
      %swap3A = arith.index_cast %scan3A_180 : i32 to index
      %swap3A_196 = arith.constant 0 : index
      %swap3A_197 = tpu.vector_load %arg8[%swap3A, %swap3A_196] {strides = array<i32>} : memref<64x128xi32, #tpu.memory_space<vmem>>, vector<1x16xi32>,
      %swap3A_198 = vector.shape_cast %swap3A_197 : vector<1x16xi32> to vector<16xi32>
      %swap3A_199 = vector.shape_cast %select_n3A : vector<16xi32> to vector<1x16xi32>
      tpu.vector_store %arg8[%swap3A, %swap3A_196], %swap3A_199 {strides = array<i32>} : memref<64x128xi32, #tpu.memory_space<vmem>>, vector<1x16xi32>,
      %get3A_200 = arith.index_cast %scan3A_180 : i32 to index
      %get3A_201 = arith.constant 16 : index
      %get3A_202 = tpu.vector_load %arg6[%get3A_200, %get3A_201] {strides = array<i32>} : memref<64x128xi32, #tpu.memory_space<vmem>>, vector<1x16xi32>,
      %get3A_203 = vector.shape_cast %get3A_202 : vector<1x16xi32> to vector<16xi32>
      %sub3A_204 = vector.broadcast %mul3A_97 : i32 to vector<16xi32>
      %sub3A_205 = arith.subi %get3A_203, %sub3A_204 : vector<16xi32>
      %ge3A_206 = arith.constant 0 : i32
      %ge3A_207 = vector.broadcast %ge3A_206 : i32 to vector<16xi32>
      %ge3A_208 = arith.cmpi sge, %sub3A_205, %ge3A_207 : vector<16xi32>
      %lt3A_209 = arith.constant 1048576 : i32
      %lt3A_210 = vector.broadcast %lt3A_209 : i32 to vector<16xi32>
      %lt3A_211 = arith.cmpi slt, %sub3A_205, %lt3A_210 : vector<16xi32>
      %and3A_212 = arith.andi %ge3A_208, %lt3A_211 : vector<16xi1>
      %mul3A_213 = arith.constant 128 : i32
      %mul3A_214 = arith.muli %scan3A_180, %mul3A_213 : i32
      %add3A_215 = arith.addi %add3A_6, %mul3A_214 : i32
      %add3A_216 = arith.constant 16 : i32
      %add3A_217 = arith.addi %add3A_215, %add3A_216 : i32
      %iota3A_218 = tpu.iota {dimensions = array<i32: 0>} : vector<16xi32>
      %add3A_219 = vector.broadcast %add3A_217 : i32 to vector<16xi32>
      %add3A_220 = arith.addi %add3A_219, %iota3A_218 : vector<16xi32>
      %select_n3A_221 = arith.select %and3A_212, %sub3A_205, %add3A_220 : vector<16xi1>, vector<16xi32>
      %swap3A_222 = arith.index_cast %scan3A_180 : i32 to index
      %swap3A_223 = arith.constant 16 : index
      %swap3A_224 = tpu.vector_load %arg8[%swap3A_222, %swap3A_223] {strides = array<i32>} : memref<64x128xi32, #tpu.memory_space<vmem>>, vector<1x16xi32>,
      %swap3A_225 = vector.shape_cast %swap3A_224 : vector<1x16xi32> to vector<16xi32>
      %swap3A_226 = vector.shape_cast %select_n3A_221 : vector<16xi32> to vector<1x16xi32>
      tpu.vector_store %arg8[%swap3A_222, %swap3A_223], %swap3A_226 {strides = array<i32>} : memref<64x128xi32, #tpu.memory_space<vmem>>, vector<1x16xi32>,
      %get3A_227 = arith.index_cast %scan3A_180 : i32 to index
      %get3A_228 = arith.constant 32 : index
      %get3A_229 = tpu.vector_load %arg6[%get3A_227, %get3A_228] {strides = array<i32>} : memref<64x128xi32, #tpu.memory_space<vmem>>, vector<1x16xi32>,
      %get3A_230 = vector.shape_cast %get3A_229 : vector<1x16xi32> to vector<16xi32>
      %sub3A_231 = vector.broadcast %mul3A_97 : i32 to vector<16xi32>
      %sub3A_232 = arith.subi %get3A_230, %sub3A_231 : vector<16xi32>
      %ge3A_233 = arith.constant 0 : i32
      %ge3A_234 = vector.broadcast %ge3A_233 : i32 to vector<16xi32>
      %ge3A_235 = arith.cmpi sge, %sub3A_232, %ge3A_234 : vector<16xi32>
      %lt3A_236 = arith.constant 1048576 : i32
      %lt3A_237 = vector.broadcast %lt3A_236 : i32 to vector<16xi32>
      %lt3A_238 = arith.cmpi slt, %sub3A_232, %lt3A_237 : vector<16xi32>
      %and3A_239 = arith.andi %ge3A_235, %lt3A_238 : vector<16xi1>
      %mul3A_240 = arith.constant 128 : i32
      %mul3A_241 = arith.muli %scan3A_180, %mul3A_240 : i32
      %add3A_242 = arith.addi %add3A_6, %mul3A_241 : i32
      %add3A_243 = arith.constant 32 : i32
      %add3A_244 = arith.addi %add3A_242, %add3A_243 : i32
      %iota3A_245 = tpu.iota {dimensions = array<i32: 0>} : vector<16xi32>
      %add3A_246 = vector.broadcast %add3A_244 : i32 to vector<16xi32>
      %add3A_247 = arith.addi %add3A_246, %iota3A_245 : vector<16xi32>
      %select_n3A_248 = arith.select %and3A_239, %sub3A_232, %add3A_247 : vector<16xi1>, vector<16xi32>
      %swap3A_249 = arith.index_cast %scan3A_180 : i32 to index
      %swap3A_250 = arith.constant 32 : index
      %swap3A_251 = tpu.vector_load %arg8[%swap3A_249, %swap3A_250] {strides = array<i32>} : memref<64x128xi32, #tpu.memory_space<vmem>>, vector<1x16xi32>,
      %swap3A_252 = vector.shape_cast %swap3A_251 : vector<1x16xi32> to vector<16xi32>
      %swap3A_253 = vector.shape_cast %select_n3A_248 : vector<16xi32> to vector<1x16xi32>
      tpu.vector_store %arg8[%swap3A_249, %swap3A_250], %swap3A_253 {strides = array<i32>} : memref<64x128xi32, #tpu.memory_space<vmem>>, vector<1x16xi32>,
      %get3A_254 = arith.index_cast %scan3A_180 : i32 to index
      %get3A_255 = arith.constant 48 : index
      %get3A_256 = tpu.vector_load %arg6[%get3A_254, %get3A_255] {strides = array<i32>} : memref<64x128xi32, #tpu.memory_space<vmem>>, vector<1x16xi32>,
      %get3A_257 = vector.shape_cast %get3A_256 : vector<1x16xi32> to vector<16xi32>
      %sub3A_258 = vector.broadcast %mul3A_97 : i32 to vector<16xi32>
      %sub3A_259 = arith.subi %get3A_257, %sub3A_258 : vector<16xi32>
      %ge3A_260 = arith.constant 0 : i32
      %ge3A_261 = vector.broadcast %ge3A_260 : i32 to vector<16xi32>
      %ge3A_262 = arith.cmpi sge, %sub3A_259, %ge3A_261 : vector<16xi32>
      %lt3A_263 = arith.constant 1048576 : i32
      %lt3A_264 = vector.broadcast %lt3A_263 : i32 to vector<16xi32>
      %lt3A_265 = arith.cmpi slt, %sub3A_259, %lt3A_264 : vector<16xi32>
      %and3A_266 = arith.andi %ge3A_262, %lt3A_265 : vector<16xi1>
      %mul3A_267 = arith.constant 128 : i32
      %mul3A_268 = arith.muli %scan3A_180, %mul3A_267 : i32
      %add3A_269 = arith.addi %add3A_6, %mul3A_268 : i32
      %add3A_270 = arith.constant 48 : i32
      %add3A_271 = arith.addi %add3A_269, %add3A_270 : i32
      %iota3A_272 = tpu.iota {dimensions = array<i32: 0>} : vector<16xi32>
      %add3A_273 = vector.broadcast %add3A_271 : i32 to vector<16xi32>
      %add3A_274 = arith.addi %add3A_273, %iota3A_272 : vector<16xi32>
      %select_n3A_275 = arith.select %and3A_266, %sub3A_259, %add3A_274 : vector<16xi1>, vector<16xi32>
      %swap3A_276 = arith.index_cast %scan3A_180 : i32 to index
      %swap3A_277 = arith.constant 48 : index
      %swap3A_278 = tpu.vector_load %arg8[%swap3A_276, %swap3A_277] {strides = array<i32>} : memref<64x128xi32, #tpu.memory_space<vmem>>, vector<1x16xi32>,
      %swap3A_279 = vector.shape_cast %swap3A_278 : vector<1x16xi32> to vector<16xi32>
      %swap3A_280 = vector.shape_cast %select_n3A_275 : vector<16xi32> to vector<1x16xi32>
      tpu.vector_store %arg8[%swap3A_276, %swap3A_277], %swap3A_280 {strides = array<i32>} : memref<64x128xi32, #tpu.memory_space<vmem>>, vector<1x16xi32>,
      %get3A_281 = arith.index_cast %scan3A_180 : i32 to index
      %get3A_282 = arith.constant 64 : index
      %get3A_283 = tpu.vector_load %arg6[%get3A_281, %get3A_282] {strides = array<i32>} : memref<64x128xi32, #tpu.memory_space<vmem>>, vector<1x16xi32>,
      %get3A_284 = vector.shape_cast %get3A_283 : vector<1x16xi32> to vector<16xi32>
      %sub3A_285 = vector.broadcast %mul3A_97 : i32 to vector<16xi32>
      %sub3A_286 = arith.subi %get3A_284, %sub3A_285 : vector<16xi32>
      %ge3A_287 = arith.constant 0 : i32
      %ge3A_288 = vector.broadcast %ge3A_287 : i32 to vector<16xi32>
      %ge3A_289 = arith.cmpi sge, %sub3A_286, %ge3A_288 : vector<16xi32>
      %lt3A_290 = arith.constant 1048576 : i32
      %lt3A_291 = vector.broadcast %lt3A_290 : i32 to vector<16xi32>
      %lt3A_292 = arith.cmpi slt, %sub3A_286, %lt3A_291 : vector<16xi32>
      %and3A_293 = arith.andi %ge3A_289, %lt3A_292 : vector<16xi1>
      %mul3A_294 = arith.constant 128 : i32
      %mul3A_295 = arith.muli %scan3A_180, %mul3A_294 : i32
      %add3A_296 = arith.addi %add3A_6, %mul3A_295 : i32
      %add3A_297 = arith.constant 64 : i32
      %add3A_298 = arith.addi %add3A_296, %add3A_297 : i32
      %iota3A_299 = tpu.iota {dimensions = array<i32: 0>} : vector<16xi32>
      %add3A_300 = vector.broadcast %add3A_298 : i32 to vector<16xi32>
      %add3A_301 = arith.addi %add3A_300, %iota3A_299 : vector<16xi32>
      %select_n3A_302 = arith.select %and3A_293, %sub3A_286, %add3A_301 : vector<16xi1>, vector<16xi32>
      %swap3A_303 = arith.index_cast %scan3A_180 : i32 to index
      %swap3A_304 = arith.constant 64 : index
      %swap3A_305 = tpu.vector_load %arg8[%swap3A_303, %swap3A_304] {strides = array<i32>} : memref<64x128xi32, #tpu.memory_space<vmem>>, vector<1x16xi32>,
      %swap3A_306 = vector.shape_cast %swap3A_305 : vector<1x16xi32> to vector<16xi32>
      %swap3A_307 = vector.shape_cast %select_n3A_302 : vector<16xi32> to vector<1x16xi32>
      tpu.vector_store %arg8[%swap3A_303, %swap3A_304], %swap3A_307 {strides = array<i32>} : memref<64x128xi32, #tpu.memory_space<vmem>>, vector<1x16xi32>,
      %get3A_308 = arith.index_cast %scan3A_180 : i32 to index
      %get3A_309 = arith.constant 80 : index
      %get3A_310 = tpu.vector_load %arg6[%get3A_308, %get3A_309] {strides = array<i32>} : memref<64x128xi32, #tpu.memory_space<vmem>>, vector<1x16xi32>,
      %get3A_311 = vector.shape_cast %get3A_310 : vector<1x16xi32> to vector<16xi32>
      %sub3A_312 = vector.broadcast %mul3A_97 : i32 to vector<16xi32>
      %sub3A_313 = arith.subi %get3A_311, %sub3A_312 : vector<16xi32>
      %ge3A_314 = arith.constant 0 : i32
      %ge3A_315 = vector.broadcast %ge3A_314 : i32 to vector<16xi32>
      %ge3A_316 = arith.cmpi sge, %sub3A_313, %ge3A_315 : vector<16xi32>
      %lt3A_317 = arith.constant 1048576 : i32
      %lt3A_318 = vector.broadcast %lt3A_317 : i32 to vector<16xi32>
      %lt3A_319 = arith.cmpi slt, %sub3A_313, %lt3A_318 : vector<16xi32>
      %and3A_320 = arith.andi %ge3A_316, %lt3A_319 : vector<16xi1>
      %mul3A_321 = arith.constant 128 : i32
      %mul3A_322 = arith.muli %scan3A_180, %mul3A_321 : i32
      %add3A_323 = arith.addi %add3A_6, %mul3A_322 : i32
      %add3A_324 = arith.constant 80 : i32
      %add3A_325 = arith.addi %add3A_323, %add3A_324 : i32
      %iota3A_326 = tpu.iota {dimensions = array<i32: 0>} : vector<16xi32>
      %add3A_327 = vector.broadcast %add3A_325 : i32 to vector<16xi32>
      %add3A_328 = arith.addi %add3A_327, %iota3A_326 : vector<16xi32>
      %select_n3A_329 = arith.select %and3A_320, %sub3A_313, %add3A_328 : vector<16xi1>, vector<16xi32>
      %swap3A_330 = arith.index_cast %scan3A_180 : i32 to index
      %swap3A_331 = arith.constant 80 : index
      %swap3A_332 = tpu.vector_load %arg8[%swap3A_330, %swap3A_331] {strides = array<i32>} : memref<64x128xi32, #tpu.memory_space<vmem>>, vector<1x16xi32>,
      %swap3A_333 = vector.shape_cast %swap3A_332 : vector<1x16xi32> to vector<16xi32>
      %swap3A_334 = vector.shape_cast %select_n3A_329 : vector<16xi32> to vector<1x16xi32>
      tpu.vector_store %arg8[%swap3A_330, %swap3A_331], %swap3A_334 {strides = array<i32>} : memref<64x128xi32, #tpu.memory_space<vmem>>, vector<1x16xi32>,
      %get3A_335 = arith.index_cast %scan3A_180 : i32 to index
      %get3A_336 = arith.constant 96 : index
      %get3A_337 = tpu.vector_load %arg6[%get3A_335, %get3A_336] {strides = array<i32>} : memref<64x128xi32, #tpu.memory_space<vmem>>, vector<1x16xi32>,
      %get3A_338 = vector.shape_cast %get3A_337 : vector<1x16xi32> to vector<16xi32>
      %sub3A_339 = vector.broadcast %mul3A_97 : i32 to vector<16xi32>
      %sub3A_340 = arith.subi %get3A_338, %sub3A_339 : vector<16xi32>
      %ge3A_341 = arith.constant 0 : i32
      %ge3A_342 = vector.broadcast %ge3A_341 : i32 to vector<16xi32>
      %ge3A_343 = arith.cmpi sge, %sub3A_340, %ge3A_342 : vector<16xi32>
      %lt3A_344 = arith.constant 1048576 : i32
      %lt3A_345 = vector.broadcast %lt3A_344 : i32 to vector<16xi32>
      %lt3A_346 = arith.cmpi slt, %sub3A_340, %lt3A_345 : vector<16xi32>
      %and3A_347 = arith.andi %ge3A_343, %lt3A_346 : vector<16xi1>
      %mul3A_348 = arith.constant 128 : i32
      %mul3A_349 = arith.muli %scan3A_180, %mul3A_348 : i32
      %add3A_350 = arith.addi %add3A_6, %mul3A_349 : i32
      %add3A_351 = arith.constant 96 : i32
      %add3A_352 = arith.addi %add3A_350, %add3A_351 : i32
      %iota3A_353 = tpu.iota {dimensions = array<i32: 0>} : vector<16xi32>
      %add3A_354 = vector.broadcast %add3A_352 : i32 to vector<16xi32>
      %add3A_355 = arith.addi %add3A_354, %iota3A_353 : vector<16xi32>
      %select_n3A_356 = arith.select %and3A_347, %sub3A_340, %add3A_355 : vector<16xi1>, vector<16xi32>
      %swap3A_357 = arith.index_cast %scan3A_180 : i32 to index
      %swap3A_358 = arith.constant 96 : index
      %swap3A_359 = tpu.vector_load %arg8[%swap3A_357, %swap3A_358] {strides = array<i32>} : memref<64x128xi32, #tpu.memory_space<vmem>>, vector<1x16xi32>,
      %swap3A_360 = vector.shape_cast %swap3A_359 : vector<1x16xi32> to vector<16xi32>
      %swap3A_361 = vector.shape_cast %select_n3A_356 : vector<16xi32> to vector<1x16xi32>
      tpu.vector_store %arg8[%swap3A_357, %swap3A_358], %swap3A_361 {strides = array<i32>} : memref<64x128xi32, #tpu.memory_space<vmem>>, vector<1x16xi32>,
      %get3A_362 = arith.index_cast %scan3A_180 : i32 to index
      %get3A_363 = arith.constant 112 : index
      %get3A_364 = tpu.vector_load %arg6[%get3A_362, %get3A_363] {strides = array<i32>} : memref<64x128xi32, #tpu.memory_space<vmem>>, vector<1x16xi32>,
      %get3A_365 = vector.shape_cast %get3A_364 : vector<1x16xi32> to vector<16xi32>
      %sub3A_366 = vector.broadcast %mul3A_97 : i32 to vector<16xi32>
      %sub3A_367 = arith.subi %get3A_365, %sub3A_366 : vector<16xi32>
      %ge3A_368 = arith.constant 0 : i32
      %ge3A_369 = vector.broadcast %ge3A_368 : i32 to vector<16xi32>
      %ge3A_370 = arith.cmpi sge, %sub3A_367, %ge3A_369 : vector<16xi32>
      %lt3A_371 = arith.constant 1048576 : i32
      %lt3A_372 = vector.broadcast %lt3A_371 : i32 to vector<16xi32>
      %lt3A_373 = arith.cmpi slt, %sub3A_367, %lt3A_372 : vector<16xi32>
      %and3A_374 = arith.andi %ge3A_370, %lt3A_373 : vector<16xi1>
      %mul3A_375 = arith.constant 128 : i32
      %mul3A_376 = arith.muli %scan3A_180, %mul3A_375 : i32
      %add3A_377 = arith.addi %add3A_6, %mul3A_376 : i32
      %add3A_378 = arith.constant 112 : i32
      %add3A_379 = arith.addi %add3A_377, %add3A_378 : i32
      %iota3A_380 = tpu.iota {dimensions = array<i32: 0>} : vector<16xi32>
      %add3A_381 = vector.broadcast %add3A_379 : i32 to vector<16xi32>
      %add3A_382 = arith.addi %add3A_381, %iota3A_380 : vector<16xi32>
      %select_n3A_383 = arith.select %and3A_374, %sub3A_367, %add3A_382 : vector<16xi1>, vector<16xi32>
      %swap3A_384 = arith.index_cast %scan3A_180 : i32 to index
      %swap3A_385 = arith.constant 112 : index
      %swap3A_386 = tpu.vector_load %arg8[%swap3A_384, %swap3A_385] {strides = array<i32>} : memref<64x128xi32, #tpu.memory_space<vmem>>, vector<1x16xi32>,
      %swap3A_387 = vector.shape_cast %swap3A_386 : vector<1x16xi32> to vector<16xi32>
      %swap3A_388 = vector.shape_cast %select_n3A_383 : vector<16xi32> to vector<1x16xi32>
      tpu.vector_store %arg8[%swap3A_384, %swap3A_385], %swap3A_388 {strides = array<i32>} : memref<64x128xi32, #tpu.memory_space<vmem>>, vector<1x16xi32>,
    }
    %scan3A_115 = arith.constant 64 : i32
    %mul3A_116 = arith.constant 65536 : i32
    %mul3A_117 = arith.muli %arg1, %mul3A_116 : i32
    %add3A_118 = arith.constant 0 : i32
    %add3A_119 = arith.addi %mul3A_117, %add3A_118 : i32
    %dma_wait3A_120 = tpu.memref_slice %arg10[%add3A_119] : memref<1179648xf32, #tpu.memory_space<vmem_shared>> -> memref<32768xf32, #tpu.memory_space<vmem_shared>>
    %dma_wait3A_121 = tpu.memref_slice %arg10[%add3A_119] : memref<1179648xf32, #tpu.memory_space<vmem_shared>> -> memref<32768xf32, #tpu.memory_space<vmem_shared>>
    tpu.wait_dma2 semaphore(%arg12 : memref<!tpu.dma_semaphore, #tpu.memory_space<semaphore_mem>>) src(%arg9 : memref<32768xf32, #tpu.memory_space<vmem>>) dst(%dma_wait3A_121 : memref<32768xf32, #tpu.memory_space<vmem_shared>>)
    %mul3A_122 = arith.constant 65536 : i32
    %mul3A_123 = arith.muli %arg1, %mul3A_122 : i32
    %add3A_124 = arith.constant 32768 : i32
    %add3A_125 = arith.addi %mul3A_123, %add3A_124 : i32
    %dma_wait3A_126 = tpu.memref_slice %arg10[%add3A_125] : memref<1179648xf32, #tpu.memory_space<vmem_shared>> -> memref<32768xf32, #tpu.memory_space<vmem_shared>>
    %dma_wait3A_127 = tpu.memref_slice %arg10[%add3A_125] : memref<1179648xf32, #tpu.memory_space<vmem_shared>> -> memref<32768xf32, #tpu.memory_space<vmem_shared>>
    tpu.wait_dma2 semaphore(%arg12 : memref<!tpu.dma_semaphore, #tpu.memory_space<semaphore_mem>>) src(%arg9 : memref<32768xf32, #tpu.memory_space<vmem>>) dst(%dma_wait3A_127 : memref<32768xf32, #tpu.memory_space<vmem_shared>>)
    %barrier3A_128 = arith.constant 0 : index
    tpu.barrier barrier_id(%barrier3A_128)
    %scan3A_129 = arith.constant 0 : i32
    %scan3A_130 = arith.constant 0 : i32
    %scan3A_131 = arith.constant 8 : i32
    %scan3A_132 = arith.addi %scan3A_130, %scan3A_131 : i32
    %scan3A_133 = arith.constant 1 : i32
    scf.for %scan3A_180 = %scan3A_130 to %scan3A_132 step %scan3A_133  : i32 {
      %mul3A_181 = arith.constant 8 : i32
      %mul3A_182 = arith.muli %scan3A_180, %mul3A_181 : i32
      %add3A_183 = arith.constant 0 : i32
      %add3A_184 = arith.addi %mul3A_182, %add3A_183 : i32
      %jit3A = arith.constant 32 : i32
      %div3A = arith.divsi %add3A_184, %jit3A : i32
      %sign3A = arith.constant 0 : i32
      %sign3A_185 = arith.cmpi sgt, %add3A_184, %sign3A : i32
      %sign3A_186 = arith.extui %sign3A_185 : i1 to i32
      %sign3A_187 = arith.constant 0 : i32
      %sign3A_188 = arith.cmpi slt, %add3A_184, %sign3A_187 : i32
      %sign3A_189 = arith.extui %sign3A_188 : i1 to i32
      %sign3A_190 = arith.subi %sign3A_186, %sign3A_189 : i32
      %sign3A_191 = arith.constant 0 : i32
      %sign3A_192 = arith.cmpi sgt, %jit3A, %sign3A_191 : i32
      %sign3A_193 = arith.extui %sign3A_192 : i1 to i32
      %sign3A_194 = arith.constant 0 : i32
      %sign3A_195 = arith.cmpi slt, %jit3A, %sign3A_194 : i32
      %sign3A_196 = arith.extui %sign3A_195 : i1 to i32
      %sign3A_197 = arith.subi %sign3A_193, %sign3A_196 : i32
      %ne3A = arith.cmpi ne, %sign3A_190, %sign3A_197 : i32
      %rem3A = arith.remsi %add3A_184, %jit3A : i32
      %ne3A_198 = arith.constant 0 : i32
      %ne3A_199 = arith.cmpi ne, %rem3A, %ne3A_198 : i32
      %and3A = arith.andi %ne3A, %ne3A_199 : i1
      %sub3A = arith.constant 1 : i32
      %sub3A_200 = arith.subi %div3A, %sub3A : i32
      %select_n3A = arith.select %and3A, %sub3A_200, %div3A : i32
      %mul3A_201 = arith.constant 32 : i32
      %mul3A_202 = arith.muli %mul3A_201, %select_n3A : i32
      %sub3A_203 = arith.subi %add3A_184, %mul3A_202 : i32
      %dma_start3A_204 = arith.constant 0 : i32
      %dma_start3A_205 = tpu.memref_slice %arg7[%sub3A_203, %dma_start3A_204] : memref<32x128xf32, #tpu.memory_space<vmem>> -> memref<1x128xf32, #tpu.memory_space<vmem>>
      %dma_start3A_206 = tpu.memref_squeeze %dma_start3A_205 : memref<1x128xf32, #tpu.memory_space<vmem>> -> memref<128xf32, #tpu.memory_space<vmem>>
      %dma_start3A_207 = arith.constant 0 : i32
      %dma_start3A_208 = tpu.memref_slice %arg8[%add3A_184, %dma_start3A_207] : memref<64x128xi32, #tpu.memory_space<vmem>> -> memref<1x128xi32, #tpu.memory_space<vmem>>
      %dma_start3A_209 = tpu.memref_squeeze %dma_start3A_208 : memref<1x128xi32, #tpu.memory_space<vmem>> -> memref<128xi32, #tpu.memory_space<vmem>>
      %dma_start3A_210 = arith.constant 0 : i32
      %dma_start3A_211 = tpu.memref_slice %arg10[%dma_start3A_210] : memref<1179648xf32, #tpu.memory_space<vmem_shared>> -> memref<1179648xf32, #tpu.memory_space<vmem_shared>>
      tpu.enqueue_indirect_dma source(%dma_start3A_206 : memref<128xf32, #tpu.memory_space<vmem>>) target(%dma_start3A_211 : memref<1179648xf32, #tpu.memory_space<vmem_shared>>) offsets(%dma_start3A_209 : memref<128xi32, #tpu.memory_space<vmem>>) semaphore(%arg11 : memref<!tpu.dma_semaphore, #tpu.memory_space<semaphore_mem>>)
      %mul3A_212 = arith.constant 8 : i32
      %mul3A_213 = arith.muli %scan3A_180, %mul3A_212 : i32
      %add3A_214 = arith.constant 1 : i32
      %add3A_215 = arith.addi %mul3A_213, %add3A_214 : i32
      %jit3A_216 = arith.constant 32 : i32
      %div3A_217 = arith.divsi %add3A_215, %jit3A_216 : i32
      %sign3A_218 = arith.constant 0 : i32
      %sign3A_219 = arith.cmpi sgt, %add3A_215, %sign3A_218 : i32
      %sign3A_220 = arith.extui %sign3A_219 : i1 to i32
      %sign3A_221 = arith.constant 0 : i32
      %sign3A_222 = arith.cmpi slt, %add3A_215, %sign3A_221 : i32
      %sign3A_223 = arith.extui %sign3A_222 : i1 to i32
      %sign3A_224 = arith.subi %sign3A_220, %sign3A_223 : i32
      %sign3A_225 = arith.constant 0 : i32
      %sign3A_226 = arith.cmpi sgt, %jit3A_216, %sign3A_225 : i32
      %sign3A_227 = arith.extui %sign3A_226 : i1 to i32
      %sign3A_228 = arith.constant 0 : i32
      %sign3A_229 = arith.cmpi slt, %jit3A_216, %sign3A_228 : i32
      %sign3A_230 = arith.extui %sign3A_229 : i1 to i32
      %sign3A_231 = arith.subi %sign3A_227, %sign3A_230 : i32
      %ne3A_232 = arith.cmpi ne, %sign3A_224, %sign3A_231 : i32
      %rem3A_233 = arith.remsi %add3A_215, %jit3A_216 : i32
      %ne3A_234 = arith.constant 0 : i32
      %ne3A_235 = arith.cmpi ne, %rem3A_233, %ne3A_234 : i32
      %and3A_236 = arith.andi %ne3A_232, %ne3A_235 : i1
      %sub3A_237 = arith.constant 1 : i32
      %sub3A_238 = arith.subi %div3A_217, %sub3A_237 : i32
      %select_n3A_239 = arith.select %and3A_236, %sub3A_238, %div3A_217 : i32
      %mul3A_240 = arith.constant 32 : i32
      %mul3A_241 = arith.muli %mul3A_240, %select_n3A_239 : i32
      %sub3A_242 = arith.subi %add3A_215, %mul3A_241 : i32
      %dma_start3A_243 = arith.constant 0 : i32
      %dma_start3A_244 = tpu.memref_slice %arg7[%sub3A_242, %dma_start3A_243] : memref<32x128xf32, #tpu.memory_space<vmem>> -> memref<1x128xf32, #tpu.memory_space<vmem>>
      %dma_start3A_245 = tpu.memref_squeeze %dma_start3A_244 : memref<1x128xf32, #tpu.memory_space<vmem>> -> memref<128xf32, #tpu.memory_space<vmem>>
      %dma_start3A_246 = arith.constant 0 : i32
      %dma_start3A_247 = tpu.memref_slice %arg8[%add3A_215, %dma_start3A_246] : memref<64x128xi32, #tpu.memory_space<vmem>> -> memref<1x128xi32, #tpu.memory_space<vmem>>
      %dma_start3A_248 = tpu.memref_squeeze %dma_start3A_247 : memref<1x128xi32, #tpu.memory_space<vmem>> -> memref<128xi32, #tpu.memory_space<vmem>>
      %dma_start3A_249 = arith.constant 0 : i32
      %dma_start3A_250 = tpu.memref_slice %arg10[%dma_start3A_249] : memref<1179648xf32, #tpu.memory_space<vmem_shared>> -> memref<1179648xf32, #tpu.memory_space<vmem_shared>>
      tpu.enqueue_indirect_dma source(%dma_start3A_245 : memref<128xf32, #tpu.memory_space<vmem>>) target(%dma_start3A_250 : memref<1179648xf32, #tpu.memory_space<vmem_shared>>) offsets(%dma_start3A_248 : memref<128xi32, #tpu.memory_space<vmem>>) semaphore(%arg11 : memref<!tpu.dma_semaphore, #tpu.memory_space<semaphore_mem>>)
      %mul3A_251 = arith.constant 8 : i32
      %mul3A_252 = arith.muli %scan3A_180, %mul3A_251 : i32
      %add3A_253 = arith.constant 2 : i32
      %add3A_254 = arith.addi %mul3A_252, %add3A_253 : i32
      %jit3A_255 = arith.constant 32 : i32
      %div3A_256 = arith.divsi %add3A_254, %jit3A_255 : i32
      %sign3A_257 = arith.constant 0 : i32
      %sign3A_258 = arith.cmpi sgt, %add3A_254, %sign3A_257 : i32
      %sign3A_259 = arith.extui %sign3A_258 : i1 to i32
      %sign3A_260 = arith.constant 0 : i32
      %sign3A_261 = arith.cmpi slt, %add3A_254, %sign3A_260 : i32
      %sign3A_262 = arith.extui %sign3A_261 : i1 to i32
      %sign3A_263 = arith.subi %sign3A_259, %sign3A_262 : i32
      %sign3A_264 = arith.constant 0 : i32
      %sign3A_265 = arith.cmpi sgt, %jit3A_255, %sign3A_264 : i32
      %sign3A_266 = arith.extui %sign3A_265 : i1 to i32
      %sign3A_267 = arith.constant 0 : i32
      %sign3A_268 = arith.cmpi slt, %jit3A_255, %sign3A_267 : i32
      %sign3A_269 = arith.extui %sign3A_268 : i1 to i32
      %sign3A_270 = arith.subi %sign3A_266, %sign3A_269 : i32
      %ne3A_271 = arith.cmpi ne, %sign3A_263, %sign3A_270 : i32
      %rem3A_272 = arith.remsi %add3A_254, %jit3A_255 : i32
      %ne3A_273 = arith.constant 0 : i32
      %ne3A_274 = arith.cmpi ne, %rem3A_272, %ne3A_273 : i32
      %and3A_275 = arith.andi %ne3A_271, %ne3A_274 : i1
      %sub3A_276 = arith.constant 1 : i32
      %sub3A_277 = arith.subi %div3A_256, %sub3A_276 : i32
      %select_n3A_278 = arith.select %and3A_275, %sub3A_277, %div3A_256 : i32
      %mul3A_279 = arith.constant 32 : i32
      %mul3A_280 = arith.muli %mul3A_279, %select_n3A_278 : i32
      %sub3A_281 = arith.subi %add3A_254, %mul3A_280 : i32
      %dma_start3A_282 = arith.constant 0 : i32
      %dma_start3A_283 = tpu.memref_slice %arg7[%sub3A_281, %dma_start3A_282] : memref<32x128xf32, #tpu.memory_space<vmem>> -> memref<1x128xf32, #tpu.memory_space<vmem>>
      %dma_start3A_284 = tpu.memref_squeeze %dma_start3A_283 : memref<1x128xf32, #tpu.memory_space<vmem>> -> memref<128xf32, #tpu.memory_space<vmem>>
      %dma_start3A_285 = arith.constant 0 : i32
      %dma_start3A_286 = tpu.memref_slice %arg8[%add3A_254, %dma_start3A_285] : memref<64x128xi32, #tpu.memory_space<vmem>> -> memref<1x128xi32, #tpu.memory_space<vmem>>
      %dma_start3A_287 = tpu.memref_squeeze %dma_start3A_286 : memref<1x128xi32, #tpu.memory_space<vmem>> -> memref<128xi32, #tpu.memory_space<vmem>>
      %dma_start3A_288 = arith.constant 0 : i32
      %dma_start3A_289 = tpu.memref_slice %arg10[%dma_start3A_288] : memref<1179648xf32, #tpu.memory_space<vmem_shared>> -> memref<1179648xf32, #tpu.memory_space<vmem_shared>>
      tpu.enqueue_indirect_dma source(%dma_start3A_284 : memref<128xf32, #tpu.memory_space<vmem>>) target(%dma_start3A_289 : memref<1179648xf32, #tpu.memory_space<vmem_shared>>) offsets(%dma_start3A_287 : memref<128xi32, #tpu.memory_space<vmem>>) semaphore(%arg11 : memref<!tpu.dma_semaphore, #tpu.memory_space<semaphore_mem>>)
      %mul3A_290 = arith.constant 8 : i32
      %mul3A_291 = arith.muli %scan3A_180, %mul3A_290 : i32
      %add3A_292 = arith.constant 3 : i32
      %add3A_293 = arith.addi %mul3A_291, %add3A_292 : i32
      %jit3A_294 = arith.constant 32 : i32
      %div3A_295 = arith.divsi %add3A_293, %jit3A_294 : i32
      %sign3A_296 = arith.constant 0 : i32
      %sign3A_297 = arith.cmpi sgt, %add3A_293, %sign3A_296 : i32
      %sign3A_298 = arith.extui %sign3A_297 : i1 to i32
      %sign3A_299 = arith.constant 0 : i32
      %sign3A_300 = arith.cmpi slt, %add3A_293, %sign3A_299 : i32
      %sign3A_301 = arith.extui %sign3A_300 : i1 to i32
      %sign3A_302 = arith.subi %sign3A_298, %sign3A_301 : i32
      %sign3A_303 = arith.constant 0 : i32
      %sign3A_304 = arith.cmpi sgt, %jit3A_294, %sign3A_303 : i32
      %sign3A_305 = arith.extui %sign3A_304 : i1 to i32
      %sign3A_306 = arith.constant 0 : i32
      %sign3A_307 = arith.cmpi slt, %jit3A_294, %sign3A_306 : i32
      %sign3A_308 = arith.extui %sign3A_307 : i1 to i32
      %sign3A_309 = arith.subi %sign3A_305, %sign3A_308 : i32
      %ne3A_310 = arith.cmpi ne, %sign3A_302, %sign3A_309 : i32
      %rem3A_311 = arith.remsi %add3A_293, %jit3A_294 : i32
      %ne3A_312 = arith.constant 0 : i32
      %ne3A_313 = arith.cmpi ne, %rem3A_311, %ne3A_312 : i32
      %and3A_314 = arith.andi %ne3A_310, %ne3A_313 : i1
      %sub3A_315 = arith.constant 1 : i32
      %sub3A_316 = arith.subi %div3A_295, %sub3A_315 : i32
      %select_n3A_317 = arith.select %and3A_314, %sub3A_316, %div3A_295 : i32
      %mul3A_318 = arith.constant 32 : i32
      %mul3A_319 = arith.muli %mul3A_318, %select_n3A_317 : i32
      %sub3A_320 = arith.subi %add3A_293, %mul3A_319 : i32
      %dma_start3A_321 = arith.constant 0 : i32
      %dma_start3A_322 = tpu.memref_slice %arg7[%sub3A_320, %dma_start3A_321] : memref<32x128xf32, #tpu.memory_space<vmem>> -> memref<1x128xf32, #tpu.memory_space<vmem>>
      %dma_start3A_323 = tpu.memref_squeeze %dma_start3A_322 : memref<1x128xf32, #tpu.memory_space<vmem>> -> memref<128xf32, #tpu.memory_space<vmem>>
      %dma_start3A_324 = arith.constant 0 : i32
      %dma_start3A_325 = tpu.memref_slice %arg8[%add3A_293, %dma_start3A_324] : memref<64x128xi32, #tpu.memory_space<vmem>> -> memref<1x128xi32, #tpu.memory_space<vmem>>
      %dma_start3A_326 = tpu.memref_squeeze %dma_start3A_325 : memref<1x128xi32, #tpu.memory_space<vmem>> -> memref<128xi32, #tpu.memory_space<vmem>>
      %dma_start3A_327 = arith.constant 0 : i32
      %dma_start3A_328 = tpu.memref_slice %arg10[%dma_start3A_327] : memref<1179648xf32, #tpu.memory_space<vmem_shared>> -> memref<1179648xf32, #tpu.memory_space<vmem_shared>>
      tpu.enqueue_indirect_dma source(%dma_start3A_323 : memref<128xf32, #tpu.memory_space<vmem>>) target(%dma_start3A_328 : memref<1179648xf32, #tpu.memory_space<vmem_shared>>) offsets(%dma_start3A_326 : memref<128xi32, #tpu.memory_space<vmem>>) semaphore(%arg11 : memref<!tpu.dma_semaphore, #tpu.memory_space<semaphore_mem>>)
      %mul3A_329 = arith.constant 8 : i32
      %mul3A_330 = arith.muli %scan3A_180, %mul3A_329 : i32
      %add3A_331 = arith.constant 4 : i32
      %add3A_332 = arith.addi %mul3A_330, %add3A_331 : i32
      %jit3A_333 = arith.constant 32 : i32
      %div3A_334 = arith.divsi %add3A_332, %jit3A_333 : i32
      %sign3A_335 = arith.constant 0 : i32
      %sign3A_336 = arith.cmpi sgt, %add3A_332, %sign3A_335 : i32
      %sign3A_337 = arith.extui %sign3A_336 : i1 to i32
      %sign3A_338 = arith.constant 0 : i32
      %sign3A_339 = arith.cmpi slt, %add3A_332, %sign3A_338 : i32
      %sign3A_340 = arith.extui %sign3A_339 : i1 to i32
      %sign3A_341 = arith.subi %sign3A_337, %sign3A_340 : i32
      %sign3A_342 = arith.constant 0 : i32
      %sign3A_343 = arith.cmpi sgt, %jit3A_333, %sign3A_342 : i32
      %sign3A_344 = arith.extui %sign3A_343 : i1 to i32
      %sign3A_345 = arith.constant 0 : i32
      %sign3A_346 = arith.cmpi slt, %jit3A_333, %sign3A_345 : i32
      %sign3A_347 = arith.extui %sign3A_346 : i1 to i32
      %sign3A_348 = arith.subi %sign3A_344, %sign3A_347 : i32
      %ne3A_349 = arith.cmpi ne, %sign3A_341, %sign3A_348 : i32
      %rem3A_350 = arith.remsi %add3A_332, %jit3A_333 : i32
      %ne3A_351 = arith.constant 0 : i32
      %ne3A_352 = arith.cmpi ne, %rem3A_350, %ne3A_351 : i32
      %and3A_353 = arith.andi %ne3A_349, %ne3A_352 : i1
      %sub3A_354 = arith.constant 1 : i32
      %sub3A_355 = arith.subi %div3A_334, %sub3A_354 : i32
      %select_n3A_356 = arith.select %and3A_353, %sub3A_355, %div3A_334 : i32
      %mul3A_357 = arith.constant 32 : i32
      %mul3A_358 = arith.muli %mul3A_357, %select_n3A_356 : i32
      %sub3A_359 = arith.subi %add3A_332, %mul3A_358 : i32
      %dma_start3A_360 = arith.constant 0 : i32
      %dma_start3A_361 = tpu.memref_slice %arg7[%sub3A_359, %dma_start3A_360] : memref<32x128xf32, #tpu.memory_space<vmem>> -> memref<1x128xf32, #tpu.memory_space<vmem>>
      %dma_start3A_362 = tpu.memref_squeeze %dma_start3A_361 : memref<1x128xf32, #tpu.memory_space<vmem>> -> memref<128xf32, #tpu.memory_space<vmem>>
      %dma_start3A_363 = arith.constant 0 : i32
      %dma_start3A_364 = tpu.memref_slice %arg8[%add3A_332, %dma_start3A_363] : memref<64x128xi32, #tpu.memory_space<vmem>> -> memref<1x128xi32, #tpu.memory_space<vmem>>
      %dma_start3A_365 = tpu.memref_squeeze %dma_start3A_364 : memref<1x128xi32, #tpu.memory_space<vmem>> -> memref<128xi32, #tpu.memory_space<vmem>>
      %dma_start3A_366 = arith.constant 0 : i32
      %dma_start3A_367 = tpu.memref_slice %arg10[%dma_start3A_366] : memref<1179648xf32, #tpu.memory_space<vmem_shared>> -> memref<1179648xf32, #tpu.memory_space<vmem_shared>>
      tpu.enqueue_indirect_dma source(%dma_start3A_362 : memref<128xf32, #tpu.memory_space<vmem>>) target(%dma_start3A_367 : memref<1179648xf32, #tpu.memory_space<vmem_shared>>) offsets(%dma_start3A_365 : memref<128xi32, #tpu.memory_space<vmem>>) semaphore(%arg11 : memref<!tpu.dma_semaphore, #tpu.memory_space<semaphore_mem>>)
      %mul3A_368 = arith.constant 8 : i32
      %mul3A_369 = arith.muli %scan3A_180, %mul3A_368 : i32
      %add3A_370 = arith.constant 5 : i32
      %add3A_371 = arith.addi %mul3A_369, %add3A_370 : i32
      %jit3A_372 = arith.constant 32 : i32
      %div3A_373 = arith.divsi %add3A_371, %jit3A_372 : i32
      %sign3A_374 = arith.constant 0 : i32
      %sign3A_375 = arith.cmpi sgt, %add3A_371, %sign3A_374 : i32
      %sign3A_376 = arith.extui %sign3A_375 : i1 to i32
      %sign3A_377 = arith.constant 0 : i32
      %sign3A_378 = arith.cmpi slt, %add3A_371, %sign3A_377 : i32
      %sign3A_379 = arith.extui %sign3A_378 : i1 to i32
      %sign3A_380 = arith.subi %sign3A_376, %sign3A_379 : i32
      %sign3A_381 = arith.constant 0 : i32
      %sign3A_382 = arith.cmpi sgt, %jit3A_372, %sign3A_381 : i32
      %sign3A_383 = arith.extui %sign3A_382 : i1 to i32
      %sign3A_384 = arith.constant 0 : i32
      %sign3A_385 = arith.cmpi slt, %jit3A_372, %sign3A_384 : i32
      %sign3A_386 = arith.extui %sign3A_385 : i1 to i32
      %sign3A_387 = arith.subi %sign3A_383, %sign3A_386 : i32
      %ne3A_388 = arith.cmpi ne, %sign3A_380, %sign3A_387 : i32
      %rem3A_389 = arith.remsi %add3A_371, %jit3A_372 : i32
      %ne3A_390 = arith.constant 0 : i32
      %ne3A_391 = arith.cmpi ne, %rem3A_389, %ne3A_390 : i32
      %and3A_392 = arith.andi %ne3A_388, %ne3A_391 : i1
      %sub3A_393 = arith.constant 1 : i32
      %sub3A_394 = arith.subi %div3A_373, %sub3A_393 : i32
      %select_n3A_395 = arith.select %and3A_392, %sub3A_394, %div3A_373 : i32
      %mul3A_396 = arith.constant 32 : i32
      %mul3A_397 = arith.muli %mul3A_396, %select_n3A_395 : i32
      %sub3A_398 = arith.subi %add3A_371, %mul3A_397 : i32
      %dma_start3A_399 = arith.constant 0 : i32
      %dma_start3A_400 = tpu.memref_slice %arg7[%sub3A_398, %dma_start3A_399] : memref<32x128xf32, #tpu.memory_space<vmem>> -> memref<1x128xf32, #tpu.memory_space<vmem>>
      %dma_start3A_401 = tpu.memref_squeeze %dma_start3A_400 : memref<1x128xf32, #tpu.memory_space<vmem>> -> memref<128xf32, #tpu.memory_space<vmem>>
      %dma_start3A_402 = arith.constant 0 : i32
      %dma_start3A_403 = tpu.memref_slice %arg8[%add3A_371, %dma_start3A_402] : memref<64x128xi32, #tpu.memory_space<vmem>> -> memref<1x128xi32, #tpu.memory_space<vmem>>
      %dma_start3A_404 = tpu.memref_squeeze %dma_start3A_403 : memref<1x128xi32, #tpu.memory_space<vmem>> -> memref<128xi32, #tpu.memory_space<vmem>>
      %dma_start3A_405 = arith.constant 0 : i32
      %dma_start3A_406 = tpu.memref_slice %arg10[%dma_start3A_405] : memref<1179648xf32, #tpu.memory_space<vmem_shared>> -> memref<1179648xf32, #tpu.memory_space<vmem_shared>>
      tpu.enqueue_indirect_dma source(%dma_start3A_401 : memref<128xf32, #tpu.memory_space<vmem>>) target(%dma_start3A_406 : memref<1179648xf32, #tpu.memory_space<vmem_shared>>) offsets(%dma_start3A_404 : memref<128xi32, #tpu.memory_space<vmem>>) semaphore(%arg11 : memref<!tpu.dma_semaphore, #tpu.memory_space<semaphore_mem>>)
      %mul3A_407 = arith.constant 8 : i32
      %mul3A_408 = arith.muli %scan3A_180, %mul3A_407 : i32
      %add3A_409 = arith.constant 6 : i32
      %add3A_410 = arith.addi %mul3A_408, %add3A_409 : i32
      %jit3A_411 = arith.constant 32 : i32
      %div3A_412 = arith.divsi %add3A_410, %jit3A_411 : i32
      %sign3A_413 = arith.constant 0 : i32
      %sign3A_414 = arith.cmpi sgt, %add3A_410, %sign3A_413 : i32
      %sign3A_415 = arith.extui %sign3A_414 : i1 to i32
      %sign3A_416 = arith.constant 0 : i32
      %sign3A_417 = arith.cmpi slt, %add3A_410, %sign3A_416 : i32
      %sign3A_418 = arith.extui %sign3A_417 : i1 to i32
      %sign3A_419 = arith.subi %sign3A_415, %sign3A_418 : i32
      %sign3A_420 = arith.constant 0 : i32
      %sign3A_421 = arith.cmpi sgt, %jit3A_411, %sign3A_420 : i32
      %sign3A_422 = arith.extui %sign3A_421 : i1 to i32
      %sign3A_423 = arith.constant 0 : i32
      %sign3A_424 = arith.cmpi slt, %jit3A_411, %sign3A_423 : i32
      %sign3A_425 = arith.extui %sign3A_424 : i1 to i32
      %sign3A_426 = arith.subi %sign3A_422, %sign3A_425 : i32
      %ne3A_427 = arith.cmpi ne, %sign3A_419, %sign3A_426 : i32
      %rem3A_428 = arith.remsi %add3A_410, %jit3A_411 : i32
      %ne3A_429 = arith.constant 0 : i32
      %ne3A_430 = arith.cmpi ne, %rem3A_428, %ne3A_429 : i32
      %and3A_431 = arith.andi %ne3A_427, %ne3A_430 : i1
      %sub3A_432 = arith.constant 1 : i32
      %sub3A_433 = arith.subi %div3A_412, %sub3A_432 : i32
      %select_n3A_434 = arith.select %and3A_431, %sub3A_433, %div3A_412 : i32
      %mul3A_435 = arith.constant 32 : i32
      %mul3A_436 = arith.muli %mul3A_435, %select_n3A_434 : i32
      %sub3A_437 = arith.subi %add3A_410, %mul3A_436 : i32
      %dma_start3A_438 = arith.constant 0 : i32
      %dma_start3A_439 = tpu.memref_slice %arg7[%sub3A_437, %dma_start3A_438] : memref<32x128xf32, #tpu.memory_space<vmem>> -> memref<1x128xf32, #tpu.memory_space<vmem>>
      %dma_start3A_440 = tpu.memref_squeeze %dma_start3A_439 : memref<1x128xf32, #tpu.memory_space<vmem>> -> memref<128xf32, #tpu.memory_space<vmem>>
      %dma_start3A_441 = arith.constant 0 : i32
      %dma_start3A_442 = tpu.memref_slice %arg8[%add3A_410, %dma_start3A_441] : memref<64x128xi32, #tpu.memory_space<vmem>> -> memref<1x128xi32, #tpu.memory_space<vmem>>
      %dma_start3A_443 = tpu.memref_squeeze %dma_start3A_442 : memref<1x128xi32, #tpu.memory_space<vmem>> -> memref<128xi32, #tpu.memory_space<vmem>>
      %dma_start3A_444 = arith.constant 0 : i32
      %dma_start3A_445 = tpu.memref_slice %arg10[%dma_start3A_444] : memref<1179648xf32, #tpu.memory_space<vmem_shared>> -> memref<1179648xf32, #tpu.memory_space<vmem_shared>>
      tpu.enqueue_indirect_dma source(%dma_start3A_440 : memref<128xf32, #tpu.memory_space<vmem>>) target(%dma_start3A_445 : memref<1179648xf32, #tpu.memory_space<vmem_shared>>) offsets(%dma_start3A_443 : memref<128xi32, #tpu.memory_space<vmem>>) semaphore(%arg11 : memref<!tpu.dma_semaphore, #tpu.memory_space<semaphore_mem>>)
      %mul3A_446 = arith.constant 8 : i32
      %mul3A_447 = arith.muli %scan3A_180, %mul3A_446 : i32
      %add3A_448 = arith.constant 7 : i32
      %add3A_449 = arith.addi %mul3A_447, %add3A_448 : i32
      %jit3A_450 = arith.constant 32 : i32
      %div3A_451 = arith.divsi %add3A_449, %jit3A_450 : i32
      %sign3A_452 = arith.constant 0 : i32
      %sign3A_453 = arith.cmpi sgt, %add3A_449, %sign3A_452 : i32
      %sign3A_454 = arith.extui %sign3A_453 : i1 to i32
      %sign3A_455 = arith.constant 0 : i32
      %sign3A_456 = arith.cmpi slt, %add3A_449, %sign3A_455 : i32
      %sign3A_457 = arith.extui %sign3A_456 : i1 to i32
      %sign3A_458 = arith.subi %sign3A_454, %sign3A_457 : i32
      %sign3A_459 = arith.constant 0 : i32
      %sign3A_460 = arith.cmpi sgt, %jit3A_450, %sign3A_459 : i32
      %sign3A_461 = arith.extui %sign3A_460 : i1 to i32
      %sign3A_462 = arith.constant 0 : i32
      %sign3A_463 = arith.cmpi slt, %jit3A_450, %sign3A_462 : i32
      %sign3A_464 = arith.extui %sign3A_463 : i1 to i32
      %sign3A_465 = arith.subi %sign3A_461, %sign3A_464 : i32
      %ne3A_466 = arith.cmpi ne, %sign3A_458, %sign3A_465 : i32
      %rem3A_467 = arith.remsi %add3A_449, %jit3A_450 : i32
      %ne3A_468 = arith.constant 0 : i32
      %ne3A_469 = arith.cmpi ne, %rem3A_467, %ne3A_468 : i32
      %and3A_470 = arith.andi %ne3A_466, %ne3A_469 : i1
      %sub3A_471 = arith.constant 1 : i32
      %sub3A_472 = arith.subi %div3A_451, %sub3A_471 : i32
      %select_n3A_473 = arith.select %and3A_470, %sub3A_472, %div3A_451 : i32
      %mul3A_474 = arith.constant 32 : i32
      %mul3A_475 = arith.muli %mul3A_474, %select_n3A_473 : i32
      %sub3A_476 = arith.subi %add3A_449, %mul3A_475 : i32
      %dma_start3A_477 = arith.constant 0 : i32
      %dma_start3A_478 = tpu.memref_slice %arg7[%sub3A_476, %dma_start3A_477] : memref<32x128xf32, #tpu.memory_space<vmem>> -> memref<1x128xf32, #tpu.memory_space<vmem>>
      %dma_start3A_479 = tpu.memref_squeeze %dma_start3A_478 : memref<1x128xf32, #tpu.memory_space<vmem>> -> memref<128xf32, #tpu.memory_space<vmem>>
      %dma_start3A_480 = arith.constant 0 : i32
      %dma_start3A_481 = tpu.memref_slice %arg8[%add3A_449, %dma_start3A_480] : memref<64x128xi32, #tpu.memory_space<vmem>> -> memref<1x128xi32, #tpu.memory_space<vmem>>
      %dma_start3A_482 = tpu.memref_squeeze %dma_start3A_481 : memref<1x128xi32, #tpu.memory_space<vmem>> -> memref<128xi32, #tpu.memory_space<vmem>>
      %dma_start3A_483 = arith.constant 0 : i32
      %dma_start3A_484 = tpu.memref_slice %arg10[%dma_start3A_483] : memref<1179648xf32, #tpu.memory_space<vmem_shared>> -> memref<1179648xf32, #tpu.memory_space<vmem_shared>>
      tpu.enqueue_indirect_dma source(%dma_start3A_479 : memref<128xf32, #tpu.memory_space<vmem>>) target(%dma_start3A_484 : memref<1179648xf32, #tpu.memory_space<vmem_shared>>) offsets(%dma_start3A_482 : memref<128xi32, #tpu.memory_space<vmem>>) semaphore(%arg11 : memref<!tpu.dma_semaphore, #tpu.memory_space<semaphore_mem>>)
      %dma_wait3A_485 = arith.constant 0 : i32
      %dma_wait3A_486 = tpu.memref_slice %arg7[%sub3A_203, %dma_wait3A_485] : memref<32x128xf32, #tpu.memory_space<vmem>> -> memref<1x128xf32, #tpu.memory_space<vmem>>
      %dma_wait3A_487 = tpu.memref_squeeze %dma_wait3A_486 : memref<1x128xf32, #tpu.memory_space<vmem>> -> memref<128xf32, #tpu.memory_space<vmem>>
      %dma_wait3A_488 = arith.constant 0 : i32
      %dma_wait3A_489 = tpu.memref_slice %arg8[%add3A_184, %dma_wait3A_488] : memref<64x128xi32, #tpu.memory_space<vmem>> -> memref<1x128xi32, #tpu.memory_space<vmem>>
      %dma_wait3A_490 = tpu.memref_squeeze %dma_wait3A_489 : memref<1x128xi32, #tpu.memory_space<vmem>> -> memref<128xi32, #tpu.memory_space<vmem>>
      %dma_wait3A_491 = arith.constant 0 : i32
      %dma_wait3A_492 = tpu.memref_slice %arg10[%dma_wait3A_491] : memref<1179648xf32, #tpu.memory_space<vmem_shared>> -> memref<1179648xf32, #tpu.memory_space<vmem_shared>>
      tpu.wait_indirect_dma semaphore(%arg11 : memref<!tpu.dma_semaphore, #tpu.memory_space<semaphore_mem>>) src(%dma_wait3A_487 : memref<128xf32, #tpu.memory_space<vmem>>) dst(%dma_wait3A_492 : memref<1179648xf32, #tpu.memory_space<vmem_shared>>)
      %dma_wait3A_493 = arith.constant 0 : i32
      %dma_wait3A_494 = tpu.memref_slice %arg7[%sub3A_242, %dma_wait3A_493] : memref<32x128xf32, #tpu.memory_space<vmem>> -> memref<1x128xf32, #tpu.memory_space<vmem>>
      %dma_wait3A_495 = tpu.memref_squeeze %dma_wait3A_494 : memref<1x128xf32, #tpu.memory_space<vmem>> -> memref<128xf32, #tpu.memory_space<vmem>>
      %dma_wait3A_496 = arith.constant 0 : i32
      %dma_wait3A_497 = tpu.memref_slice %arg8[%add3A_215, %dma_wait3A_496] : memref<64x128xi32, #tpu.memory_space<vmem>> -> memref<1x128xi32, #tpu.memory_space<vmem>>
      %dma_wait3A_498 = tpu.memref_squeeze %dma_wait3A_497 : memref<1x128xi32, #tpu.memory_space<vmem>> -> memref<128xi32, #tpu.memory_space<vmem>>
      %dma_wait3A_499 = arith.constant 0 : i32
      %dma_wait3A_500 = tpu.memref_slice %arg10[%dma_wait3A_499] : memref<1179648xf32, #tpu.memory_space<vmem_shared>> -> memref<1179648xf32, #tpu.memory_space<vmem_shared>>
      tpu.wait_indirect_dma semaphore(%arg11 : memref<!tpu.dma_semaphore, #tpu.memory_space<semaphore_mem>>) src(%dma_wait3A_495 : memref<128xf32, #tpu.memory_space<vmem>>) dst(%dma_wait3A_500 : memref<1179648xf32, #tpu.memory_space<vmem_shared>>)
      %dma_wait3A_501 = arith.constant 0 : i32
      %dma_wait3A_502 = tpu.memref_slice %arg7[%sub3A_281, %dma_wait3A_501] : memref<32x128xf32, #tpu.memory_space<vmem>> -> memref<1x128xf32, #tpu.memory_space<vmem>>
      %dma_wait3A_503 = tpu.memref_squeeze %dma_wait3A_502 : memref<1x128xf32, #tpu.memory_space<vmem>> -> memref<128xf32, #tpu.memory_space<vmem>>
      %dma_wait3A_504 = arith.constant 0 : i32
      %dma_wait3A_505 = tpu.memref_slice %arg8[%add3A_254, %dma_wait3A_504] : memref<64x128xi32, #tpu.memory_space<vmem>> -> memref<1x128xi32, #tpu.memory_space<vmem>>
      %dma_wait3A_506 = tpu.memref_squeeze %dma_wait3A_505 : memref<1x128xi32, #tpu.memory_space<vmem>> -> memref<128xi32, #tpu.memory_space<vmem>>
      %dma_wait3A_507 = arith.constant 0 : i32
      %dma_wait3A_508 = tpu.memref_slice %arg10[%dma_wait3A_507] : memref<1179648xf32, #tpu.memory_space<vmem_shared>> -> memref<1179648xf32, #tpu.memory_space<vmem_shared>>
      tpu.wait_indirect_dma semaphore(%arg11 : memref<!tpu.dma_semaphore, #tpu.memory_space<semaphore_mem>>) src(%dma_wait3A_503 : memref<128xf32, #tpu.memory_space<vmem>>) dst(%dma_wait3A_508 : memref<1179648xf32, #tpu.memory_space<vmem_shared>>)
      %dma_wait3A_509 = arith.constant 0 : i32
      %dma_wait3A_510 = tpu.memref_slice %arg7[%sub3A_320, %dma_wait3A_509] : memref<32x128xf32, #tpu.memory_space<vmem>> -> memref<1x128xf32, #tpu.memory_space<vmem>>
      %dma_wait3A_511 = tpu.memref_squeeze %dma_wait3A_510 : memref<1x128xf32, #tpu.memory_space<vmem>> -> memref<128xf32, #tpu.memory_space<vmem>>
      %dma_wait3A_512 = arith.constant 0 : i32
      %dma_wait3A_513 = tpu.memref_slice %arg8[%add3A_293, %dma_wait3A_512] : memref<64x128xi32, #tpu.memory_space<vmem>> -> memref<1x128xi32, #tpu.memory_space<vmem>>
      %dma_wait3A_514 = tpu.memref_squeeze %dma_wait3A_513 : memref<1x128xi32, #tpu.memory_space<vmem>> -> memref<128xi32, #tpu.memory_space<vmem>>
      %dma_wait3A_515 = arith.constant 0 : i32
      %dma_wait3A_516 = tpu.memref_slice %arg10[%dma_wait3A_515] : memref<1179648xf32, #tpu.memory_space<vmem_shared>> -> memref<1179648xf32, #tpu.memory_space<vmem_shared>>
      tpu.wait_indirect_dma semaphore(%arg11 : memref<!tpu.dma_semaphore, #tpu.memory_space<semaphore_mem>>) src(%dma_wait3A_511 : memref<128xf32, #tpu.memory_space<vmem>>) dst(%dma_wait3A_516 : memref<1179648xf32, #tpu.memory_space<vmem_shared>>)
      %dma_wait3A_517 = arith.constant 0 : i32
      %dma_wait3A_518 = tpu.memref_slice %arg7[%sub3A_359, %dma_wait3A_517] : memref<32x128xf32, #tpu.memory_space<vmem>> -> memref<1x128xf32, #tpu.memory_space<vmem>>
      %dma_wait3A_519 = tpu.memref_squeeze %dma_wait3A_518 : memref<1x128xf32, #tpu.memory_space<vmem>> -> memref<128xf32, #tpu.memory_space<vmem>>
      %dma_wait3A_520 = arith.constant 0 : i32
      %dma_wait3A_521 = tpu.memref_slice %arg8[%add3A_332, %dma_wait3A_520] : memref<64x128xi32, #tpu.memory_space<vmem>> -> memref<1x128xi32, #tpu.memory_space<vmem>>
      %dma_wait3A_522 = tpu.memref_squeeze %dma_wait3A_521 : memref<1x128xi32, #tpu.memory_space<vmem>> -> memref<128xi32, #tpu.memory_space<vmem>>
      %dma_wait3A_523 = arith.constant 0 : i32
      %dma_wait3A_524 = tpu.memref_slice %arg10[%dma_wait3A_523] : memref<1179648xf32, #tpu.memory_space<vmem_shared>> -> memref<1179648xf32, #tpu.memory_space<vmem_shared>>
      tpu.wait_indirect_dma semaphore(%arg11 : memref<!tpu.dma_semaphore, #tpu.memory_space<semaphore_mem>>) src(%dma_wait3A_519 : memref<128xf32, #tpu.memory_space<vmem>>) dst(%dma_wait3A_524 : memref<1179648xf32, #tpu.memory_space<vmem_shared>>)
      %dma_wait3A_525 = arith.constant 0 : i32
      %dma_wait3A_526 = tpu.memref_slice %arg7[%sub3A_398, %dma_wait3A_525] : memref<32x128xf32, #tpu.memory_space<vmem>> -> memref<1x128xf32, #tpu.memory_space<vmem>>
      %dma_wait3A_527 = tpu.memref_squeeze %dma_wait3A_526 : memref<1x128xf32, #tpu.memory_space<vmem>> -> memref<128xf32, #tpu.memory_space<vmem>>
      %dma_wait3A_528 = arith.constant 0 : i32
      %dma_wait3A_529 = tpu.memref_slice %arg8[%add3A_371, %dma_wait3A_528] : memref<64x128xi32, #tpu.memory_space<vmem>> -> memref<1x128xi32, #tpu.memory_space<vmem>>
      %dma_wait3A_530 = tpu.memref_squeeze %dma_wait3A_529 : memref<1x128xi32, #tpu.memory_space<vmem>> -> memref<128xi32, #tpu.memory_space<vmem>>
      %dma_wait3A_531 = arith.constant 0 : i32
      %dma_wait3A_532 = tpu.memref_slice %arg10[%dma_wait3A_531] : memref<1179648xf32, #tpu.memory_space<vmem_shared>> -> memref<1179648xf32, #tpu.memory_space<vmem_shared>>
      tpu.wait_indirect_dma semaphore(%arg11 : memref<!tpu.dma_semaphore, #tpu.memory_space<semaphore_mem>>) src(%dma_wait3A_527 : memref<128xf32, #tpu.memory_space<vmem>>) dst(%dma_wait3A_532 : memref<1179648xf32, #tpu.memory_space<vmem_shared>>)
      %dma_wait3A_533 = arith.constant 0 : i32
      %dma_wait3A_534 = tpu.memref_slice %arg7[%sub3A_437, %dma_wait3A_533] : memref<32x128xf32, #tpu.memory_space<vmem>> -> memref<1x128xf32, #tpu.memory_space<vmem>>
      %dma_wait3A_535 = tpu.memref_squeeze %dma_wait3A_534 : memref<1x128xf32, #tpu.memory_space<vmem>> -> memref<128xf32, #tpu.memory_space<vmem>>
      %dma_wait3A_536 = arith.constant 0 : i32
      %dma_wait3A_537 = tpu.memref_slice %arg8[%add3A_410, %dma_wait3A_536] : memref<64x128xi32, #tpu.memory_space<vmem>> -> memref<1x128xi32, #tpu.memory_space<vmem>>
      %dma_wait3A_538 = tpu.memref_squeeze %dma_wait3A_537 : memref<1x128xi32, #tpu.memory_space<vmem>> -> memref<128xi32, #tpu.memory_space<vmem>>
      %dma_wait3A_539 = arith.constant 0 : i32
      %dma_wait3A_540 = tpu.memref_slice %arg10[%dma_wait3A_539] : memref<1179648xf32, #tpu.memory_space<vmem_shared>> -> memref<1179648xf32, #tpu.memory_space<vmem_shared>>
      tpu.wait_indirect_dma semaphore(%arg11 : memref<!tpu.dma_semaphore, #tpu.memory_space<semaphore_mem>>) src(%dma_wait3A_535 : memref<128xf32, #tpu.memory_space<vmem>>) dst(%dma_wait3A_540 : memref<1179648xf32, #tpu.memory_space<vmem_shared>>)
      %dma_wait3A_541 = arith.constant 0 : i32
      %dma_wait3A_542 = tpu.memref_slice %arg7[%sub3A_476, %dma_wait3A_541] : memref<32x128xf32, #tpu.memory_space<vmem>> -> memref<1x128xf32, #tpu.memory_space<vmem>>
      %dma_wait3A_543 = tpu.memref_squeeze %dma_wait3A_542 : memref<1x128xf32, #tpu.memory_space<vmem>> -> memref<128xf32, #tpu.memory_space<vmem>>
      %dma_wait3A_544 = arith.constant 0 : i32
      %dma_wait3A_545 = tpu.memref_slice %arg8[%add3A_449, %dma_wait3A_544] : memref<64x128xi32, #tpu.memory_space<vmem>> -> memref<1x128xi32, #tpu.memory_space<vmem>>
      %dma_wait3A_546 = tpu.memref_squeeze %dma_wait3A_545 : memref<1x128xi32, #tpu.memory_space<vmem>> -> memref<128xi32, #tpu.memory_space<vmem>>
      %dma_wait3A_547 = arith.constant 0 : i32
      %dma_wait3A_548 = tpu.memref_slice %arg10[%dma_wait3A_547] : memref<1179648xf32, #tpu.memory_space<vmem_shared>> -> memref<1179648xf32, #tpu.memory_space<vmem_shared>>
      tpu.wait_indirect_dma semaphore(%arg11 : memref<!tpu.dma_semaphore, #tpu.memory_space<semaphore_mem>>) src(%dma_wait3A_543 : memref<128xf32, #tpu.memory_space<vmem>>) dst(%dma_wait3A_548 : memref<1179648xf32, #tpu.memory_space<vmem_shared>>)
    }
    %scan3A_134 = arith.constant 8 : i32
    %barrier3A_135 = arith.constant 0 : index
    tpu.barrier barrier_id(%barrier3A_135)
    %mul3A_136 = arith.constant 65536 : i32
    %mul3A_137 = arith.muli %arg1, %mul3A_136 : i32
    %add3A_138 = arith.constant 0 : i32
    %add3A_139 = arith.addi %mul3A_137, %add3A_138 : i32
    %mul3A_140 = arith.constant 65536 : i32
    %mul3A_141 = arith.muli %arg1, %mul3A_140 : i32
    %add3A_142 = arith.addi %mul3A_97, %mul3A_141 : i32
    %add3A_143 = arith.constant 0 : i32
    %add3A_144 = arith.addi %add3A_142, %add3A_143 : i32
    %dma_start3A_145 = tpu.memref_slice %arg5[%add3A_144] : memref<4194304xf32, #tpu.memory_space<hbm>> -> memref<32768xf32, #tpu.memory_space<hbm>>
    %dma_start3A_146 = tpu.memref_slice %arg10[%add3A_139] : memref<1179648xf32, #tpu.memory_space<vmem_shared>> -> memref<32768xf32, #tpu.memory_space<vmem_shared>>
    tpu.enqueue_dma source(%dma_start3A_146 : memref<32768xf32, #tpu.memory_space<vmem_shared>>) target(%dma_start3A_145 : memref<32768xf32, #tpu.memory_space<hbm>>) target_semaphore(%arg12 : memref<!tpu.dma_semaphore, #tpu.memory_space<semaphore_mem>>)
    %mul3A_147 = arith.constant 65536 : i32
    %mul3A_148 = arith.muli %arg1, %mul3A_147 : i32
    %add3A_149 = arith.constant 32768 : i32
    %add3A_150 = arith.addi %mul3A_148, %add3A_149 : i32
    %mul3A_151 = arith.constant 65536 : i32
    %mul3A_152 = arith.muli %arg1, %mul3A_151 : i32
    %add3A_153 = arith.addi %mul3A_97, %mul3A_152 : i32
    %add3A_154 = arith.constant 32768 : i32
    %add3A_155 = arith.addi %add3A_153, %add3A_154 : i32
    %dma_start3A_156 = tpu.memref_slice %arg5[%add3A_155] : memref<4194304xf32, #tpu.memory_space<hbm>> -> memref<32768xf32, #tpu.memory_space<hbm>>
    %dma_start3A_157 = tpu.memref_slice %arg10[%add3A_150] : memref<1179648xf32, #tpu.memory_space<vmem_shared>> -> memref<32768xf32, #tpu.memory_space<vmem_shared>>
    tpu.enqueue_dma source(%dma_start3A_157 : memref<32768xf32, #tpu.memory_space<vmem_shared>>) target(%dma_start3A_156 : memref<32768xf32, #tpu.memory_space<hbm>>) target_semaphore(%arg12 : memref<!tpu.dma_semaphore, #tpu.memory_space<semaphore_mem>>)
    %mul3A_158 = arith.constant 65536 : i32
    %mul3A_159 = arith.muli %arg1, %mul3A_158 : i32
    %add3A_160 = arith.constant 0 : i32
    %add3A_161 = arith.addi %mul3A_159, %add3A_160 : i32
    %mul3A_162 = arith.constant 65536 : i32
    %mul3A_163 = arith.muli %arg1, %mul3A_162 : i32
    %add3A_164 = arith.addi %mul3A_97, %mul3A_163 : i32
    %add3A_165 = arith.constant 0 : i32
    %add3A_166 = arith.addi %add3A_164, %add3A_165 : i32
    %dma_wait3A_167 = tpu.memref_slice %arg5[%add3A_166] : memref<4194304xf32, #tpu.memory_space<hbm>> -> memref<32768xf32, #tpu.memory_space<hbm>>
    %dma_wait3A_168 = tpu.memref_slice %arg10[%add3A_161] : memref<1179648xf32, #tpu.memory_space<vmem_shared>> -> memref<32768xf32, #tpu.memory_space<vmem_shared>>
    tpu.wait_dma2 semaphore(%arg12 : memref<!tpu.dma_semaphore, #tpu.memory_space<semaphore_mem>>) src(%dma_wait3A_168 : memref<32768xf32, #tpu.memory_space<vmem_shared>>) dst(%dma_wait3A_167 : memref<32768xf32, #tpu.memory_space<hbm>>)
    %mul3A_169 = arith.constant 65536 : i32
    %mul3A_170 = arith.muli %arg1, %mul3A_169 : i32
    %add3A_171 = arith.constant 32768 : i32
    %add3A_172 = arith.addi %mul3A_170, %add3A_171 : i32
    %mul3A_173 = arith.constant 65536 : i32
    %mul3A_174 = arith.muli %arg1, %mul3A_173 : i32
    %add3A_175 = arith.addi %mul3A_97, %mul3A_174 : i32
    %add3A_176 = arith.constant 32768 : i32
    %add3A_177 = arith.addi %add3A_175, %add3A_176 : i32
    %dma_wait3A_178 = tpu.memref_slice %arg5[%add3A_177] : memref<4194304xf32, #tpu.memory_space<hbm>> -> memref<32768xf32, #tpu.memory_space<hbm>>
    %dma_wait3A_179 = tpu.memref_slice %arg10[%add3A_172] : memref<1179648xf32, #tpu.memory_space<vmem_shared>> -> memref<32768xf32, #tpu.memory_space<vmem_shared>>
    tpu.wait_dma2 semaphore(%arg12 : memref<!tpu.dma_semaphore, #tpu.memory_space<semaphore_mem>>) src(%dma_wait3A_179 : memref<32768xf32, #tpu.memory_space<vmem_shared>>) dst(%dma_wait3A_178 : memref<32768xf32, #tpu.memory_space<hbm>>)
    return
  }
}

module attributes {stable_mosaic.version = 14 : i64} {
  func.func @_edgeout_body(%arg0: i32, %arg1: memref<2048x128xf32, #tpu.memory_space<vmem>>, %arg2: memref<2x128xf32, #tpu.memory_space<vmem>>, %arg3: memref<4x128xf32, #tpu.memory_space<vmem>>, %arg4: memref<64x128xf32, #tpu.memory_space<vmem>>, %arg5: memref<1x128xf32, #tpu.memory_space<vmem>>, %arg6: memref<1x128xf32, #tpu.memory_space<vmem>>, %arg7: memref<1x128xf32, #tpu.memory_space<vmem>>, %arg8: memref<128x128xf32, #tpu.memory_space<vmem>>, %arg9: memref<1x128xf32, #tpu.memory_space<vmem>>, %arg10: memref<1x2x65536xi32, #tpu.memory_space<vmem>>, %arg11: memref<1x2048x1xf32, #tpu.memory_space<vmem>>, %arg12: memref<1x2048x1xi32, #tpu.memory_space<vmem>>, %arg13: memref<1x2048x1xi32, #tpu.memory_space<vmem>>) attributes {dimension_semantics = [#tpu.dimension_semantics<arbitrary>], iteration_bounds = array<i64: 32>, scalar_prefetch = 0 : i64, scratch_operands = 0 : i64, tpu.core_type = #tpu.core_type<tc>, window_params = [{transform_indices = @transform_0, window_bounds = array<i64: 2048, 128>}, {pipeline_mode = #tpu.pipeline_mode<synchronous>, transform_indices = @transform_1, window_bounds = array<i64: 2, 128>}, {pipeline_mode = #tpu.pipeline_mode<synchronous>, transform_indices = @transform_2, window_bounds = array<i64: 4, 128>}, {pipeline_mode = #tpu.pipeline_mode<synchronous>, transform_indices = @transform_3, window_bounds = array<i64: 64, 128>}, {pipeline_mode = #tpu.pipeline_mode<synchronous>, transform_indices = @transform_4, window_bounds = array<i64: 1, 128>}, {pipeline_mode = #tpu.pipeline_mode<synchronous>, transform_indices = @transform_5, window_bounds = array<i64: 1, 128>}, {pipeline_mode = #tpu.pipeline_mode<synchronous>, transform_indices = @transform_6, window_bounds = array<i64: 1, 128>}, {pipeline_mode = #tpu.pipeline_mode<synchronous>, transform_indices = @transform_7, window_bounds = array<i64: 128, 128>}, {pipeline_mode = #tpu.pipeline_mode<synchronous>, transform_indices = @transform_8, window_bounds = array<i64: 1, 128>}, {pipeline_mode = #tpu.pipeline_mode<synchronous>, transform_indices = @transform_9, window_bounds = array<i64: 1, 2, 65536>}, {transform_indices = @transform_10, window_bounds = array<i64: 1, 2048, 1>}, {transform_indices = @transform_11, window_bounds = array<i64: 1, 2048, 1>}, {transform_indices = @transform_12, window_bounds = array<i64: 1, 2048, 1>}]} {
    %get3A = arith.constant 0 : index
    %get3A_0 = arith.constant 0 : index
    %get3A_1 = vector.load %arg1[%get3A, %get3A_0] : memref<2048x128xf32, #tpu.memory_space<vmem>>, vector<2048x128xf32>
    %get3A_2 = arith.constant 0 : index
    %get3A_3 = arith.constant 0 : index
    %get3A_4 = vector.load %arg2[%get3A_2, %get3A_3] : memref<2x128xf32, #tpu.memory_space<vmem>>, vector<1x128xf32>
    %div3A = arith.constant 6.553600e+04 : f32
    %div3A_5 = vector.broadcast %div3A : f32 to vector<1x128xf32>
    %div3A_6 = arith.divf %get3A_4, %div3A_5 : vector<1x128xf32>
    %get3A_7 = arith.constant 1 : index
    %get3A_8 = arith.constant 0 : index
    %get3A_9 = vector.load %arg2[%get3A_7, %get3A_8] : memref<2x128xf32, #tpu.memory_space<vmem>>, vector<1x128xf32>
    %div3A_10 = arith.constant 6.553600e+04 : f32
    %div3A_11 = vector.broadcast %div3A_10 : f32 to vector<1x128xf32>
    %div3A_12 = arith.divf %get3A_9, %div3A_11 : vector<1x128xf32>
    %mul3A = arith.mulf %div3A_6, %div3A_6 : vector<1x128xf32>
    %sub3A = arith.subf %div3A_12, %mul3A : vector<1x128xf32>
    %max3A = arith.constant 0.000000e+00 : f32
    %max3A_13 = vector.broadcast %max3A : f32 to vector<1x128xf32>
    %max3A_14 = arith.maximumf %sub3A, %max3A_13 : vector<1x128xf32>
    %sqrt3A = math.sqrt %max3A_14 : vector<1x128xf32>
    %add3A = arith.constant 9.99999997E-7 : f32
    %add3A_15 = vector.broadcast %add3A : f32 to vector<1x128xf32>
    %add3A_16 = arith.addf %sqrt3A, %add3A_15 : vector<1x128xf32>
    %sub3A_17 = vector.broadcast %div3A_6 : vector<1x128xf32> to vector<2048x128xf32>
    %sub3A_18 = arith.subf %get3A_1, %sub3A_17 : vector<2048x128xf32>
    %div3A_19 = vector.broadcast %add3A_16 : vector<1x128xf32> to vector<2048x128xf32>
    %div3A_20 = arith.divf %sub3A_18, %div3A_19 : vector<2048x128xf32>
    %get3A_21 = arith.constant 0 : index
    %get3A_22 = arith.constant 0 : index
    %get3A_23 = vector.load %arg4[%get3A_21, %get3A_22] : memref<64x128xf32, #tpu.memory_space<vmem>>, vector<64x128xf32>
    %get3A_24 = arith.constant 0 : index
    %get3A_25 = arith.constant 0 : index
    %get3A_26 = vector.load %arg5[%get3A_24, %get3A_25] : memref<1x128xf32, #tpu.memory_space<vmem>>, vector<1x128xf32>
    %get3A_27 = arith.constant 0 : index
    %get3A_28 = arith.constant 0 : index
    %get3A_29 = vector.load %arg6[%get3A_27, %get3A_28] : memref<1x128xf32, #tpu.memory_space<vmem>>, vector<1x128xf32>
    %get3A_30 = arith.constant 0 : index
    %get3A_31 = arith.constant 0 : index
    %get3A_32 = vector.load %arg7[%get3A_30, %get3A_31] : memref<1x128xf32, #tpu.memory_space<vmem>>, vector<1x128xf32>
    %get3A_33 = arith.constant 0 : index
    %get3A_34 = arith.constant 0 : index
    %get3A_35 = vector.load %arg8[%get3A_33, %get3A_34] : memref<128x128xf32, #tpu.memory_space<vmem>>, vector<128x128xf32>
    %get3A_36 = arith.constant 0 : index
    %get3A_37 = arith.constant 0 : index
    %get3A_38 = vector.load %arg9[%get3A_36, %get3A_37] : memref<1x128xf32, #tpu.memory_space<vmem>>, vector<1x128xf32>
    %slice3A = vector.extract_strided_slice %div3A_20 {offsets = [0, 0], sizes = [2048, 64], strides = [1, 1]} : vector<2048x128xf32> to vector<2048x64xf32>
    %get3A_39 = arith.constant 0 : index
    %get3A_40 = arith.constant 0 : index
    %get3A_41 = vector.load %arg3[%get3A_39, %get3A_40] : memref<4x128xf32, #tpu.memory_space<vmem>>, vector<1x128xf32>
    %get3A_42 = arith.constant 1 : index
    %get3A_43 = arith.constant 0 : index
    %get3A_44 = vector.load %arg3[%get3A_42, %get3A_43] : memref<4x128xf32, #tpu.memory_space<vmem>>, vector<1x128xf32>
    %dot_general3A = arith.constant dense<0.000000e+00> : vector<2048x128xf32>
    %dot_general3A_45 = tpu.matmul %slice3A, %get3A_23, %dot_general3A {dimension_numbers = #tpu.dot_dimension_numbers<[1], [0], [0], [1], [0, 0, 1, 1], [], []>, transpose_lhs_hint = false} : vector<2048x64xf32>, vector<64x128xf32>, vector<2048x128xf32> -> vector<2048x128xf32>
    %add3A_46 = vector.broadcast %get3A_26 : vector<1x128xf32> to vector<2048x128xf32>
    %add3A_47 = arith.addf %dot_general3A_45, %add3A_46 : vector<2048x128xf32>
    %max3A_48 = arith.constant 0.000000e+00 : f32
    %max3A_49 = vector.broadcast %max3A_48 : f32 to vector<2048x128xf32>
    %max3A_50 = arith.maximumf %add3A_47, %max3A_49 : vector<2048x128xf32>
    %div3A_51 = arith.constant 6.553600e+04 : f32
    %div3A_52 = vector.broadcast %div3A_51 : f32 to vector<1x128xf32>
    %div3A_53 = arith.divf %get3A_41, %div3A_52 : vector<1x128xf32>
    %div3A_54 = arith.constant 6.553600e+04 : f32
    %div3A_55 = vector.broadcast %div3A_54 : f32 to vector<1x128xf32>
    %div3A_56 = arith.divf %get3A_44, %div3A_55 : vector<1x128xf32>
    %mul3A_57 = arith.mulf %div3A_53, %div3A_53 : vector<1x128xf32>
    %sub3A_58 = arith.subf %div3A_56, %mul3A_57 : vector<1x128xf32>
    %sub3A_59 = vector.broadcast %div3A_53 : vector<1x128xf32> to vector<2048x128xf32>
    %sub3A_60 = arith.subf %max3A_50, %sub3A_59 : vector<2048x128xf32>
    %add3A_61 = arith.constant 9.99999974E-6 : f32
    %add3A_62 = vector.broadcast %add3A_61 : f32 to vector<1x128xf32>
    %add3A_63 = arith.addf %sub3A_58, %add3A_62 : vector<1x128xf32>
    %sqrt3A_64 = math.sqrt %add3A_63 : vector<1x128xf32>
    %div3A_65 = arith.divf %get3A_29, %sqrt3A_64 : vector<1x128xf32>
    %mul3A_66 = vector.broadcast %div3A_65 : vector<1x128xf32> to vector<2048x128xf32>
    %mul3A_67 = arith.mulf %sub3A_60, %mul3A_66 : vector<2048x128xf32>
    %add3A_68 = vector.broadcast %get3A_32 : vector<1x128xf32> to vector<2048x128xf32>
    %add3A_69 = arith.addf %mul3A_67, %add3A_68 : vector<2048x128xf32>
    %dot_general3A_70 = arith.constant dense<0.000000e+00> : vector<2048x128xf32>
    %dot_general3A_71 = tpu.matmul %add3A_69, %get3A_35, %dot_general3A_70 {dimension_numbers = #tpu.dot_dimension_numbers<[1], [0], [0], [1], [0, 0, 1, 1], [], []>, transpose_lhs_hint = false} : vector<2048x128xf32>, vector<128x128xf32>, vector<2048x128xf32> -> vector<2048x128xf32>
    %add3A_72 = vector.broadcast %get3A_38 : vector<1x128xf32> to vector<2048x128xf32>
    %add3A_73 = arith.addf %dot_general3A_71, %add3A_72 : vector<2048x128xf32>
    %slice3A_74 = vector.extract_strided_slice %div3A_20 {offsets = [0, 64], sizes = [2048, 64], strides = [1, 1]} : vector<2048x128xf32> to vector<2048x64xf32>
    %get3A_75 = arith.constant 2 : index
    %get3A_76 = arith.constant 0 : index
    %get3A_77 = vector.load %arg3[%get3A_75, %get3A_76] : memref<4x128xf32, #tpu.memory_space<vmem>>, vector<1x128xf32>
    %get3A_78 = arith.constant 3 : index
    %get3A_79 = arith.constant 0 : index
    %get3A_80 = vector.load %arg3[%get3A_78, %get3A_79] : memref<4x128xf32, #tpu.memory_space<vmem>>, vector<1x128xf32>
    %dot_general3A_81 = arith.constant dense<0.000000e+00> : vector<2048x128xf32>
    %dot_general3A_82 = tpu.matmul %slice3A_74, %get3A_23, %dot_general3A_81 {dimension_numbers = #tpu.dot_dimension_numbers<[1], [0], [0], [1], [0, 0, 1, 1], [], []>, transpose_lhs_hint = false} : vector<2048x64xf32>, vector<64x128xf32>, vector<2048x128xf32> -> vector<2048x128xf32>
    %add3A_83 = vector.broadcast %get3A_26 : vector<1x128xf32> to vector<2048x128xf32>
    %add3A_84 = arith.addf %dot_general3A_82, %add3A_83 : vector<2048x128xf32>
    %max3A_85 = arith.constant 0.000000e+00 : f32
    %max3A_86 = vector.broadcast %max3A_85 : f32 to vector<2048x128xf32>
    %max3A_87 = arith.maximumf %add3A_84, %max3A_86 : vector<2048x128xf32>
    %div3A_88 = arith.constant 6.553600e+04 : f32
    %div3A_89 = vector.broadcast %div3A_88 : f32 to vector<1x128xf32>
    %div3A_90 = arith.divf %get3A_77, %div3A_89 : vector<1x128xf32>
    %div3A_91 = arith.constant 6.553600e+04 : f32
    %div3A_92 = vector.broadcast %div3A_91 : f32 to vector<1x128xf32>
    %div3A_93 = arith.divf %get3A_80, %div3A_92 : vector<1x128xf32>
    %mul3A_94 = arith.mulf %div3A_90, %div3A_90 : vector<1x128xf32>
    %sub3A_95 = arith.subf %div3A_93, %mul3A_94 : vector<1x128xf32>
    %sub3A_96 = vector.broadcast %div3A_90 : vector<1x128xf32> to vector<2048x128xf32>
    %sub3A_97 = arith.subf %max3A_87, %sub3A_96 : vector<2048x128xf32>
    %add3A_98 = arith.constant 9.99999974E-6 : f32
    %add3A_99 = vector.broadcast %add3A_98 : f32 to vector<1x128xf32>
    %add3A_100 = arith.addf %sub3A_95, %add3A_99 : vector<1x128xf32>
    %sqrt3A_101 = math.sqrt %add3A_100 : vector<1x128xf32>
    %div3A_102 = arith.divf %get3A_29, %sqrt3A_101 : vector<1x128xf32>
    %mul3A_103 = vector.broadcast %div3A_102 : vector<1x128xf32> to vector<2048x128xf32>
    %mul3A_104 = arith.mulf %sub3A_97, %mul3A_103 : vector<2048x128xf32>
    %add3A_105 = vector.broadcast %get3A_32 : vector<1x128xf32> to vector<2048x128xf32>
    %add3A_106 = arith.addf %mul3A_104, %add3A_105 : vector<2048x128xf32>
    %dot_general3A_107 = arith.constant dense<0.000000e+00> : vector<2048x128xf32>
    %dot_general3A_108 = tpu.matmul %add3A_106, %get3A_35, %dot_general3A_107 {dimension_numbers = #tpu.dot_dimension_numbers<[1], [0], [0], [1], [0, 0, 1, 1], [], []>, transpose_lhs_hint = false} : vector<2048x128xf32>, vector<128x128xf32>, vector<2048x128xf32> -> vector<2048x128xf32>
    %add3A_109 = vector.broadcast %get3A_38 : vector<1x128xf32> to vector<2048x128xf32>
    %add3A_110 = arith.addf %dot_general3A_108, %add3A_109 : vector<2048x128xf32>
    %mul3A_111 = arith.mulf %add3A_73, %add3A_73 : vector<2048x128xf32>
    %reduce_sum3A = arith.constant dense<0.000000e+00> : vector<2048xf32>
    %reduce_sum3A_112 = vector.multi_reduction <add>, %mul3A_111, %reduce_sum3A [1] : vector<2048x128xf32> to vector<2048xf32>
    %broadcast_in_dim3A = vector.shape_cast %reduce_sum3A_112 : vector<2048xf32> to vector<2048x1xf32>
    %sqrt3A_113 = math.sqrt %broadcast_in_dim3A : vector<2048x1xf32>
    %max3A_114 = arith.constant 9.99999993E-9 : f32
    %max3A_115 = vector.broadcast %max3A_114 : f32 to vector<2048x1xf32>
    %max3A_116 = arith.maximumf %sqrt3A_113, %max3A_115 : vector<2048x1xf32>
    %mul3A_117 = arith.mulf %add3A_110, %add3A_110 : vector<2048x128xf32>
    %reduce_sum3A_118 = arith.constant dense<0.000000e+00> : vector<2048xf32>
    %reduce_sum3A_119 = vector.multi_reduction <add>, %mul3A_117, %reduce_sum3A_118 [1] : vector<2048x128xf32> to vector<2048xf32>
    %broadcast_in_dim3A_120 = vector.shape_cast %reduce_sum3A_119 : vector<2048xf32> to vector<2048x1xf32>
    %sqrt3A_121 = math.sqrt %broadcast_in_dim3A_120 : vector<2048x1xf32>
    %max3A_122 = arith.constant 9.99999993E-9 : f32
    %max3A_123 = vector.broadcast %max3A_122 : f32 to vector<2048x1xf32>
    %max3A_124 = arith.maximumf %sqrt3A_121, %max3A_123 : vector<2048x1xf32>
    %mul3A_125 = arith.mulf %add3A_73, %add3A_110 : vector<2048x128xf32>
    %reduce_sum3A_126 = arith.constant dense<0.000000e+00> : vector<2048xf32>
    %reduce_sum3A_127 = vector.multi_reduction <add>, %mul3A_125, %reduce_sum3A_126 [1] : vector<2048x128xf32> to vector<2048xf32>
    %broadcast_in_dim3A_128 = vector.shape_cast %reduce_sum3A_127 : vector<2048xf32> to vector<2048x1xf32>
    %mul3A_129 = arith.mulf %max3A_116, %max3A_124 : vector<2048x1xf32>
    %div3A_130 = arith.divf %broadcast_in_dim3A_128, %mul3A_129 : vector<2048x1xf32>
    %add3A_131 = arith.constant 1.000000e+00 : f32
    %add3A_132 = vector.broadcast %add3A_131 : f32 to vector<2048x1xf32>
    %add3A_133 = arith.addf %div3A_130, %add3A_132 : vector<2048x1xf32>
    %mul3A_134 = arith.constant 5.000000e-01 : f32
    %mul3A_135 = vector.broadcast %mul3A_134 : f32 to vector<2048x1xf32>
    %mul3A_136 = arith.mulf %add3A_133, %mul3A_135 : vector<2048x1xf32>
    %broadcast_in_dim3A_137 = vector.shape_cast %mul3A_136 : vector<2048x1xf32> to vector<1x2048x1xf32>
    %swap3A = arith.constant 0 : index
    %swap3A_138 = arith.constant 0 : index
    %swap3A_139 = arith.constant 0 : index
    %swap3A_140 = vector.load %arg11[%swap3A, %swap3A_138, %swap3A_139] : memref<1x2048x1xf32, #tpu.memory_space<vmem>>, vector<1x2048x1xf32>
    tpu.vector_store %arg11[%swap3A, %swap3A_138, %swap3A_139], %broadcast_in_dim3A_137 {strides = array<i32>} : memref<1x2048x1xf32, #tpu.memory_space<vmem>>, vector<1x2048x1xf32>,
    %mul3A_141 = arith.constant 2048 : i32
    %mul3A_142 = arith.muli %arg0, %mul3A_141 : i32
    %get3A_143 = arith.constant 0 : index
    %get3A_144 = arith.constant 0 : index
    %get3A_145 = arith.index_cast %mul3A_142 : i32 to index
    %get3A_146 = vector.load %arg10[%get3A_143, %get3A_144, %get3A_145] : memref<1x2x65536xi32, #tpu.memory_space<vmem>>, vector<1x2x2048xi32>
    %get3A_147 = vector.shape_cast %get3A_146 : vector<1x2x2048xi32> to vector<2x2048xi32>
    %slice3A_148 = vector.extract_strided_slice %get3A_147 {offsets = [0, 0], sizes = [1, 2048], strides = [1, 1]} : vector<2x2048xi32> to vector<1x2048xi32>
    %slice3A_149 = vector.extract_strided_slice %get3A_147 {offsets = [1, 0], sizes = [1, 2048], strides = [1, 1]} : vector<2x2048xi32> to vector<1x2048xi32>
    %mul3A_150 = arith.constant 2048 : i32
    %mul3A_151 = vector.broadcast %mul3A_150 : i32 to vector<1x2048xi32>
    %mul3A_152 = arith.muli %slice3A_148, %mul3A_151 : vector<1x2048xi32>
    %add3A_153 = arith.addi %mul3A_152, %slice3A_149 : vector<1x2048xi32>
    %broadcast_in_dim3A_154 = vector.shape_cast %add3A_153 : vector<1x2048xi32> to vector<1x2048x1xi32>
    %swap3A_155 = arith.constant 0 : index
    %swap3A_156 = arith.constant 0 : index
    %swap3A_157 = arith.constant 0 : index
    %swap3A_158 = vector.load %arg12[%swap3A_155, %swap3A_156, %swap3A_157] : memref<1x2048x1xi32, #tpu.memory_space<vmem>>, vector<1x2048x1xi32>
    tpu.vector_store %arg12[%swap3A_155, %swap3A_156, %swap3A_157], %broadcast_in_dim3A_154 {strides = array<i32>} : memref<1x2048x1xi32, #tpu.memory_space<vmem>>, vector<1x2048x1xi32>,
    %mul3A_159 = arith.constant 2048 : i32
    %mul3A_160 = vector.broadcast %mul3A_159 : i32 to vector<1x2048xi32>
    %mul3A_161 = arith.muli %slice3A_149, %mul3A_160 : vector<1x2048xi32>
    %add3A_162 = arith.addi %mul3A_161, %slice3A_148 : vector<1x2048xi32>
    %broadcast_in_dim3A_163 = vector.shape_cast %add3A_162 : vector<1x2048xi32> to vector<1x2048x1xi32>
    %swap3A_164 = arith.constant 0 : index
    %swap3A_165 = arith.constant 0 : index
    %swap3A_166 = arith.constant 0 : index
    %swap3A_167 = vector.load %arg13[%swap3A_164, %swap3A_165, %swap3A_166] : memref<1x2048x1xi32, #tpu.memory_space<vmem>>, vector<1x2048x1xi32>
    tpu.vector_store %arg13[%swap3A_164, %swap3A_165, %swap3A_166], %broadcast_in_dim3A_163 {strides = array<i32>} : memref<1x2048x1xi32, #tpu.memory_space<vmem>>, vector<1x2048x1xi32>,
    return
  }
  func.func @transform_0(%arg0: i32) -> (i32, i32) {
    %c0_i32 = arith.constant 0 : i32
    %c0_i32_0 = arith.constant 0 : i32
    return %arg0, %c0_i32 : i32, i32
  }
  func.func @transform_1(%arg0: i32) -> (i32, i32) {
    %c0_i32 = arith.constant 0 : i32
    %c0_i32_0 = arith.constant 0 : i32
    %c0_i32_1 = arith.constant 0 : i32
    return %c0_i32, %c0_i32_0 : i32, i32
  }
  func.func @transform_2(%arg0: i32) -> (i32, i32) {
    %c0_i32 = arith.constant 0 : i32
    %c0_i32_0 = arith.constant 0 : i32
    %c0_i32_1 = arith.constant 0 : i32
    return %c0_i32, %c0_i32_0 : i32, i32
  }
  func.func @transform_3(%arg0: i32) -> (i32, i32) {
    %c0_i32 = arith.constant 0 : i32
    %c0_i32_0 = arith.constant 0 : i32
    %c0_i32_1 = arith.constant 0 : i32
    return %c0_i32, %c0_i32_0 : i32, i32
  }
  func.func @transform_4(%arg0: i32) -> (i32, i32) {
    %c0_i32 = arith.constant 0 : i32
    %c0_i32_0 = arith.constant 0 : i32
    %c0_i32_1 = arith.constant 0 : i32
    return %c0_i32, %c0_i32_0 : i32, i32
  }
  func.func @transform_5(%arg0: i32) -> (i32, i32) {
    %c0_i32 = arith.constant 0 : i32
    %c0_i32_0 = arith.constant 0 : i32
    %c0_i32_1 = arith.constant 0 : i32
    return %c0_i32, %c0_i32_0 : i32, i32
  }
  func.func @transform_6(%arg0: i32) -> (i32, i32) {
    %c0_i32 = arith.constant 0 : i32
    %c0_i32_0 = arith.constant 0 : i32
    %c0_i32_1 = arith.constant 0 : i32
    return %c0_i32, %c0_i32_0 : i32, i32
  }
  func.func @transform_7(%arg0: i32) -> (i32, i32) {
    %c0_i32 = arith.constant 0 : i32
    %c0_i32_0 = arith.constant 0 : i32
    %c0_i32_1 = arith.constant 0 : i32
    return %c0_i32, %c0_i32_0 : i32, i32
  }
  func.func @transform_8(%arg0: i32) -> (i32, i32) {
    %c0_i32 = arith.constant 0 : i32
    %c0_i32_0 = arith.constant 0 : i32
    %c0_i32_1 = arith.constant 0 : i32
    return %c0_i32, %c0_i32_0 : i32, i32
  }
  func.func @transform_9(%arg0: i32) -> (i32, i32, i32) {
    %c0_i32 = arith.constant 0 : i32
    %c0_i32_0 = arith.constant 0 : i32
    %c0_i32_1 = arith.constant 0 : i32
    %c0_i32_2 = arith.constant 0 : i32
    return %c0_i32, %c0_i32_0, %c0_i32_1 : i32, i32, i32
  }
  func.func @transform_10(%arg0: i32) -> (i32, i32, i32) {
    %c0_i32 = arith.constant 0 : i32
    %c0_i32_0 = arith.constant 0 : i32
    %c0_i32_1 = arith.constant 0 : i32
    return %arg0, %c0_i32, %c0_i32_0 : i32, i32, i32
  }
  func.func @transform_11(%arg0: i32) -> (i32, i32, i32) {
    %c0_i32 = arith.constant 0 : i32
    %c0_i32_0 = arith.constant 0 : i32
    %c0_i32_1 = arith.constant 0 : i32
    return %arg0, %c0_i32, %c0_i32_0 : i32, i32, i32
  }
  func.func @transform_12(%arg0: i32) -> (i32, i32, i32) {
    %c0_i32 = arith.constant 0 : i32
    %c0_i32_0 = arith.constant 0 : i32
    %c0_i32_1 = arith.constant 0 : i32
    return %arg0, %c0_i32, %c0_i32_0 : i32, i32, i32
  }
}

module attributes {stable_mosaic.version = 14 : i64} {
  func.func @_estats_body(%arg0: i32, %arg1: memref<8192x128xf32, #tpu.memory_space<vmem>>, %arg2: memref<2x128xf32, #tpu.memory_space<vmem>>) attributes {dimension_semantics = [#tpu.dimension_semantics<arbitrary>], iteration_bounds = array<i64: 8>, scalar_prefetch = 0 : i64, scratch_operands = 0 : i64, tpu.core_type = #tpu.core_type<tc>, window_params = [{transform_indices = @transform_0, window_bounds = array<i64: 8192, 128>}, {pipeline_mode = #tpu.pipeline_mode<synchronous>, transform_indices = @transform_1, window_bounds = array<i64: 2, 128>}]} {
    %get3A = arith.constant 0 : index
    %get3A_0 = arith.constant 0 : index
    %get3A_1 = vector.load %arg1[%get3A, %get3A_0] : memref<8192x128xf32, #tpu.memory_space<vmem>>, vector<8192x128xf32>
    %reduce_sum3A = arith.constant dense<0.000000e+00> : vector<128xf32>
    %reduce_sum3A_2 = vector.multi_reduction <add>, %get3A_1, %reduce_sum3A [0] : vector<8192x128xf32> to vector<128xf32>
    %broadcast_in_dim3A = vector.shape_cast %reduce_sum3A_2 : vector<128xf32> to vector<1x128xf32>
    %mul3A = arith.mulf %get3A_1, %get3A_1 : vector<8192x128xf32>
    %reduce_sum3A_3 = arith.constant dense<0.000000e+00> : vector<128xf32>
    %reduce_sum3A_4 = vector.multi_reduction <add>, %mul3A, %reduce_sum3A_3 [0] : vector<8192x128xf32> to vector<128xf32>
    %broadcast_in_dim3A_5 = vector.shape_cast %reduce_sum3A_4 : vector<128xf32> to vector<1x128xf32>
    %concatenate3A = tpu.concatenate %broadcast_in_dim3A, %broadcast_in_dim3A_5 in 0 : vector<1x128xf32>, vector<1x128xf32> -> vector<2x128xf32>
    %eq3A = arith.constant 0 : i32
    %eq3A_6 = arith.cmpi eq, %arg0, %eq3A : i32
    %convert_element_type3A = arith.extui %eq3A_6 : i1 to i32
    %cond3A = arith.constant 0 : i32
    %cond3A_7 = arith.cmpi ne, %convert_element_type3A, %cond3A : i32
    scf.if %cond3A_7 {
      %swap3A = arith.constant 0 : index
      %swap3A_12 = arith.constant 0 : index
      %swap3A_13 = vector.load %arg2[%swap3A, %swap3A_12] : memref<2x128xf32, #tpu.memory_space<vmem>>, vector<2x128xf32>
      tpu.vector_store %arg2[%swap3A, %swap3A_12], %concatenate3A {strides = array<i32>} : memref<2x128xf32, #tpu.memory_space<vmem>>, vector<2x128xf32>,
    } else {
    }
    %gt3A = arith.constant 0 : i32
    %gt3A_8 = arith.cmpi sgt, %arg0, %gt3A : i32
    %convert_element_type3A_9 = arith.extui %gt3A_8 : i1 to i32
    %cond3A_10 = arith.constant 0 : i32
    %cond3A_11 = arith.cmpi ne, %convert_element_type3A_9, %cond3A_10 : i32
    scf.if %cond3A_11 {
      %get3A_12 = arith.constant 0 : index
      %get3A_13 = arith.constant 0 : index
      %get3A_14 = vector.load %arg2[%get3A_12, %get3A_13] : memref<2x128xf32, #tpu.memory_space<vmem>>, vector<2x128xf32>
      %add3A = arith.addf %get3A_14, %concatenate3A : vector<2x128xf32>
      %swap3A = arith.constant 0 : index
      %swap3A_15 = arith.constant 0 : index
      %swap3A_16 = vector.load %arg2[%swap3A, %swap3A_15] : memref<2x128xf32, #tpu.memory_space<vmem>>, vector<2x128xf32>
      tpu.vector_store %arg2[%swap3A, %swap3A_15], %add3A {strides = array<i32>} : memref<2x128xf32, #tpu.memory_space<vmem>>, vector<2x128xf32>,
    } else {
    }
    return
  }
  func.func @transform_0(%arg0: i32) -> (i32, i32) {
    %c0_i32 = arith.constant 0 : i32
    %c0_i32_0 = arith.constant 0 : i32
    return %arg0, %c0_i32 : i32, i32
  }
  func.func @transform_1(%arg0: i32) -> (i32, i32) {
    %c0_i32 = arith.constant 0 : i32
    %c0_i32_0 = arith.constant 0 : i32
    %c0_i32_1 = arith.constant 0 : i32
    return %c0_i32, %c0_i32_0 : i32, i32
  }
}

module attributes {stable_mosaic.version = 14 : i64} {
  func.func @_hstats_body(%arg0: i32, %arg1: memref<8192x128xf32, #tpu.memory_space<vmem>>, %arg2: memref<2x128xf32, #tpu.memory_space<vmem>>, %arg3: memref<64x128xf32, #tpu.memory_space<vmem>>, %arg4: memref<1x128xf32, #tpu.memory_space<vmem>>, %arg5: memref<4x128xf32, #tpu.memory_space<vmem>>) attributes {dimension_semantics = [#tpu.dimension_semantics<arbitrary>], iteration_bounds = array<i64: 8>, scalar_prefetch = 0 : i64, scratch_operands = 0 : i64, tpu.core_type = #tpu.core_type<tc>, window_params = [{transform_indices = @transform_0, window_bounds = array<i64: 8192, 128>}, {pipeline_mode = #tpu.pipeline_mode<synchronous>, transform_indices = @transform_1, window_bounds = array<i64: 2, 128>}, {pipeline_mode = #tpu.pipeline_mode<synchronous>, transform_indices = @transform_2, window_bounds = array<i64: 64, 128>}, {pipeline_mode = #tpu.pipeline_mode<synchronous>, transform_indices = @transform_3, window_bounds = array<i64: 1, 128>}, {pipeline_mode = #tpu.pipeline_mode<synchronous>, transform_indices = @transform_4, window_bounds = array<i64: 4, 128>}]} {
    %get3A = arith.constant 0 : index
    %get3A_0 = arith.constant 0 : index
    %get3A_1 = vector.load %arg1[%get3A, %get3A_0] : memref<8192x128xf32, #tpu.memory_space<vmem>>, vector<8192x128xf32>
    %get3A_2 = arith.constant 0 : index
    %get3A_3 = arith.constant 0 : index
    %get3A_4 = vector.load %arg2[%get3A_2, %get3A_3] : memref<2x128xf32, #tpu.memory_space<vmem>>, vector<1x128xf32>
    %div3A = arith.constant 6.553600e+04 : f32
    %div3A_5 = vector.broadcast %div3A : f32 to vector<1x128xf32>
    %div3A_6 = arith.divf %get3A_4, %div3A_5 : vector<1x128xf32>
    %get3A_7 = arith.constant 1 : index
    %get3A_8 = arith.constant 0 : index
    %get3A_9 = vector.load %arg2[%get3A_7, %get3A_8] : memref<2x128xf32, #tpu.memory_space<vmem>>, vector<1x128xf32>
    %div3A_10 = arith.constant 6.553600e+04 : f32
    %div3A_11 = vector.broadcast %div3A_10 : f32 to vector<1x128xf32>
    %div3A_12 = arith.divf %get3A_9, %div3A_11 : vector<1x128xf32>
    %mul3A = arith.mulf %div3A_6, %div3A_6 : vector<1x128xf32>
    %sub3A = arith.subf %div3A_12, %mul3A : vector<1x128xf32>
    %max3A = arith.constant 0.000000e+00 : f32
    %max3A_13 = vector.broadcast %max3A : f32 to vector<1x128xf32>
    %max3A_14 = arith.maximumf %sub3A, %max3A_13 : vector<1x128xf32>
    %sqrt3A = math.sqrt %max3A_14 : vector<1x128xf32>
    %add3A = arith.constant 9.99999997E-7 : f32
    %add3A_15 = vector.broadcast %add3A : f32 to vector<1x128xf32>
    %add3A_16 = arith.addf %sqrt3A, %add3A_15 : vector<1x128xf32>
    %sub3A_17 = vector.broadcast %div3A_6 : vector<1x128xf32> to vector<8192x128xf32>
    %sub3A_18 = arith.subf %get3A_1, %sub3A_17 : vector<8192x128xf32>
    %div3A_19 = vector.broadcast %add3A_16 : vector<1x128xf32> to vector<8192x128xf32>
    %div3A_20 = arith.divf %sub3A_18, %div3A_19 : vector<8192x128xf32>
    %get3A_21 = arith.constant 0 : index
    %get3A_22 = arith.constant 0 : index
    %get3A_23 = vector.load %arg3[%get3A_21, %get3A_22] : memref<64x128xf32, #tpu.memory_space<vmem>>, vector<64x128xf32>
    %get3A_24 = arith.constant 0 : index
    %get3A_25 = arith.constant 0 : index
    %get3A_26 = vector.load %arg4[%get3A_24, %get3A_25] : memref<1x128xf32, #tpu.memory_space<vmem>>, vector<1x128xf32>
    %slice3A = vector.extract_strided_slice %div3A_20 {offsets = [0, 0], sizes = [8192, 64], strides = [1, 1]} : vector<8192x128xf32> to vector<8192x64xf32>
    %dot_general3A = arith.constant dense<0.000000e+00> : vector<8192x128xf32>
    %dot_general3A_27 = tpu.matmul %slice3A, %get3A_23, %dot_general3A {dimension_numbers = #tpu.dot_dimension_numbers<[1], [0], [0], [1], [0, 0, 1, 1], [], []>, transpose_lhs_hint = false} : vector<8192x64xf32>, vector<64x128xf32>, vector<8192x128xf32> -> vector<8192x128xf32>
    %add3A_28 = vector.broadcast %get3A_26 : vector<1x128xf32> to vector<8192x128xf32>
    %add3A_29 = arith.addf %dot_general3A_27, %add3A_28 : vector<8192x128xf32>
    %max3A_30 = arith.constant 0.000000e+00 : f32
    %max3A_31 = vector.broadcast %max3A_30 : f32 to vector<8192x128xf32>
    %max3A_32 = arith.maximumf %add3A_29, %max3A_31 : vector<8192x128xf32>
    %slice3A_33 = vector.extract_strided_slice %div3A_20 {offsets = [0, 64], sizes = [8192, 64], strides = [1, 1]} : vector<8192x128xf32> to vector<8192x64xf32>
    %dot_general3A_34 = arith.constant dense<0.000000e+00> : vector<8192x128xf32>
    %dot_general3A_35 = tpu.matmul %slice3A_33, %get3A_23, %dot_general3A_34 {dimension_numbers = #tpu.dot_dimension_numbers<[1], [0], [0], [1], [0, 0, 1, 1], [], []>, transpose_lhs_hint = false} : vector<8192x64xf32>, vector<64x128xf32>, vector<8192x128xf32> -> vector<8192x128xf32>
    %add3A_36 = vector.broadcast %get3A_26 : vector<1x128xf32> to vector<8192x128xf32>
    %add3A_37 = arith.addf %dot_general3A_35, %add3A_36 : vector<8192x128xf32>
    %max3A_38 = arith.constant 0.000000e+00 : f32
    %max3A_39 = vector.broadcast %max3A_38 : f32 to vector<8192x128xf32>
    %max3A_40 = arith.maximumf %add3A_37, %max3A_39 : vector<8192x128xf32>
    %reduce_sum3A = arith.constant dense<0.000000e+00> : vector<128xf32>
    %reduce_sum3A_41 = vector.multi_reduction <add>, %max3A_32, %reduce_sum3A [0] : vector<8192x128xf32> to vector<128xf32>
    %broadcast_in_dim3A = vector.shape_cast %reduce_sum3A_41 : vector<128xf32> to vector<1x128xf32>
    %mul3A_42 = arith.mulf %max3A_32, %max3A_32 : vector<8192x128xf32>
    %reduce_sum3A_43 = arith.constant dense<0.000000e+00> : vector<128xf32>
    %reduce_sum3A_44 = vector.multi_reduction <add>, %mul3A_42, %reduce_sum3A_43 [0] : vector<8192x128xf32> to vector<128xf32>
    %broadcast_in_dim3A_45 = vector.shape_cast %reduce_sum3A_44 : vector<128xf32> to vector<1x128xf32>
    %reduce_sum3A_46 = arith.constant dense<0.000000e+00> : vector<128xf32>
    %reduce_sum3A_47 = vector.multi_reduction <add>, %max3A_40, %reduce_sum3A_46 [0] : vector<8192x128xf32> to vector<128xf32>
    %broadcast_in_dim3A_48 = vector.shape_cast %reduce_sum3A_47 : vector<128xf32> to vector<1x128xf32>
    %mul3A_49 = arith.mulf %max3A_40, %max3A_40 : vector<8192x128xf32>
    %reduce_sum3A_50 = arith.constant dense<0.000000e+00> : vector<128xf32>
    %reduce_sum3A_51 = vector.multi_reduction <add>, %mul3A_49, %reduce_sum3A_50 [0] : vector<8192x128xf32> to vector<128xf32>
    %broadcast_in_dim3A_52 = vector.shape_cast %reduce_sum3A_51 : vector<128xf32> to vector<1x128xf32>
    %concatenate3A = tpu.concatenate %broadcast_in_dim3A, %broadcast_in_dim3A_45, %broadcast_in_dim3A_48, %broadcast_in_dim3A_52 in 0 : vector<1x128xf32>, vector<1x128xf32>, vector<1x128xf32>, vector<1x128xf32> -> vector<4x128xf32>
    %eq3A = arith.constant 0 : i32
    %eq3A_53 = arith.cmpi eq, %arg0, %eq3A : i32
    %convert_element_type3A = arith.extui %eq3A_53 : i1 to i32
    %cond3A = arith.constant 0 : i32
    %cond3A_54 = arith.cmpi ne, %convert_element_type3A, %cond3A : i32
    scf.if %cond3A_54 {
      %swap3A = arith.constant 0 : index
      %swap3A_59 = arith.constant 0 : index
      %swap3A_60 = vector.load %arg5[%swap3A, %swap3A_59] : memref<4x128xf32, #tpu.memory_space<vmem>>, vector<4x128xf32>
      tpu.vector_store %arg5[%swap3A, %swap3A_59], %concatenate3A {strides = array<i32>} : memref<4x128xf32, #tpu.memory_space<vmem>>, vector<4x128xf32>,
    } else {
    }
    %gt3A = arith.constant 0 : i32
    %gt3A_55 = arith.cmpi sgt, %arg0, %gt3A : i32
    %convert_element_type3A_56 = arith.extui %gt3A_55 : i1 to i32
    %cond3A_57 = arith.constant 0 : i32
    %cond3A_58 = arith.cmpi ne, %convert_element_type3A_56, %cond3A_57 : i32
    scf.if %cond3A_58 {
      %get3A_59 = arith.constant 0 : index
      %get3A_60 = arith.constant 0 : index
      %get3A_61 = vector.load %arg5[%get3A_59, %get3A_60] : memref<4x128xf32, #tpu.memory_space<vmem>>, vector<4x128xf32>
      %add3A_62 = arith.addf %get3A_61, %concatenate3A : vector<4x128xf32>
      %swap3A = arith.constant 0 : index
      %swap3A_63 = arith.constant 0 : index
      %swap3A_64 = vector.load %arg5[%swap3A, %swap3A_63] : memref<4x128xf32, #tpu.memory_space<vmem>>, vector<4x128xf32>
      tpu.vector_store %arg5[%swap3A, %swap3A_63], %add3A_62 {strides = array<i32>} : memref<4x128xf32, #tpu.memory_space<vmem>>, vector<4x128xf32>,
    } else {
    }
    return
  }
  func.func @transform_0(%arg0: i32) -> (i32, i32) {
    %c0_i32 = arith.constant 0 : i32
    %c0_i32_0 = arith.constant 0 : i32
    return %arg0, %c0_i32 : i32, i32
  }
  func.func @transform_1(%arg0: i32) -> (i32, i32) {
    %c0_i32 = arith.constant 0 : i32
    %c0_i32_0 = arith.constant 0 : i32
    %c0_i32_1 = arith.constant 0 : i32
    return %c0_i32, %c0_i32_0 : i32, i32
  }
  func.func @transform_2(%arg0: i32) -> (i32, i32) {
    %c0_i32 = arith.constant 0 : i32
    %c0_i32_0 = arith.constant 0 : i32
    %c0_i32_1 = arith.constant 0 : i32
    return %c0_i32, %c0_i32_0 : i32, i32
  }
  func.func @transform_3(%arg0: i32) -> (i32, i32) {
    %c0_i32 = arith.constant 0 : i32
    %c0_i32_0 = arith.constant 0 : i32
    %c0_i32_1 = arith.constant 0 : i32
    return %c0_i32, %c0_i32_0 : i32, i32
  }
  func.func @transform_4(%arg0: i32) -> (i32, i32) {
    %c0_i32 = arith.constant 0 : i32
    %c0_i32_0 = arith.constant 0 : i32
    %c0_i32_1 = arith.constant 0 : i32
    return %c0_i32, %c0_i32_0 : i32, i32
  }
}

module attributes {stable_mosaic.version = 14 : i64} {
  func.func @_topk_body(%arg0: i32, %arg1: i32, %arg2: memref<2048x128xf32, #tpu.memory_space<vmem>>, %arg3: memref<2048x128xf32, #tpu.memory_space<vmem>>, %arg4: memref<1x128x2048xbf16, #tpu.memory_space<vmem>>, %arg5: memref<1x2048x128xbf16, #tpu.memory_space<vmem>>, %arg6: memref<2048x128xf32, #tpu.memory_space<vmem>>) attributes {dimension_semantics = [#tpu.dimension_semantics<arbitrary>, #tpu.dimension_semantics<arbitrary>], iteration_bounds = array<i64: 2, 16>, scalar_prefetch = 0 : i64, scratch_operands = 1 : i64, tpu.core_type = #tpu.core_type<tc>, window_params = [{pipeline_mode = #tpu.pipeline_mode<synchronous>, transform_indices = @transform_0, window_bounds = array<i64: 2048, 128>}, {pipeline_mode = #tpu.pipeline_mode<synchronous>, transform_indices = @transform_1, window_bounds = array<i64: 2048, 128>}, {transform_indices = @transform_2, window_bounds = array<i64: 1, 128, 2048>}, {transform_indices = @transform_3, window_bounds = array<i64: 1, 2048, 128>}]} {
    %eq3A = arith.constant 0 : i32
    %eq3A_0 = arith.cmpi eq, %arg1, %eq3A : i32
    %convert_element_type3A = arith.extui %eq3A_0 : i1 to i32
    %cond3A = arith.constant 0 : i32
    %cond3A_1 = arith.cmpi ne, %convert_element_type3A, %cond3A : i32
    scf.if %cond3A_1 {
      %eq3A_188 = arith.constant 0 : i32
      %eq3A_189 = arith.cmpi eq, %arg0, %eq3A_188 : i32
      %get3A_190 = arith.constant 0 : index
      %get3A_191 = arith.constant 0 : index
      %get3A_192 = vector.load %arg2[%get3A_190, %get3A_191] : memref<2048x128xf32, #tpu.memory_space<vmem>>, vector<2048x128xf32>
      %get3A_193 = arith.constant 0 : index
      %get3A_194 = arith.constant 0 : index
      %get3A_195 = vector.load %arg3[%get3A_193, %get3A_194] : memref<2048x128xf32, #tpu.memory_space<vmem>>, vector<2048x128xf32>
      %select_n3A_196 = arith.select %eq3A_189, %get3A_192, %get3A_195 : vector<2048x128xf32>
      %mul3A_197 = arith.mulf %select_n3A_196, %select_n3A_196 : vector<2048x128xf32>
      %reduce_sum3A = arith.constant dense<0.000000e+00> : vector<2048xf32>
      %reduce_sum3A_198 = vector.multi_reduction <add>, %mul3A_197, %reduce_sum3A [1] : vector<2048x128xf32> to vector<2048xf32>
      %broadcast_in_dim3A_199 = vector.shape_cast %reduce_sum3A_198 : vector<2048xf32> to vector<2048x1xf32>
      %sqrt3A = math.sqrt %broadcast_in_dim3A_199 : vector<2048x1xf32>
      %div3A = vector.broadcast %sqrt3A : vector<2048x1xf32> to vector<2048x128xf32>
      %div3A_200 = arith.divf %select_n3A_196, %div3A : vector<2048x128xf32>
      %swap3A_201 = arith.constant 0 : index
      %swap3A_202 = arith.constant 0 : index
      %swap3A_203 = vector.load %arg6[%swap3A_201, %swap3A_202] : memref<2048x128xf32, #tpu.memory_space<vmem>>, vector<2048x128xf32>
      tpu.vector_store %arg6[%swap3A_201, %swap3A_202], %div3A_200 {strides = array<i32>} : memref<2048x128xf32, #tpu.memory_space<vmem>>, vector<2048x128xf32>,
    } else {
    }
    %mul3A = arith.constant 128 : i32
    %mul3A_2 = arith.muli %arg1, %mul3A : i32
    %get3A = arith.index_cast %mul3A_2 : i32 to index
    %get3A_3 = arith.constant 0 : index
    %get3A_4 = vector.load %arg6[%get3A, %get3A_3] : memref<2048x128xf32, #tpu.memory_space<vmem>>, vector<128x128xf32>
    %get3A_5 = arith.constant 0 : index
    %get3A_6 = arith.constant 0 : index
    %get3A_7 = vector.load %arg6[%get3A_5, %get3A_6] : memref<2048x128xf32, #tpu.memory_space<vmem>>, vector<2048x128xf32>
    %dot_general3A = arith.constant dense<0.000000e+00> : vector<128x2048xf32>
    %dot_general3A_8 = tpu.matmul %get3A_4, %get3A_7, %dot_general3A {dimension_numbers = #tpu.dot_dimension_numbers<[1], [1], [0], [0], [0, 0, 1, 0], [], []>, transpose_lhs_hint = false} : vector<128x128xf32>, vector<2048x128xf32>, vector<128x2048xf32> -> vector<128x2048xf32>
    %add3A = arith.constant 1.000000e+00 : f32
    %add3A_9 = vector.broadcast %add3A : f32 to vector<128x2048xf32>
    %add3A_10 = arith.addf %dot_general3A_8, %add3A_9 : vector<128x2048xf32>
    %mul3A_11 = arith.constant 5.000000e-01 : f32
    %mul3A_12 = vector.broadcast %mul3A_11 : f32 to vector<128x2048xf32>
    %mul3A_13 = arith.mulf %add3A_10, %mul3A_12 : vector<128x2048xf32>
    %iota3A = tpu.iota {dimensions = array<i32: 1>} : vector<128x2048xi32>
    %reduce_max3A = arith.constant dense<0xFF800000> : vector<128xf32>
    %reduce_max3A_14 = vector.multi_reduction <maximumf>, %mul3A_13, %reduce_max3A [1] : vector<128x2048xf32> to vector<128xf32>
    %broadcast_in_dim3A = vector.shape_cast %reduce_max3A_14 : vector<128xf32> to vector<128x1xf32>
    %ge3A = vector.broadcast %broadcast_in_dim3A : vector<128x1xf32> to vector<128x2048xf32>
    %ge3A_15 = arith.cmpf oge, %mul3A_13, %ge3A : vector<128x2048xf32>
    %jit3A = arith.constant 2048 : i32
    %broadcast_in_dim3A_16 = vector.broadcast %jit3A : i32 to vector<128x2048xi32>
    %select_n3A = arith.select %ge3A_15, %iota3A, %broadcast_in_dim3A_16 : vector<128x2048xi1>, vector<128x2048xi32>
    %reduce_min3A = arith.constant dense<2147483647> : vector<128xi32>
    %reduce_min3A_17 = vector.multi_reduction <minsi>, %select_n3A, %reduce_min3A [1] : vector<128x2048xi32> to vector<128xi32>
    %broadcast_in_dim3A_18 = vector.shape_cast %reduce_min3A_17 : vector<128xi32> to vector<128x1xi32>
    %eq3A_19 = vector.broadcast %broadcast_in_dim3A_18 : vector<128x1xi32> to vector<128x2048xi32>
    %eq3A_20 = arith.cmpi eq, %iota3A, %eq3A_19 : vector<128x2048xi32>
    %jit3A_21 = arith.constant 0xFF800000 : f32
    %broadcast_in_dim3A_22 = vector.broadcast %jit3A_21 : f32 to vector<128x2048xf32>
    %select_n3A_23 = arith.select %eq3A_20, %broadcast_in_dim3A_22, %mul3A_13 : vector<128x2048xi1>, vector<128x2048xf32>
    %reduce_max3A_24 = arith.constant dense<0xFF800000> : vector<128xf32>
    %reduce_max3A_25 = vector.multi_reduction <maximumf>, %select_n3A_23, %reduce_max3A_24 [1] : vector<128x2048xf32> to vector<128xf32>
    %broadcast_in_dim3A_26 = vector.shape_cast %reduce_max3A_25 : vector<128xf32> to vector<128x1xf32>
    %ge3A_27 = vector.broadcast %broadcast_in_dim3A_26 : vector<128x1xf32> to vector<128x2048xf32>
    %ge3A_28 = arith.cmpf oge, %select_n3A_23, %ge3A_27 : vector<128x2048xf32>
    %jit3A_29 = arith.constant 2048 : i32
    %broadcast_in_dim3A_30 = vector.broadcast %jit3A_29 : i32 to vector<128x2048xi32>
    %select_n3A_31 = arith.select %ge3A_28, %iota3A, %broadcast_in_dim3A_30 : vector<128x2048xi1>, vector<128x2048xi32>
    %reduce_min3A_32 = arith.constant dense<2147483647> : vector<128xi32>
    %reduce_min3A_33 = vector.multi_reduction <minsi>, %select_n3A_31, %reduce_min3A_32 [1] : vector<128x2048xi32> to vector<128xi32>
    %broadcast_in_dim3A_34 = vector.shape_cast %reduce_min3A_33 : vector<128xi32> to vector<128x1xi32>
    %eq3A_35 = vector.broadcast %broadcast_in_dim3A_34 : vector<128x1xi32> to vector<128x2048xi32>
    %eq3A_36 = arith.cmpi eq, %iota3A, %eq3A_35 : vector<128x2048xi32>
    %jit3A_37 = arith.constant 0xFF800000 : f32
    %broadcast_in_dim3A_38 = vector.broadcast %jit3A_37 : f32 to vector<128x2048xf32>
    %select_n3A_39 = arith.select %eq3A_36, %broadcast_in_dim3A_38, %select_n3A_23 : vector<128x2048xi1>, vector<128x2048xf32>
    %reduce_max3A_40 = arith.constant dense<0xFF800000> : vector<128xf32>
    %reduce_max3A_41 = vector.multi_reduction <maximumf>, %select_n3A_39, %reduce_max3A_40 [1] : vector<128x2048xf32> to vector<128xf32>
    %broadcast_in_dim3A_42 = vector.shape_cast %reduce_max3A_41 : vector<128xf32> to vector<128x1xf32>
    %ge3A_43 = vector.broadcast %broadcast_in_dim3A_42 : vector<128x1xf32> to vector<128x2048xf32>
    %ge3A_44 = arith.cmpf oge, %select_n3A_39, %ge3A_43 : vector<128x2048xf32>
    %jit3A_45 = arith.constant 2048 : i32
    %broadcast_in_dim3A_46 = vector.broadcast %jit3A_45 : i32 to vector<128x2048xi32>
    %select_n3A_47 = arith.select %ge3A_44, %iota3A, %broadcast_in_dim3A_46 : vector<128x2048xi1>, vector<128x2048xi32>
    %reduce_min3A_48 = arith.constant dense<2147483647> : vector<128xi32>
    %reduce_min3A_49 = vector.multi_reduction <minsi>, %select_n3A_47, %reduce_min3A_48 [1] : vector<128x2048xi32> to vector<128xi32>
    %broadcast_in_dim3A_50 = vector.shape_cast %reduce_min3A_49 : vector<128xi32> to vector<128x1xi32>
    %eq3A_51 = vector.broadcast %broadcast_in_dim3A_50 : vector<128x1xi32> to vector<128x2048xi32>
    %eq3A_52 = arith.cmpi eq, %iota3A, %eq3A_51 : vector<128x2048xi32>
    %jit3A_53 = arith.constant 0xFF800000 : f32
    %broadcast_in_dim3A_54 = vector.broadcast %jit3A_53 : f32 to vector<128x2048xf32>
    %select_n3A_55 = arith.select %eq3A_52, %broadcast_in_dim3A_54, %select_n3A_39 : vector<128x2048xi1>, vector<128x2048xf32>
    %reduce_max3A_56 = arith.constant dense<0xFF800000> : vector<128xf32>
    %reduce_max3A_57 = vector.multi_reduction <maximumf>, %select_n3A_55, %reduce_max3A_56 [1] : vector<128x2048xf32> to vector<128xf32>
    %broadcast_in_dim3A_58 = vector.shape_cast %reduce_max3A_57 : vector<128xf32> to vector<128x1xf32>
    %ge3A_59 = vector.broadcast %broadcast_in_dim3A_58 : vector<128x1xf32> to vector<128x2048xf32>
    %ge3A_60 = arith.cmpf oge, %select_n3A_55, %ge3A_59 : vector<128x2048xf32>
    %jit3A_61 = arith.constant 2048 : i32
    %broadcast_in_dim3A_62 = vector.broadcast %jit3A_61 : i32 to vector<128x2048xi32>
    %select_n3A_63 = arith.select %ge3A_60, %iota3A, %broadcast_in_dim3A_62 : vector<128x2048xi1>, vector<128x2048xi32>
    %reduce_min3A_64 = arith.constant dense<2147483647> : vector<128xi32>
    %reduce_min3A_65 = vector.multi_reduction <minsi>, %select_n3A_63, %reduce_min3A_64 [1] : vector<128x2048xi32> to vector<128xi32>
    %broadcast_in_dim3A_66 = vector.shape_cast %reduce_min3A_65 : vector<128xi32> to vector<128x1xi32>
    %eq3A_67 = vector.broadcast %broadcast_in_dim3A_66 : vector<128x1xi32> to vector<128x2048xi32>
    %eq3A_68 = arith.cmpi eq, %iota3A, %eq3A_67 : vector<128x2048xi32>
    %jit3A_69 = arith.constant 0xFF800000 : f32
    %broadcast_in_dim3A_70 = vector.broadcast %jit3A_69 : f32 to vector<128x2048xf32>
    %select_n3A_71 = arith.select %eq3A_68, %broadcast_in_dim3A_70, %select_n3A_55 : vector<128x2048xi1>, vector<128x2048xf32>
    %reduce_max3A_72 = arith.constant dense<0xFF800000> : vector<128xf32>
    %reduce_max3A_73 = vector.multi_reduction <maximumf>, %select_n3A_71, %reduce_max3A_72 [1] : vector<128x2048xf32> to vector<128xf32>
    %broadcast_in_dim3A_74 = vector.shape_cast %reduce_max3A_73 : vector<128xf32> to vector<128x1xf32>
    %ge3A_75 = vector.broadcast %broadcast_in_dim3A_74 : vector<128x1xf32> to vector<128x2048xf32>
    %ge3A_76 = arith.cmpf oge, %select_n3A_71, %ge3A_75 : vector<128x2048xf32>
    %jit3A_77 = arith.constant 2048 : i32
    %broadcast_in_dim3A_78 = vector.broadcast %jit3A_77 : i32 to vector<128x2048xi32>
    %select_n3A_79 = arith.select %ge3A_76, %iota3A, %broadcast_in_dim3A_78 : vector<128x2048xi1>, vector<128x2048xi32>
    %reduce_min3A_80 = arith.constant dense<2147483647> : vector<128xi32>
    %reduce_min3A_81 = vector.multi_reduction <minsi>, %select_n3A_79, %reduce_min3A_80 [1] : vector<128x2048xi32> to vector<128xi32>
    %broadcast_in_dim3A_82 = vector.shape_cast %reduce_min3A_81 : vector<128xi32> to vector<128x1xi32>
    %eq3A_83 = vector.broadcast %broadcast_in_dim3A_82 : vector<128x1xi32> to vector<128x2048xi32>
    %eq3A_84 = arith.cmpi eq, %iota3A, %eq3A_83 : vector<128x2048xi32>
    %jit3A_85 = arith.constant 0xFF800000 : f32
    %broadcast_in_dim3A_86 = vector.broadcast %jit3A_85 : f32 to vector<128x2048xf32>
    %select_n3A_87 = arith.select %eq3A_84, %broadcast_in_dim3A_86, %select_n3A_71 : vector<128x2048xi1>, vector<128x2048xf32>
    %reduce_max3A_88 = arith.constant dense<0xFF800000> : vector<128xf32>
    %reduce_max3A_89 = vector.multi_reduction <maximumf>, %select_n3A_87, %reduce_max3A_88 [1] : vector<128x2048xf32> to vector<128xf32>
    %broadcast_in_dim3A_90 = vector.shape_cast %reduce_max3A_89 : vector<128xf32> to vector<128x1xf32>
    %ge3A_91 = vector.broadcast %broadcast_in_dim3A_90 : vector<128x1xf32> to vector<128x2048xf32>
    %ge3A_92 = arith.cmpf oge, %select_n3A_87, %ge3A_91 : vector<128x2048xf32>
    %jit3A_93 = arith.constant 2048 : i32
    %broadcast_in_dim3A_94 = vector.broadcast %jit3A_93 : i32 to vector<128x2048xi32>
    %select_n3A_95 = arith.select %ge3A_92, %iota3A, %broadcast_in_dim3A_94 : vector<128x2048xi1>, vector<128x2048xi32>
    %reduce_min3A_96 = arith.constant dense<2147483647> : vector<128xi32>
    %reduce_min3A_97 = vector.multi_reduction <minsi>, %select_n3A_95, %reduce_min3A_96 [1] : vector<128x2048xi32> to vector<128xi32>
    %broadcast_in_dim3A_98 = vector.shape_cast %reduce_min3A_97 : vector<128xi32> to vector<128x1xi32>
    %eq3A_99 = vector.broadcast %broadcast_in_dim3A_98 : vector<128x1xi32> to vector<128x2048xi32>
    %eq3A_100 = arith.cmpi eq, %iota3A, %eq3A_99 : vector<128x2048xi32>
    %jit3A_101 = arith.constant 0xFF800000 : f32
    %broadcast_in_dim3A_102 = vector.broadcast %jit3A_101 : f32 to vector<128x2048xf32>
    %select_n3A_103 = arith.select %eq3A_100, %broadcast_in_dim3A_102, %select_n3A_87 : vector<128x2048xi1>, vector<128x2048xf32>
    %reduce_max3A_104 = arith.constant dense<0xFF800000> : vector<128xf32>
    %reduce_max3A_105 = vector.multi_reduction <maximumf>, %select_n3A_103, %reduce_max3A_104 [1] : vector<128x2048xf32> to vector<128xf32>
    %broadcast_in_dim3A_106 = vector.shape_cast %reduce_max3A_105 : vector<128xf32> to vector<128x1xf32>
    %ge3A_107 = vector.broadcast %broadcast_in_dim3A_106 : vector<128x1xf32> to vector<128x2048xf32>
    %ge3A_108 = arith.cmpf oge, %select_n3A_103, %ge3A_107 : vector<128x2048xf32>
    %jit3A_109 = arith.constant 2048 : i32
    %broadcast_in_dim3A_110 = vector.broadcast %jit3A_109 : i32 to vector<128x2048xi32>
    %select_n3A_111 = arith.select %ge3A_108, %iota3A, %broadcast_in_dim3A_110 : vector<128x2048xi1>, vector<128x2048xi32>
    %reduce_min3A_112 = arith.constant dense<2147483647> : vector<128xi32>
    %reduce_min3A_113 = vector.multi_reduction <minsi>, %select_n3A_111, %reduce_min3A_112 [1] : vector<128x2048xi32> to vector<128xi32>
    %broadcast_in_dim3A_114 = vector.shape_cast %reduce_min3A_113 : vector<128xi32> to vector<128x1xi32>
    %eq3A_115 = vector.broadcast %broadcast_in_dim3A_114 : vector<128x1xi32> to vector<128x2048xi32>
    %eq3A_116 = arith.cmpi eq, %iota3A, %eq3A_115 : vector<128x2048xi32>
    %jit3A_117 = arith.constant 0xFF800000 : f32
    %broadcast_in_dim3A_118 = vector.broadcast %jit3A_117 : f32 to vector<128x2048xf32>
    %select_n3A_119 = arith.select %eq3A_116, %broadcast_in_dim3A_118, %select_n3A_103 : vector<128x2048xi1>, vector<128x2048xf32>
    %reduce_max3A_120 = arith.constant dense<0xFF800000> : vector<128xf32>
    %reduce_max3A_121 = vector.multi_reduction <maximumf>, %select_n3A_119, %reduce_max3A_120 [1] : vector<128x2048xf32> to vector<128xf32>
    %broadcast_in_dim3A_122 = vector.shape_cast %reduce_max3A_121 : vector<128xf32> to vector<128x1xf32>
    %ge3A_123 = vector.broadcast %broadcast_in_dim3A_122 : vector<128x1xf32> to vector<128x2048xf32>
    %ge3A_124 = arith.cmpf oge, %select_n3A_119, %ge3A_123 : vector<128x2048xf32>
    %jit3A_125 = arith.constant 2048 : i32
    %broadcast_in_dim3A_126 = vector.broadcast %jit3A_125 : i32 to vector<128x2048xi32>
    %select_n3A_127 = arith.select %ge3A_124, %iota3A, %broadcast_in_dim3A_126 : vector<128x2048xi1>, vector<128x2048xi32>
    %reduce_min3A_128 = arith.constant dense<2147483647> : vector<128xi32>
    %reduce_min3A_129 = vector.multi_reduction <minsi>, %select_n3A_127, %reduce_min3A_128 [1] : vector<128x2048xi32> to vector<128xi32>
    %broadcast_in_dim3A_130 = vector.shape_cast %reduce_min3A_129 : vector<128xi32> to vector<128x1xi32>
    %eq3A_131 = vector.broadcast %broadcast_in_dim3A_130 : vector<128x1xi32> to vector<128x2048xi32>
    %eq3A_132 = arith.cmpi eq, %iota3A, %eq3A_131 : vector<128x2048xi32>
    %jit3A_133 = arith.constant 0xFF800000 : f32
    %broadcast_in_dim3A_134 = vector.broadcast %jit3A_133 : f32 to vector<128x2048xf32>
    %select_n3A_135 = arith.select %eq3A_132, %broadcast_in_dim3A_134, %select_n3A_119 : vector<128x2048xi1>, vector<128x2048xf32>
    %reduce_max3A_136 = arith.constant dense<0xFF800000> : vector<128xf32>
    %reduce_max3A_137 = vector.multi_reduction <maximumf>, %select_n3A_135, %reduce_max3A_136 [1] : vector<128x2048xf32> to vector<128xf32>
    %broadcast_in_dim3A_138 = vector.shape_cast %reduce_max3A_137 : vector<128xf32> to vector<128x1xf32>
    %ge3A_139 = vector.broadcast %broadcast_in_dim3A_138 : vector<128x1xf32> to vector<128x2048xf32>
    %ge3A_140 = arith.cmpf oge, %select_n3A_135, %ge3A_139 : vector<128x2048xf32>
    %jit3A_141 = arith.constant 2048 : i32
    %broadcast_in_dim3A_142 = vector.broadcast %jit3A_141 : i32 to vector<128x2048xi32>
    %select_n3A_143 = arith.select %ge3A_140, %iota3A, %broadcast_in_dim3A_142 : vector<128x2048xi1>, vector<128x2048xi32>
    %reduce_min3A_144 = arith.constant dense<2147483647> : vector<128xi32>
    %reduce_min3A_145 = vector.multi_reduction <minsi>, %select_n3A_143, %reduce_min3A_144 [1] : vector<128x2048xi32> to vector<128xi32>
    %broadcast_in_dim3A_146 = vector.shape_cast %reduce_min3A_145 : vector<128xi32> to vector<128x1xi32>
    %eq3A_147 = vector.broadcast %broadcast_in_dim3A_146 : vector<128x1xi32> to vector<128x2048xi32>
    %eq3A_148 = arith.cmpi eq, %iota3A, %eq3A_147 : vector<128x2048xi32>
    %jit3A_149 = arith.constant 0xFF800000 : f32
    %broadcast_in_dim3A_150 = vector.broadcast %jit3A_149 : f32 to vector<128x2048xf32>
    %select_n3A_151 = arith.select %eq3A_148, %broadcast_in_dim3A_150, %select_n3A_135 : vector<128x2048xi1>, vector<128x2048xf32>
    %reduce_max3A_152 = arith.constant dense<0xFF800000> : vector<128xf32>
    %reduce_max3A_153 = vector.multi_reduction <maximumf>, %select_n3A_151, %reduce_max3A_152 [1] : vector<128x2048xf32> to vector<128xf32>
    %broadcast_in_dim3A_154 = vector.shape_cast %reduce_max3A_153 : vector<128xf32> to vector<128x1xf32>
    %ge3A_155 = vector.broadcast %broadcast_in_dim3A_154 : vector<128x1xf32> to vector<128x2048xf32>
    %ge3A_156 = arith.cmpf oge, %select_n3A_151, %ge3A_155 : vector<128x2048xf32>
    %jit3A_157 = arith.constant 2048 : i32
    %broadcast_in_dim3A_158 = vector.broadcast %jit3A_157 : i32 to vector<128x2048xi32>
    %select_n3A_159 = arith.select %ge3A_156, %iota3A, %broadcast_in_dim3A_158 : vector<128x2048xi1>, vector<128x2048xi32>
    %reduce_min3A_160 = arith.constant dense<2147483647> : vector<128xi32>
    %reduce_min3A_161 = vector.multi_reduction <minsi>, %select_n3A_159, %reduce_min3A_160 [1] : vector<128x2048xi32> to vector<128xi32>
    %broadcast_in_dim3A_162 = vector.shape_cast %reduce_min3A_161 : vector<128xi32> to vector<128x1xi32>
    %eq3A_163 = vector.broadcast %broadcast_in_dim3A_162 : vector<128x1xi32> to vector<128x2048xi32>
    %eq3A_164 = arith.cmpi eq, %iota3A, %eq3A_163 : vector<128x2048xi32>
    %jit3A_165 = arith.constant 0xFF800000 : f32
    %broadcast_in_dim3A_166 = vector.broadcast %jit3A_165 : f32 to vector<128x2048xf32>
    %select_n3A_167 = arith.select %eq3A_164, %broadcast_in_dim3A_166, %select_n3A_151 : vector<128x2048xi1>, vector<128x2048xf32>
    %eq3A_168 = arith.constant 0xFF800000 : f32
    %eq3A_169 = vector.broadcast %eq3A_168 : f32 to vector<128x2048xf32>
    %eq3A_170 = arith.cmpf oeq, %select_n3A_167, %eq3A_169 : vector<128x2048xf32>
    %jit3A_171 = arith.constant 1.000000e+00 : f32
    %jit3A_172 = arith.constant 0.000000e+00 : f32
    %broadcast_in_dim3A_173 = vector.broadcast %jit3A_171 : f32 to vector<128x2048xf32>
    %broadcast_in_dim3A_174 = vector.broadcast %jit3A_172 : f32 to vector<128x2048xf32>
    %select_n3A_175 = arith.select %eq3A_170, %broadcast_in_dim3A_173, %broadcast_in_dim3A_174 : vector<128x2048xi1>, vector<128x2048xf32>
    %convert_element_type3A_176 = arith.truncf %select_n3A_175 : vector<128x2048xf32> to vector<128x2048xbf16>
    %swap3A = arith.constant 0 : index
    %swap3A_177 = arith.constant 0 : index
    %swap3A_178 = arith.constant 0 : index
    %swap3A_179 = vector.load %arg4[%swap3A, %swap3A_177, %swap3A_178] : memref<1x128x2048xbf16, #tpu.memory_space<vmem>>, vector<1x128x2048xbf16>
    %swap3A_180 = vector.shape_cast %swap3A_179 : vector<1x128x2048xbf16> to vector<128x2048xbf16>
    %swap3A_181 = vector.shape_cast %convert_element_type3A_176 : vector<128x2048xbf16> to vector<1x128x2048xbf16>
    tpu.vector_store %arg4[%swap3A, %swap3A_177, %swap3A_178], %swap3A_181 {strides = array<i32>} : memref<1x128x2048xbf16, #tpu.memory_space<vmem>>, vector<1x128x2048xbf16>,
    %transpose3A = tpu.transpose %convert_element_type3A_176, [1, 0] : vector<128x2048xbf16> -> vector<2048x128xbf16>
    %swap3A_182 = arith.constant 0 : index
    %swap3A_183 = arith.constant 0 : index
    %swap3A_184 = arith.constant 0 : index
    %swap3A_185 = vector.load %arg5[%swap3A_182, %swap3A_183, %swap3A_184] : memref<1x2048x128xbf16, #tpu.memory_space<vmem>>, vector<1x2048x128xbf16>
    %swap3A_186 = vector.shape_cast %swap3A_185 : vector<1x2048x128xbf16> to vector<2048x128xbf16>
    %swap3A_187 = vector.shape_cast %transpose3A : vector<2048x128xbf16> to vector<1x2048x128xbf16>
    tpu.vector_store %arg5[%swap3A_182, %swap3A_183, %swap3A_184], %swap3A_187 {strides = array<i32>} : memref<1x2048x128xbf16, #tpu.memory_space<vmem>>, vector<1x2048x128xbf16>,
    return
  }
  func.func @transform_0(%arg0: i32, %arg1: i32) -> (i32, i32) {
    %c0_i32 = arith.constant 0 : i32
    %c0_i32_0 = arith.constant 0 : i32
    %c0_i32_1 = arith.constant 0 : i32
    return %c0_i32, %c0_i32_0 : i32, i32
  }
  func.func @transform_1(%arg0: i32, %arg1: i32) -> (i32, i32) {
    %c0_i32 = arith.constant 0 : i32
    %c0_i32_0 = arith.constant 0 : i32
    %c0_i32_1 = arith.constant 0 : i32
    return %c0_i32, %c0_i32_0 : i32, i32
  }
  func.func @transform_2(%arg0: i32, %arg1: i32) -> (i32, i32, i32) {
    %c0_i32 = arith.constant 0 : i32
    %c0_i32_0 = arith.constant 0 : i32
    return %arg0, %arg1, %c0_i32 : i32, i32, i32
  }
  func.func @transform_3(%arg0: i32, %arg1: i32) -> (i32, i32, i32) {
    %c0_i32 = arith.constant 0 : i32
    %c0_i32_0 = arith.constant 0 : i32
    return %arg0, %c0_i32, %arg1 : i32, i32, i32
  }
}

module attributes {stable_mosaic.version = 14 : i64} {
  func.func @_rownorm_body(%arg0: i32, %arg1: i32, %arg2: memref<1x128x2048xf32, #tpu.memory_space<vmem>>, %arg3: memref<1x128x2048xbf16, #tpu.memory_space<vmem>>, %arg4: memref<1x128x2048xbf16, #tpu.memory_space<vmem>>, %arg5: memref<1x128x2048xf32, #tpu.memory_space<vmem>>) attributes {dimension_semantics = [#tpu.dimension_semantics<arbitrary>, #tpu.dimension_semantics<arbitrary>], iteration_bounds = array<i64: 3, 16>, scalar_prefetch = 0 : i64, scratch_operands = 0 : i64, tpu.core_type = #tpu.core_type<tc>, window_params = [{transform_indices = @transform_0, window_bounds = array<i64: 1, 128, 2048>}, {transform_indices = @transform_1, window_bounds = array<i64: 1, 128, 2048>}, {transform_indices = @transform_2, window_bounds = array<i64: 1, 128, 2048>}, {transform_indices = @transform_3, window_bounds = array<i64: 1, 128, 2048>}]} {
    %get3A = arith.constant 0 : index
    %get3A_0 = arith.constant 0 : index
    %get3A_1 = arith.constant 0 : index
    %get3A_2 = vector.load %arg3[%get3A, %get3A_0, %get3A_1] : memref<1x128x2048xbf16, #tpu.memory_space<vmem>>, vector<1x128x2048xbf16>
    %get3A_3 = vector.shape_cast %get3A_2 : vector<1x128x2048xbf16> to vector<128x2048xbf16>
    %get3A_4 = arith.constant 0 : index
    %get3A_5 = arith.constant 0 : index
    %get3A_6 = arith.constant 0 : index
    %get3A_7 = vector.load %arg4[%get3A_4, %get3A_5, %get3A_6] : memref<1x128x2048xbf16, #tpu.memory_space<vmem>>, vector<1x128x2048xbf16>
    %get3A_8 = vector.shape_cast %get3A_7 : vector<1x128x2048xbf16> to vector<128x2048xbf16>
    %max3A = arith.maximumf %get3A_3, %get3A_8 : vector<128x2048xbf16>
    %convert_element_type3A = arith.extf %max3A : vector<128x2048xbf16> to vector<128x2048xf32>
    %eq3A = arith.constant 0 : i32
    %eq3A_9 = arith.cmpi eq, %arg0, %eq3A : i32
    %get3A_10 = arith.constant 0 : index
    %get3A_11 = arith.constant 0 : index
    %get3A_12 = arith.constant 0 : index
    %get3A_13 = vector.load %arg2[%get3A_10, %get3A_11, %get3A_12] : memref<1x128x2048xf32, #tpu.memory_space<vmem>>, vector<1x128x2048xf32>
    %get3A_14 = vector.shape_cast %get3A_13 : vector<1x128x2048xf32> to vector<128x2048xf32>
    %select_n3A = arith.select %eq3A_9, %get3A_14, %convert_element_type3A : vector<128x2048xf32>
    %mul3A = arith.constant 128 : i32
    %mul3A_15 = arith.muli %arg1, %mul3A : i32
    %iota3A = tpu.iota {dimensions = array<i32: 0>} : vector<128x1xi32>
    %add3A = vector.broadcast %mul3A_15 : i32 to vector<128x1xi32>
    %add3A_16 = arith.addi %add3A, %iota3A : vector<128x1xi32>
    %iota3A_17 = tpu.iota {dimensions = array<i32: 1>} : vector<128x2048xi32>
    %eq3A_18 = vector.broadcast %add3A_16 : vector<128x1xi32> to vector<128x2048xi32>
    %eq3A_19 = arith.cmpi eq, %iota3A_17, %eq3A_18 : vector<128x2048xi32>
    %jit3A = arith.constant 1.000000e+00 : f32
    %jit3A_20 = arith.constant 0.000000e+00 : f32
    %broadcast_in_dim3A = vector.broadcast %jit3A : f32 to vector<128x2048xf32>
    %broadcast_in_dim3A_21 = vector.broadcast %jit3A_20 : f32 to vector<128x2048xf32>
    %select_n3A_22 = arith.select %eq3A_19, %broadcast_in_dim3A, %broadcast_in_dim3A_21 : vector<128x2048xi1>, vector<128x2048xf32>
    %add3A_23 = arith.addf %select_n3A, %select_n3A_22 : vector<128x2048xf32>
    %reduce_sum3A = arith.constant dense<0.000000e+00> : vector<128xf32>
    %reduce_sum3A_24 = vector.multi_reduction <add>, %add3A_23, %reduce_sum3A [1] : vector<128x2048xf32> to vector<128xf32>
    %broadcast_in_dim3A_25 = vector.shape_cast %reduce_sum3A_24 : vector<128xf32> to vector<128x1xf32>
    %div3A = arith.constant 1.000000e+00 : f32
    %div3A_26 = vector.broadcast %div3A : f32 to vector<128x1xf32>
    %div3A_27 = arith.divf %div3A_26, %broadcast_in_dim3A_25 : vector<128x1xf32>
    %mul3A_28 = vector.broadcast %div3A_27 : vector<128x1xf32> to vector<128x2048xf32>
    %mul3A_29 = arith.mulf %add3A_23, %mul3A_28 : vector<128x2048xf32>
    %swap3A = arith.constant 0 : index
    %swap3A_30 = arith.constant 0 : index
    %swap3A_31 = arith.constant 0 : index
    %swap3A_32 = vector.load %arg5[%swap3A, %swap3A_30, %swap3A_31] : memref<1x128x2048xf32, #tpu.memory_space<vmem>>, vector<1x128x2048xf32>
    %swap3A_33 = vector.shape_cast %swap3A_32 : vector<1x128x2048xf32> to vector<128x2048xf32>
    %swap3A_34 = vector.shape_cast %mul3A_29 : vector<128x2048xf32> to vector<1x128x2048xf32>
    tpu.vector_store %arg5[%swap3A, %swap3A_30, %swap3A_31], %swap3A_34 {strides = array<i32>} : memref<1x128x2048xf32, #tpu.memory_space<vmem>>, vector<1x128x2048xf32>,
    return
  }
  func.func @transform_0(%arg0: i32, %arg1: i32) -> (i32, i32, i32) {
    %eq3A = arith.constant 0 : i32
    %eq3A_0 = arith.cmpi eq, %arg0, %eq3A : i32
    %convert_element_type3A = arith.extui %eq3A_0 : i1 to i32
    %mul3A = arith.muli %convert_element_type3A, %arg1 : i32
    %c0_i32 = arith.constant 0 : i32
    %c0_i32_1 = arith.constant 0 : i32
    %c0_i32_2 = arith.constant 0 : i32
    return %mul3A, %c0_i32, %c0_i32_1 : i32, i32, i32
  }
  func.func @transform_1(%arg0: i32, %arg1: i32) -> (i32, i32, i32) {
    %gt3A = arith.constant 0 : i32
    %gt3A_0 = arith.cmpi sgt, %arg0, %gt3A : i32
    %sub3A = arith.constant 1 : i32
    %sub3A_1 = arith.subi %arg0, %sub3A : i32
    %convert_element_type3A = arith.extui %gt3A_0 : i1 to i32
    %mul3A = arith.muli %convert_element_type3A, %sub3A_1 : i32
    %gt3A_2 = arith.constant 0 : i32
    %gt3A_3 = arith.cmpi sgt, %arg0, %gt3A_2 : i32
    %convert_element_type3A_4 = arith.extui %gt3A_3 : i1 to i32
    %mul3A_5 = arith.muli %convert_element_type3A_4, %arg1 : i32
    %c0_i32 = arith.constant 0 : i32
    %c0_i32_6 = arith.constant 0 : i32
    return %mul3A, %mul3A_5, %c0_i32 : i32, i32, i32
  }
  func.func @transform_2(%arg0: i32, %arg1: i32) -> (i32, i32, i32) {
    %gt3A = arith.constant 0 : i32
    %gt3A_0 = arith.cmpi sgt, %arg0, %gt3A : i32
    %sub3A = arith.constant 1 : i32
    %sub3A_1 = arith.subi %arg0, %sub3A : i32
    %convert_element_type3A = arith.extui %gt3A_0 : i1 to i32
    %mul3A = arith.muli %convert_element_type3A, %sub3A_1 : i32
    %gt3A_2 = arith.constant 0 : i32
    %gt3A_3 = arith.cmpi sgt, %arg0, %gt3A_2 : i32
    %convert_element_type3A_4 = arith.extui %gt3A_3 : i1 to i32
    %mul3A_5 = arith.muli %convert_element_type3A_4, %arg1 : i32
    %c0_i32 = arith.constant 0 : i32
    %c0_i32_6 = arith.constant 0 : i32
    return %mul3A, %mul3A_5, %c0_i32 : i32, i32, i32
  }
  func.func @transform_3(%arg0: i32, %arg1: i32) -> (i32, i32, i32) {
    %c0_i32 = arith.constant 0 : i32
    %c0_i32_0 = arith.constant 0 : i32
    return %arg0, %arg1, %c0_i32 : i32, i32, i32
  }
}

</mosaic_0001>

<sc_bundles>
// kernel: kernel.8.cloned.1.call-start
scs
__scs_entry_jumppad:
0x0: {  	(pc) =	sbr.rel $0x88, $3  }
0x1: {  	(tag) =	ssettag $0x0;
	lr =	simm.s32 $0x1  }
0x2: {  	[smem:$0x3F97] =	sst lr;
	_ =	strace $0xD0000000  }
0x3: {  	_ = 	snop  }
0x4: {  	_ = 	snop  }
0x5: {  	_ = 	snop  }
0x6: {  	_ = 	snop  }
0x7: {  	_ = 	snop  }
__scs_overlays_trampoline_lowered:
0x8: {  	[smem:$0x3FA6] =	sst s0  }
0x9: {  	[smem:$0x3FA7] =	sst s1  }
0xa: {  	[smem:$0x3FA8] =	sst s2  }
0xb: {  	[smem:$0x3FA9] =	sst s3  }
0xc: {  	[smem:$0x3FAA] =	sst s4  }
0xd: {  	[smem:$0x3FAB] =	sst s5  }
0xe: {  	[smem:$0x3FAC] =	sst s6  }
0xf: {  	[smem:$0x3FAD] =	sst s7  }
0x10: {  	[smem:$0x3FAE] =	sst s8  }
0x11: {  	[smem:$0x3FAF] =	sst s9;
	s0 =	simm.s32 @!p0 $0x0  }
0x12: {  	s1 =	sld [smem:$0x3F95];
	s0 =	simm.s32 @p0 $0x1  }
0x13: {  	[smem:$0x3FB0] =	sst s0;
	s0 =	simm.s32 @!p1 $0x0  }
0x14: {  	s2 =	sld [smem:$0x3F94];
	s0 =	simm.s32 @p1 $0x1  }
0x15: {  	[smem:$0x3FB1] =	sst s0;
	s0 =	simm.s32 @!p2 $0x0  }
0x16: {  	s3 =	sld [smem:$0x3FDB];
	s0 =	simm.s32 @p2 $0x1  }
0x17: {  	s4 =	simm.s32 $0x1BF5;
	[smem:$0x3FB3] =	sst s0  }
0x18: {  	s0 =	sld [smem:$0x3F96];
	_ =	swait.ge [sflag:s4], $0x0  }
0x19: {  	s7 =	sld [smem:$0x3F97]  }
0x1a: {  	s8 =	sadd.s32 $0xFFFFE003, lr  }
0x1b: {  	s9 =	sadd.s32 $0xFFFFFEF7, lr;
	s5 =	simm.s32 $0xFFFFFFFF;
	p2 =	slt.u32 s8, $0xFFFFF086  }
0x1c: {  	p1 =	slt.u32 s9, $0xF7A;
	s5 =	simm.s32 @!p2 $0x0  }
0x1d: {  	s5 =	simm.s32 @p1 $0x1;
	p0 =	seq.s32 s7, s2  }
0x1e: {  	s7 =	smul.u32 @!p0 $0xF7A, s2;
	p2 =	seq.s32 @!p0 s5, $0x0  }
0x1f: {  	s9 =	smul.u32 $0xF7A, s1;
	s8 =	simm.s32 @!p0 $0x1BF5;
	p2 =	por !p2, p0  }
0x20: {  	[sflag:s8] =	ssyncset.s32 @!p0 $0xFFFFF086;
	s6 =	sadd.s32 @!p0 s3, s7;
	s7 =	simm.s32 @!p0 $0x108  }
0x21: {  	s3 =	sadd.s32 s3, s9;
	s6 =	sadd.s32 @!p0 $0x88, s6;
	s7 =	simm.s32 @p2 $0x1082  }
0x22: {  	[simem:s7], [sflag:s8] =	dma.local @!p0 [hbm:s6], $0xF7A  }
0x23: {  	s9 =	sor.u32 $0xD0000000, s2;
	s6 =	simm.s32 $0x108;
	_ =	swait.ge @!p0 [sflag:s8], $0x0  }
0x24: {  	s3 =	sadd.s32 $0x88, s3;
	s6 =	simm.s32 @!p1 $0x1082;
	[sflag:s4] =	ssyncset.s32 $0xFFFFF086  }
0x25: {  	[simem:s6], [sflag:s4] =	dma.local [hbm:s3], $0xF7A  }
0x26: {  	[smem:$0x3F97] =	sst s1;
	(tag) =	ssettag s2;
	_ =	strace s9  }
0x27: {  	s1 =	sld [smem:$0x3FA7]  }
0x28: {  	s2 =	sld [smem:$0x3FA8]  }
0x29: {  	s4 =	sld [smem:$0x3FAA]  }
0x2a: {  	p0 =	seq.s32 s5, $0x0;
	s5 =	sld [smem:$0x3FAB]  }
0x2b: {  	s6 =	sld [smem:$0x3FAC]  }
0x2c: {  	s7 =	sld [smem:$0x3FAD]  }
0x2d: {  	s3 =	simm.s32 $0x108;
	s8 =	sld [smem:$0x3FAE]  }
0x2e: {  	s3 =	simm.s32 @!p0 $0x1082;
	s9 =	sld [smem:$0x3FAF]  }
0x2f: {  	lr =	sadd.s32 s0, s3;
	s0 =	sld [smem:$0x3FA6]  }
0x30: {  	s3 =	sld [smem:$0x3FA9]  }
0x31: {  	[smem:$0x3FB2] =	sst s10  }
0x32: {  	s10 =	sld [smem:$0x3FB0];
	_ =	sdelay $0x3  }
0x33: {  	p0 =	seq.s32 s10, $0x1;
	s10 =	sld [smem:$0x3FB2];
	_ =	sdelay $0x3  }
0x34: {  	[smem:$0x3FB2] =	sst s10  }
0x35: {  	s10 =	sld [smem:$0x3FB1];
	_ =	sdelay $0x3  }
0x36: {  	p1 =	seq.s32 s10, $0x1;
	s10 =	sld [smem:$0x3FB2];
	_ =	sdelay $0x3  }
0x37: {  	[smem:$0x3FB2] =	sst s10  }
0x38: {  	s10 =	sld [smem:$0x3FB3]  }
0x39: {  	_ = 	snop;
	(pc) =	sbr.ind lr, $3  }
0x3a: {  	_ = 	snop  }
0x3b: {  	_ = 	snop  }
0x3c: {  	p2 =	seq.s32 s10, $0x1;
	s10 =	sld [smem:$0x3FB2]  }
0x3d: {  	_ =	shalt  }
0x3e: {  	_ =	shalt  }
0x3f: {  	_ =	shalt  }
0x40: {  	_ =	shalt  }
0x41: {  	_ =	shalt  }
0x42: {  	_ =	shalt  }
0x43: {  	_ =	shalt  }
0x44: {  	_ =	shalt  }
0x45: {  	_ =	shalt  }
0x46: {  	_ =	shalt  }
0x47: {  	_ =	shalt  }
0x48: {  	_ =	shalt  }
0x49: {  	_ =	shalt  }
0x4a: {  	_ =	shalt  }
0x4b: {  	_ =	shalt  }
0x4c: {  	_ =	shalt  }
0x4d: {  	_ =	shalt  }
0x4e: {  	_ =	shalt  }
0x4f: {  	_ =	shalt  }
0x50: {  	_ =	shalt  }
0x51: {  	_ =	shalt  }
0x52: {  	_ =	shalt  }
0x53: {  	_ =	shalt  }
0x54: {  	_ =	shalt  }
0x55: {  	_ =	shalt  }
0x56: {  	_ =	shalt  }
0x57: {  	_ =	shalt  }
0x58: {  	_ =	shalt  }
0x59: {  	_ =	shalt  }
0x5a: {  	_ =	shalt  }
0x5b: {  	_ =	shalt  }
0x5c: {  	_ =	shalt  }
0x5d: {  	_ =	shalt  }
0x5e: {  	_ =	shalt  }
0x5f: {  	_ =	shalt  }
0x60: {  	_ =	shalt  }
0x61: {  	_ =	shalt  }
0x62: {  	_ =	shalt  }
0x63: {  	_ =	shalt  }
0x64: {  	_ =	shalt  }
0x65: {  	_ =	shalt  }
0x66: {  	_ =	shalt  }
0x67: {  	_ =	shalt  }
0x68: {  	_ =	shalt  }
0x69: {  	_ =	shalt  }
0x6a: {  	_ =	shalt  }
0x6b: {  	_ =	shalt  }
0x6c: {  	_ =	shalt  }
0x6d: {  	_ =	shalt  }
0x6e: {  	_ =	shalt  }
0x6f: {  	_ =	shalt  }
0x70: {  	_ =	shalt  }
0x71: {  	_ =	shalt  }
0x72: {  	_ =	shalt  }
0x73: {  	_ =	shalt  }
0x74: {  	_ =	shalt  }
0x75: {  	_ =	shalt  }
0x76: {  	_ =	shalt  }
0x77: {  	_ =	shalt  }
0x78: {  	_ =	shalt  }
0x79: {  	_ =	shalt  }
0x7a: {  	_ =	shalt  }
0x7b: {  	_ =	shalt  }
0x7c: {  	_ =	shalt  }
0x7d: {  	_ =	shalt  }
0x7e: {  	_ =	shalt  }
0x7f: {  	_ =	shalt  }
0x80: {  	_ =	shalt  }
0x81: {  	_ =	shalt  }
0x82: {  	_ =	shalt  }
0x83: {  	_ =	shalt  }
0x84: {  	_ =	shalt  }
0x85: {  	_ =	shalt  }
0x86: {  	_ =	shalt  }
0x87: {  	_ =	shalt  }
.Lfunc_end0:
.L_simem_size_0:
called_computation_lowered:
.L_overlay_start_0:
0x88: {  	s2 =	sld [smem:$0x3FD9]  }
0x89: {  	s3 =	sld [smem:$0x3FFE];
	_ =	sdelay $0x1  }
0x8a: {  	s1 =	srdreg.scid  }
0x8b: {  	s0 =	sand.u32 $0x1, s1  }
0x8c: {  	s17 =	sshll.u32 s0, $0xA;
	s2 =	sadd.s32 s3, s2  }
0x8d: {  	s2 =	sadd.s32 s2, s17  }
0x8e: {  	[smem:$0x3FBE] =	sst s2  }
0x8f: {  	_ = 	snop  }
0x90: {  	s2 =	sld [smem:$0x3FD0];
	(tm) =	ssettm $0x1  }
0x91: {  	s18 =	sld [smem:$0x3FFB];
	_ =	sdelay $0x3  }
0x92: {  	_ =	strace s18  }
0x93: {  	s3 =	sld [smem:$0x3FFC];
	_ =	sdelay $0x3  }
0x94: {  	_ =	strace s3  }
0x95: {  	s3 =	sld [smem:$0x3FFD];
	_ =	sdelay $0x3  }
0x96: {  	_ =	strace s3  }
0x97: {  	_ =	strace $0x8FFFFFFF  }
0x98: {  	s19 =	sld [smem:$0x3FDB];
	_ =	sdelay $0x1  }
0x99: {  	s4 =	simm.s32 $_scs_section_size  }
0x9a: {  	s5 =	simm.s32 $_size__tile_overlayer_lowered;
	s6 =	simm.s32 $_tile_overlayer_lowered  }
0x9b: {  	s22 =	simm.s32 $0x1BFF;
	s21 =	sshll.u32 s6, $0x1;
	s3 =	sadd.s32 s4, s19  }
0x9c: {  	s7 =	simm.s32 $0x0;
	s20 =	sshll.u32 s5, $0x1;
	s5 =	sadd.s32 s21, s3  }
0x9d: {  	[timem:s7], [sflag:s22] =	dma.local [hbm:s5], s20  }
0x9e: {  	_ =	swait.ge [sflag:s22], s20  }
0x9f: {  	s4 =	ssub.s32 $0x0, s20;
	[sflag:s22] =	ssyncset.done $0x0  }
0xa0: {  	[sflag:s22] =	ssyncadd.s32 s4;
	_ =	sdelay $0x1  }
0xa1: {  	s23 =	simm.s32 $0x1B8B  }
0xa2: {  	_ =	swait.ge [sflag:s23], $0x1  }
0xa3: {  	[sflag:s23] =	ssyncset.done $0x0  }
0xa4: {  	s25 =	simm.s32 $0x1B8E;
	s24 =	sld [smem:$0x3FFE];
	[sflag:s23] =	ssyncadd.s32 $0xFFFFFFFF  }
0xa5: {  	s26 =	simm.s32 $execute0_lowered;
	[smem:$0x3FD2] =	sst s25  }
0xa6: {  	s5 =	sshll.u32 s26, $0x1;
	_ =	strace $0x80000046;
	[dreg:$0x1] =	wrdreg $0xFFFFFFFF  }
0xa7: {  	s28 =	simm.s32 $_size_execute0_lowered;
	s3 =	sadd.s32 s3, s5;
	[dreg:$0x0] =	wrdreg $0x0  }
0xa8: {  	s5 =	sshll.u32 s28, $0x1;
	[dreg:$0x2] =	wrdreg s3  }
0xa9: {  	[dreg:$0x3] =	wrdreg s5  }
0xaa: {  	[dreg:$0x4] =	wrdreg $0xC0  }
0xab: {  	_ =	task [dreg:s7], $0x5FFFF  }
0xac: {  	[dreg:$0x1] =	wrdreg $0xFFFFFFFF  }
0xad: {  	[dreg:$0x0] =	wrdreg $0x60  }
0xae: {  	[dreg:$0x2] =	wrdreg s24  }
0xaf: {  	[dreg:$0x3] =	wrdreg s2  }
0xb0: {  	[dreg:$0x4] =	wrdreg $0xD0000  }
0xb1: {  	[dreg:$0x5] =	wrdreg $0x9  }
0xb2: {  	_ =	task.clear_ibuf [dreg:s7], $0x6FFFF;
	_ =	strace $0x90000046  }
0xb3: {  	s29 =	simm.s32 $0x9;
	_ =	strace $0x80000048  }
0xb4: {  	_ =	swait.ge [sflag:s29], $0x1  }
0xb5: {  	[sflag:s29] =	ssyncadd.s32 $0xFFFFFFFF  }
0xb6: {  	_ =	strace $0x90000048  }
0xb7: {  	_ =	sfence  }
0xb8: {  	s30 =	sld [smem:$0x0];
	_ =	sdelay $0x2  }
0xb9: {  	s31 =	sshll.u32 s1, $0xD;
	s1 =	sshrl.u32 s1, $0x2  }
0xba: {  	s3 =	sand.u32 $0x4000, s31;
	s1 =	sadd.s32 s1, s30  }
0xbb: {  	s0 =	sor.u32 s3, s0;
	s1 =	sshll.u32 s1, $0x11  }
0xbc: {  	s0 =	sor.u32 s1, s0  }
0xbd: {  	s0 =	sadd.s32 $0x8F2B, s0  }
0xbe: {  	[sflag:s0] =	ssyncadd.remote.s32 $0x1  }
0xbf: {  	_ =	sfence.sel $0xFFFF  }
0xc0: {  	[dreg:$0x0] =	wrdreg $0xFFFFFFFF;
	(pc) =	sbr.abs _section_cstart, $3  }
0xc1: {  	[dreg:$0x1] =	wrdreg $0xFFFFFFFF  }
0xc2: {  	_ =	task.clear_ibuf [dreg:s7], $0x2FFFF;
	_ =	strace $0x9FFFFFFF  }
0xc3: {  	(tm) =	ssettm $0x7FFFFFFF  }
tec
execute0_lowered:
.L_overlay_start_1:
0x0: {  	(tag) =	ssettag $0x1  }
0x1: {  	s0 =	rddreg [dreg:$0x0]  }
0x2: {  	s12 =	rddreg [dreg:$0x1]  }
0x3: {  	s1 =	rddreg [dreg:$0x2];
	s2 =	srdreg.scid  }
0x4: {  	s3 =	simm.s32 $0x0;
	s17 =	simm.s32 $0x2000;
	s18 =	simm.s32 $0x5000  }
0x5: {  	s19 =	simm.s32 $0x2;
	s21 =	simm.s32 $0x1;
	s22 =	simm.s32 $0x0  }
0x6: {  	s8 =	sand.u32 $0x1, s2;
	s2 =	stileid.u32;
	[smem:$0x7FF] =	sst s3  }
0x7: {  	s15 =	sadd.s32 $0x1000, s12;
	s4 =	ssub.s32 $0x2, s8;
	s5 =	sshll.u32 s2, $0x9  }
0x8: {  	_ =	strace $0x80000047;
	s7 =	sshll.u32 s2, $0xD;
	s31 =	sshll.u32 s8, $0x15  }
0x9: {  	s10 =	sshll.u32 s2, $0x10;
	s6 =	sshrl.u32 s4, $0x1;
	s0 =	sadd.s32 s5, s0  }
0xa: {  	s8 =	sadd.s32 s10, s1;
	s11 =	sor.u32 s10, s31;
	s20 =	sor.u32 $0x100000, s31  }
0xb: {  	s14 =	ssub.s32 s4, s6;
	s4 =	sadd.s32 $0xC00, s0;
	s5 =	sadd.s32 $0x2C00, s0  }
0xc: {  	s6 =	sadd.s32 $0x4C00, s0;
	s9 =	sadd.s32 $0x8000, s8;
	s11 =	sshrl.u32 s11, $0x3  }
0xd: {  	s13 =	sor.u32 s10, s20;
	v1 =	vmov s20;
	s20 =	simm.s32 $0x80;
	s10 =	sadd.s32 s12, s11  }
0xe: {  	s13 =	sshrl.u32 s13, $0x3;
	s11 =	sadd.s32 s11, s15;
	s14 =	smax.u32 s14, $0x1  }
0xf: {  	v2 =	vimm.f32 $0.0e+00;
	v3 =	vlaneseq.u32;
	v0 =	vmov s31;
	s12 =	sadd.s32 s12, s13;
	s13 =	sadd.s32 s13, s15;
	s15 =	simm.s32 $0x3  }
.LBB2_1:
0x10: {  	[tilespmem:s3], [sflag:$0x3] =	stream.linear.gather [hbm4b:s4+s3], $0x1000, $0x38;
	[tilespmem:$0x1F000] =	vst v63  }
0x11: {  	_ =	swait.ge [sflag:s15], $0x1000  }
0x12: {  	[sflag:s15] =	ssyncset.done $0x0  }
0x13: {  	s0 =	simm.s32 $0x1000;
	[sflag:s15] =	ssyncadd.s32 $0xFFFFF000  }
0x14: {  	[tilespmem:s0], [sflag:$0x3] =	stream.linear.gather [hbm4b:s5+s3], $0x1000, $0x38;
	[tilespmem:$0x1F000] =	vst v63  }
0x15: {  	_ =	swait.ge [sflag:s15], $0x1000  }
0x16: {  	[sflag:s15] =	ssyncset.done $0x0  }
0x17: {  	[sflag:s15] =	ssyncadd.s32 $0xFFFFF000  }
0x18: {  	[tilespmem:s17], [sflag:$0x3] =	stream.linear.gather [hbm4b:s6+s3], $0x1000, $0x38;
	[tilespmem:$0x1F000] =	vst v63  }
0x19: {  	_ =	swait.ge [sflag:s15], $0x1000  }
0x1a: {  	[sflag:s15] =	ssyncset.done $0x0  }
0x1b: {  	s23 =	simm.s32 $0x0;
	s0 =	simm.s32 $0x40;
	[sflag:s15] =	ssyncadd.s32 $0xFFFFF000  }
.LBB2_2:
0x1c: {  	p0 =	sne.s32 s0, $0x1FFC0;
	[tilespmem:s23+$0x5000] =	vst v2;
	s23 =	smov.u32 s0;
	s0 =	sadd.s32 $0x40, s0  }
.Ltmp0:
0x1d: {  	(pc) =	sbr.rel @p0 .LBB2_2-.Ltmp0, $2  }
0x1e: {  	_ =	sdelay $0x2  }
0x1f: {  	s23 =	sshra.s32 s23, $0x2  }
0x20: {  	[tilespmem:s23+$0x5000] =	vst v2  }
0x21: {  	[spmem:s8] =	stream.linear.scatter [tilespmem:s18], [sflag:$0x2], $0x8000, $0x38;
	[tilespmem:$0x1F000] =	vst v63  }
0x22: {  	s0 =	simm.s32 $0x40  }
0x23: {  	[spmem:s9] =	stream.linear.scatter [tilespmem:s18], [sflag:$0x2], $0x8000, $0x38;
	[tilespmem:$0x1F000] =	vst v63  }
0x24: {  	v4 =	vld [tilespmem:s0+$0xFFFFFFC0];
	_ =	sdelay $0x3  }
0x25: {  	s24 =	sadd.s32 $0x0, s7  }
0x26: {  	s31 =	sadd.s32 $0x100000, s24;
	v4 =	vsub.s32 v4, v0  }
0x27: {  	v5 =	vor.u32 s31, v3;
	vm0 =	vlt.u32 v4, $0x100000  }
0x28: {  	s23 =	simm.s32 $0x3040;
	v4 =	vsel vm0, v4, v5  }
0x29: {  	[tilespmem:s23+$0xFFFFFFC0] =	vst v4  }
0x2a: {  	v4 =	vld [tilespmem:s0+$0xFFFFFFD0];
	_ =	sdelay $0x4  }
0x2b: {  	s25 =	sadd.s32 $0x100010, s24;
	v4 =	vsub.s32 v4, v0  }
0x2c: {  	v5 =	vor.u32 s25, v3;
	vm9 =	vlt.u32 v4, $0x100000  }
0x2d: {  	v4 =	vsel vm9, v4, v5  }
0x2e: {  	[tilespmem:s23+$0xFFFFFFD0] =	vst v4  }
0x2f: {  	v4 =	vld [tilespmem:s0+$0xFFFFFFE0];
	_ =	sdelay $0x4  }
0x30: {  	s16 =	sadd.s32 $0x100020, s24;
	v4 =	vsub.s32 v4, v0  }
0x31: {  	v5 =	vor.u32 s16, v3;
	vm10 =	vlt.u32 v4, $0x100000  }
0x32: {  	v4 =	vsel vm10, v4, v5  }
0x33: {  	[tilespmem:s23+$0xFFFFFFE0] =	vst v4  }
0x34: {  	v4 =	vld [tilespmem:s0+$0xFFFFFFF0];
	_ =	sdelay $0x4  }
0x35: {  	s26 =	sadd.s32 $0x100030, s24;
	v4 =	vsub.s32 v4, v0  }
0x36: {  	v5 =	vor.u32 s26, v3;
	vm11 =	vlt.u32 v4, $0x100000  }
0x37: {  	v4 =	vsel vm11, v4, v5  }
0x38: {  	[tilespmem:s23+$0xFFFFFFF0] =	vst v4  }
0x39: {  	v4 =	vld [tilespmem:s0+$0x0];
	_ =	sdelay $0x4  }
0x3a: {  	s28 =	sadd.s32 $0x100040, s24;
	v4 =	vsub.s32 v4, v0  }
0x3b: {  	v5 =	vor.u32 s28, v3;
	vm12 =	vlt.u32 v4, $0x100000  }
0x3c: {  	v4 =	vsel vm12, v4, v5  }
0x3d: {  	[tilespmem:s23+$0x0] =	vst v4  }
0x3e: {  	v4 =	vld [tilespmem:s0+$0x10];
	_ =	sdelay $0x4  }
0x3f: {  	s29 =	sadd.s32 $0x100050, s24;
	v4 =	vsub.s32 v4, v0  }
0x40: {  	v5 =	vor.u32 s29, v3;
	vm13 =	vlt.u32 v4, $0x100000  }
0x41: {  	v4 =	vsel vm13, v4, v5  }
0x42: {  	[tilespmem:s23+$0x10] =	vst v4  }
0x43: {  	v4 =	vld [tilespmem:s0+$0x20];
	_ =	sdelay $0x4  }
0x44: {  	s30 =	sadd.s32 $0x100060, s24;
	v4 =	vsub.s32 v4, v0  }
0x45: {  	v5 =	vor.u32 s30, v3;
	vm14 =	vlt.u32 v4, $0x100000  }
0x46: {  	v4 =	vsel vm14, v4, v5  }
0x47: {  	[tilespmem:s23+$0x20] =	vst v4  }
0x48: {  	v4 =	vld [tilespmem:s0+$0x30];
	_ =	sdelay $0x4  }
0x49: {  	s31 =	sadd.s32 $0x100070, s24;
	v4 =	vsub.s32 v4, v0  }
0x4a: {  	v5 =	vor.u32 s31, v3;
	vm15 =	vlt.u32 v4, $0x100000  }
0x4b: {  	v4 =	vsel vm15, v4, v5  }
0x4c: {  	s24 =	simm.s32 $0xC0;
	[tilespmem:s23+$0x30] =	vst v4  }
0x4d: {  	s25 =	simm.s32 $0x80;
	s26 =	simm.s32 $0x100;
	v4 =	vld [tilespmem:s24+$0xFFFFFFC0]  }
.LBB2_4:
0x4e: {  	p0 =	sne.s32 s26, $0x1F80;
	_ =	sdelay $0x2  }
0x4f: {  	s28 =	sadd.s32 s25, s7;
	s25 =	smov.u32 s26  }
0x50: {  	s0 =	sadd.s32 $0x100000, s28;
	v4 =	vsub.s32 v4, v0  }
0x51: {  	v5 =	vor.u32 s0, v3;
	vm0 =	vlt.u32 v4, $0x100000  }
0x52: {  	s23 =	sadd.s32 $0x80, s23;
	v4 =	vsel vm0, v4, v5  }
0x53: {  	[tilespmem:s23+$0xFFFFFFC0] =	vst v4  }
0x54: {  	v4 =	vld [tilespmem:s24+$0xFFFFFFD0];
	_ =	sdelay $0x4  }
0x55: {  	s0 =	sadd.s32 $0x100010, s28;
	v4 =	vsub.s32 v4, v0  }
0x56: {  	v5 =	vor.u32 s0, v3;
	vm0 =	vlt.u32 v4, $0x100000  }
0x57: {  	v4 =	vsel vm0, v4, v5  }
0x58: {  	[tilespmem:s23+$0xFFFFFFD0] =	vst v4  }
0x59: {  	v4 =	vld [tilespmem:s24+$0xFFFFFFE0];
	_ =	sdelay $0x4  }
0x5a: {  	s0 =	sadd.s32 $0x100020, s28;
	v4 =	vsub.s32 v4, v0  }
0x5b: {  	v5 =	vor.u32 s0, v3;
	vm0 =	vlt.u32 v4, $0x100000  }
0x5c: {  	v4 =	vsel vm0, v4, v5  }
0x5d: {  	[tilespmem:s23+$0xFFFFFFE0] =	vst v4  }
0x5e: {  	v4 =	vld [tilespmem:s24+$0xFFFFFFF0];
	_ =	sdelay $0x4  }
0x5f: {  	s0 =	sadd.s32 $0x100030, s28;
	v4 =	vsub.s32 v4, v0  }
0x60: {  	v5 =	vor.u32 s0, v3;
	vm0 =	vlt.u32 v4, $0x100000  }
0x61: {  	v4 =	vsel vm0, v4, v5  }
0x62: {  	[tilespmem:s23+$0xFFFFFFF0] =	vst v4  }
0x63: {  	v4 =	vld [tilespmem:s24+$0x0];
	_ =	sdelay $0x4  }
0x64: {  	s0 =	sadd.s32 $0x100040, s28;
	v4 =	vsub.s32 v4, v0  }
0x65: {  	v5 =	vor.u32 s0, v3;
	vm0 =	vlt.u32 v4, $0x100000  }
0x66: {  	v4 =	vsel vm0, v4, v5  }
0x67: {  	[tilespmem:s23+$0x0] =	vst v4  }
0x68: {  	v4 =	vld [tilespmem:s24+$0x10];
	_ =	sdelay $0x4  }
0x69: {  	s0 =	sadd.s32 $0x100050, s28;
	v4 =	vsub.s32 v4, v0  }
0x6a: {  	v5 =	vor.u32 s0, v3;
	vm0 =	vlt.u32 v4, $0x100000  }
0x6b: {  	v4 =	vsel vm0, v4, v5  }
0x6c: {  	[tilespmem:s23+$0x10] =	vst v4  }
0x6d: {  	v4 =	vld [tilespmem:s24+$0x20];
	_ =	sdelay $0x4  }
0x6e: {  	s0 =	sadd.s32 $0x100060, s28;
	v4 =	vsub.s32 v4, v0  }
0x6f: {  	v5 =	vor.u32 s0, v3;
	vm0 =	vlt.u32 v4, $0x100000  }
0x70: {  	v4 =	vsel vm0, v4, v5  }
0x71: {  	[tilespmem:s23+$0x20] =	vst v4  }
0x72: {  	v4 =	vld [tilespmem:s24+$0x30];
	_ =	sdelay $0x4  }
.Ltmp1:
0x73: {  	s0 =	sadd.s32 $0x100070, s28;
	v4 =	vsub.s32 v4, v0;
	(pc) =	sbr.rel @p0 .LBB2_4-.Ltmp1, $4  }
0x74: {  	v5 =	vor.u32 s0, v3;
	vm0 =	vlt.u32 v4, $0x100000  }
0x75: {  	v4 =	vsel vm0, v4, v5  }
0x76: {  	s24 =	sadd.s32 $0x80, s24;
	[tilespmem:s23+$0x30] =	vst v4  }
0x77: {  	s26 =	sadd.s32 $0x80, s26;
	v4 =	vld [tilespmem:s24+$0xFFFFFFC0]  }
0x78: {  	_ =	sdelay $0x2  }
0x79: {  	s0 =	sadd.s32 s25, s7  }
0x7a: {  	s25 =	sadd.s32 $0x100000, s0;
	v4 =	vsub.s32 v4, v0  }
0x7b: {  	v5 =	vor.u32 s25, v3;
	vm0 =	vlt.u32 v4, $0x100000  }
0x7c: {  	s23 =	sadd.s32 $0x80, s23;
	v4 =	vsel vm0, v4, v5  }
0x7d: {  	[tilespmem:s23+$0xFFFFFFC0] =	vst v4  }
0x7e: {  	v4 =	vld [tilespmem:s24+$0xFFFFFFD0];
	_ =	sdelay $0x4  }
0x7f: {  	s31 =	sadd.s32 $0x100010, s0;
	v4 =	vsub.s32 v4, v0  }
0x80: {  	v5 =	vor.u32 s31, v3;
	vm9 =	vlt.u32 v4, $0x100000  }
0x81: {  	v4 =	vsel vm9, v4, v5  }
0x82: {  	[tilespmem:s23+$0xFFFFFFD0] =	vst v4  }
0x83: {  	v4 =	vld [tilespmem:s24+$0xFFFFFFE0];
	_ =	sdelay $0x4  }
0x84: {  	s16 =	sadd.s32 $0x100020, s0;
	v4 =	vsub.s32 v4, v0  }
0x85: {  	v5 =	vor.u32 s16, v3;
	vm10 =	vlt.u32 v4, $0x100000  }
0x86: {  	v4 =	vsel vm10, v4, v5  }
0x87: {  	[tilespmem:s23+$0xFFFFFFE0] =	vst v4  }
0x88: {  	v4 =	vld [tilespmem:s24+$0xFFFFFFF0];
	_ =	sdelay $0x4  }
0x89: {  	s26 =	sadd.s32 $0x100030, s0;
	v4 =	vsub.s32 v4, v0  }
0x8a: {  	v5 =	vor.u32 s26, v3;
	vm11 =	vlt.u32 v4, $0x100000  }
0x8b: {  	v4 =	vsel vm11, v4, v5  }
0x8c: {  	[tilespmem:s23+$0xFFFFFFF0] =	vst v4  }
0x8d: {  	v4 =	vld [tilespmem:s24+$0x0];
	_ =	sdelay $0x4  }
0x8e: {  	s30 =	sadd.s32 $0x100040, s0;
	v4 =	vsub.s32 v4, v0  }
0x8f: {  	v5 =	vor.u32 s30, v3;
	vm12 =	vlt.u32 v4, $0x100000  }
0x90: {  	v4 =	vsel vm12, v4, v5  }
0x91: {  	[tilespmem:s23+$0x0] =	vst v4  }
0x92: {  	v4 =	vld [tilespmem:s24+$0x10];
	_ =	sdelay $0x4  }
0x93: {  	s31 =	sadd.s32 $0x100050, s0;
	v4 =	vsub.s32 v4, v0  }
0x94: {  	v5 =	vor.u32 s31, v3;
	vm13 =	vlt.u32 v4, $0x100000  }
0x95: {  	v4 =	vsel vm13, v4, v5  }
0x96: {  	[tilespmem:s23+$0x10] =	vst v4  }
0x97: {  	v4 =	vld [tilespmem:s24+$0x20];
	_ =	sdelay $0x4  }
0x98: {  	s16 =	sadd.s32 $0x100060, s0;
	v4 =	vsub.s32 v4, v0  }
0x99: {  	v5 =	vor.u32 s16, v3;
	vm14 =	vlt.u32 v4, $0x100000  }
0x9a: {  	v4 =	vsel vm14, v4, v5  }
0x9b: {  	[tilespmem:s23+$0x20] =	vst v4  }
0x9c: {  	v4 =	vld [tilespmem:s24+$0x30];
	_ =	sdelay $0x4  }
0x9d: {  	s0 =	sadd.s32 $0x100070, s0;
	v4 =	vsub.s32 v4, v0  }
0x9e: {  	v5 =	vor.u32 s0, v3;
	vm15 =	vlt.u32 v4, $0x100000  }
0x9f: {  	v4 =	vsel vm15, v4, v5  }
0xa0: {  	[tilespmem:s23+$0x30] =	vst v4  }
0xa1: {  	_ =	swait.ge [sflag:s19], $0x8000  }
0xa2: {  	s23 =	simm.s32 $0x0;
	[sflag:s19] =	ssyncset.done $0x0  }
0xa3: {  	s0 =	sand.u32 $0xFFFFC000, s23;
	[sflag:s19] =	ssyncadd.s32 $0xFFFF8000  }
0xa4: {  	s0 =	ssub.s32 $0x0, s0;
	_ =	swait.ge [sflag:s19], $0x8000  }
0xa5: {  	s0 =	sshra.s32 s0, $0x2;
	[sflag:s19] =	ssyncset.done $0x0  }
0xa6: {  	s0 =	sadd.s32 $0x0, s0;
	[sflag:s19] =	ssyncadd.s32 $0xFFFF8000  }
0xa7: {  	s24 =	simm.s32 $0x3000;
	s25 =	sadd.s32 $0x2000, s0;
	[bflag:$0x0] =	sbarrier.arrive $0xFFFF  }
0xa8: {  	[spmem:s1] =	stream.indirect.scatter [tilespmem:s25], [sflag:$0x1], $0x1, s24, s20, $0xb8;
	[tilespmem:$0x1F000] =	vst v63  }
0xa9: {  	s30 =	simm.s32 $0x3080;
	s26 =	sadd.s32 $0x2080, s0  }
0xaa: {  	[spmem:s1] =	stream.indirect.scatter [tilespmem:s26], [sflag:$0x1], $0x1, s30, s20, $0xb8;
	[tilespmem:$0x1F000] =	vst v63  }
0xab: {  	s16 =	simm.s32 $0x3100;
	s31 =	sadd.s32 $0x2100, s0  }
0xac: {  	[spmem:s1] =	stream.indirect.scatter [tilespmem:s31], [sflag:$0x1], $0x1, s16, s20, $0xb8;
	[tilespmem:$0x1F000] =	vst v63  }
0xad: {  	s24 =	sadd.s32 $0x2180, s0;
	s25 =	simm.s32 $0x3180  }
0xae: {  	[spmem:s1] =	stream.indirect.scatter [tilespmem:s24], [sflag:$0x1], $0x1, s25, s20, $0xb8;
	[tilespmem:$0x1F000] =	vst v63  }
0xaf: {  	s26 =	sadd.s32 $0x2200, s0;
	s30 =	simm.s32 $0x3200  }
0xb0: {  	[spmem:s1] =	stream.indirect.scatter [tilespmem:s26], [sflag:$0x1], $0x1, s30, s20, $0xb8;
	[tilespmem:$0x1F000] =	vst v63  }
0xb1: {  	s31 =	sadd.s32 $0x2280, s0;
	s16 =	simm.s32 $0x3280  }
0xb2: {  	[spmem:s1] =	stream.indirect.scatter [tilespmem:s31], [sflag:$0x1], $0x1, s16, s20, $0xb8;
	[tilespmem:$0x1F000] =	vst v63  }
0xb3: {  	s25 =	sadd.s32 $0x2300, s0;
	s26 =	simm.s32 $0x3300  }
0xb4: {  	[spmem:s1] =	stream.indirect.scatter [tilespmem:s25], [sflag:$0x1], $0x1, s26, s20, $0xb8;
	[tilespmem:$0x1F000] =	vst v63  }
0xb5: {  	s0 =	sadd.s32 $0x2380, s0;
	s30 =	simm.s32 $0x3380  }
0xb6: {  	[spmem:s1] =	stream.indirect.scatter [tilespmem:s0], [sflag:$0x1], $0x1, s30, s20, $0xb8;
	[tilespmem:$0x1F000] =	vst v63  }
0xb7: {  	_ =	swait.ge [sflag:s21], $0x80  }
0xb8: {  	[sflag:s21] =	ssyncset.done $0x0  }
0xb9: {  	[sflag:s21] =	ssyncadd.s32 $0xFFFFFF80  }
0xba: {  	_ =	swait.ge [sflag:s21], $0x80  }
0xbb: {  	[sflag:s21] =	ssyncset.done $0x0  }
0xbc: {  	[sflag:s21] =	ssyncadd.s32 $0xFFFFFF80  }
0xbd: {  	_ =	swait.ge [sflag:s21], $0x80  }
0xbe: {  	[sflag:s21] =	ssyncset.done $0x0  }
0xbf: {  	[sflag:s21] =	ssyncadd.s32 $0xFFFFFF80  }
0xc0: {  	_ =	swait.ge [sflag:s21], $0x80  }
0xc1: {  	[sflag:s21] =	ssyncset.done $0x0  }
0xc2: {  	[sflag:s21] =	ssyncadd.s32 $0xFFFFFF80  }
0xc3: {  	_ =	swait.ge [sflag:s21], $0x80  }
0xc4: {  	[sflag:s21] =	ssyncset.done $0x0  }
0xc5: {  	[sflag:s21] =	ssyncadd.s32 $0xFFFFFF80  }
0xc6: {  	_ =	swait.ge [sflag:s21], $0x80  }
0xc7: {  	[sflag:s21] =	ssyncset.done $0x0  }
0xc8: {  	[sflag:s21] =	ssyncadd.s32 $0xFFFFFF80  }
0xc9: {  	s31 =	simm.s32 $0x1000;
	_ =	swait.ge [sflag:s21], $0x80  }
0xca: {  	s0 =	sand.u32 $0xFFFFC000, s31;
	[sflag:s21] =	ssyncset.done $0x0  }
0xcb: {  	s28 =	simm.s32 $0x2000;
	s0 =	ssub.s32 $0x0, s0;
	[sflag:s21] =	ssyncadd.s32 $0xFFFFFF80  }
0xcc: {  	s29 =	simm.s32 $0x3400;
	s0 =	sshra.s32 s0, $0x2;
	_ =	swait.ge [sflag:s21], $0x80  }
0xcd: {  	s25 =	simm.s32 $0x400;
	s26 =	sadd.s32 $0x400, s0;
	[sflag:s21] =	ssyncset.done $0x0  }
.LBB2_6:
0xce: {  	s0 =	sadd.s32 $0x2000, s26  }
0xcf: {  	[sflag:s21] =	ssyncadd.s32 $0xFFFFFF80;
	s24 =	smov.u32 s28;
	s23 =	sadd.s32 $0x1000, s28  }
0xd0: {  	[spmem:s1] =	stream.indirect.scatter [tilespmem:s0], [sflag:$0x1], $0x1, s29, s20, $0xb8;
	[tilespmem:$0x1F000] =	vst v63  }
0xd1: {  	p0 =	sne.s32 s28, $0x7000;
	s28 =	sadd.s32 $0x3080, s25;
	s0 =	sadd.s32 $0x2080, s26  }
0xd2: {  	[spmem:s1] =	stream.indirect.scatter [tilespmem:s0], [sflag:$0x1], $0x1, s28, s20, $0xb8;
	[tilespmem:$0x1F000] =	vst v63  }
0xd3: {  	s0 =	sadd.s32 $0x2100, s26;
	s28 =	sadd.s32 $0x3100, s25  }
0xd4: {  	[spmem:s1] =	stream.indirect.scatter [tilespmem:s0], [sflag:$0x1], $0x1, s28, s20, $0xb8;
	[tilespmem:$0x1F000] =	vst v63  }
0xd5: {  	s0 =	sadd.s32 $0x2180, s26;
	s28 =	sadd.s32 $0x3180, s25  }
0xd6: {  	[spmem:s1] =	stream.indirect.scatter [tilespmem:s0], [sflag:$0x1], $0x1, s28, s20, $0xb8;
	[tilespmem:$0x1F000] =	vst v63  }
0xd7: {  	s0 =	sadd.s32 $0x2200, s26;
	s28 =	sadd.s32 $0x3200, s25  }
0xd8: {  	[spmem:s1] =	stream.indirect.scatter [tilespmem:s0], [sflag:$0x1], $0x1, s28, s20, $0xb8;
	[tilespmem:$0x1F000] =	vst v63  }
0xd9: {  	s0 =	sadd.s32 $0x2280, s26;
	s28 =	sadd.s32 $0x3280, s25  }
0xda: {  	[spmem:s1] =	stream.indirect.scatter [tilespmem:s0], [sflag:$0x1], $0x1, s28, s20, $0xb8;
	[tilespmem:$0x1F000] =	vst v63  }
0xdb: {  	s0 =	sadd.s32 $0x2300, s26;
	s28 =	sadd.s32 $0x3300, s25  }
0xdc: {  	[spmem:s1] =	stream.indirect.scatter [tilespmem:s0], [sflag:$0x1], $0x1, s28, s20, $0xb8;
	[tilespmem:$0x1F000] =	vst v63  }
0xdd: {  	s25 =	sadd.s32 $0x3380, s25;
	s0 =	sadd.s32 $0x2380, s26  }
0xde: {  	[spmem:s1] =	stream.indirect.scatter [tilespmem:s0], [sflag:$0x1], $0x1, s25, s20, $0xb8;
	[tilespmem:$0x1F000] =	vst v63  }
0xdf: {  	_ =	swait.ge [sflag:s21], $0x80  }
0xe0: {  	[sflag:s21] =	ssyncset.done $0x0  }
0xe1: {  	[sflag:s21] =	ssyncadd.s32 $0xFFFFFF80  }
0xe2: {  	_ =	swait.ge [sflag:s21], $0x80  }
0xe3: {  	[sflag:s21] =	ssyncset.done $0x0  }
0xe4: {  	[sflag:s21] =	ssyncadd.s32 $0xFFFFFF80  }
0xe5: {  	_ =	swait.ge [sflag:s21], $0x80  }
0xe6: {  	[sflag:s21] =	ssyncset.done $0x0  }
0xe7: {  	[sflag:s21] =	ssyncadd.s32 $0xFFFFFF80  }
0xe8: {  	_ =	swait.ge [sflag:s21], $0x80  }
0xe9: {  	[sflag:s21] =	ssyncset.done $0x0  }
0xea: {  	[sflag:s21] =	ssyncadd.s32 $0xFFFFFF80  }
0xeb: {  	_ =	swait.ge [sflag:s21], $0x80  }
0xec: {  	[sflag:s21] =	ssyncset.done $0x0  }
0xed: {  	[sflag:s21] =	ssyncadd.s32 $0xFFFFFF80  }
0xee: {  	_ =	swait.ge [sflag:s21], $0x80  }
0xef: {  	[sflag:s21] =	ssyncset.done $0x0  }
0xf0: {  	[sflag:s21] =	ssyncadd.s32 $0xFFFFFF80  }
.Ltmp2:
0xf1: {  	_ =	swait.ge [sflag:s21], $0x80;
	(pc) =	sbr.rel @p0 .LBB2_6-.Ltmp2, $4  }
0xf2: {  	s0 =	sand.u32 $0xFFFFC000, s24;
	[sflag:s21] =	ssyncset.done $0x0  }
0xf3: {  	s28 =	smov.u32 s23;
	s0 =	ssub.s32 $0x0, s0;
	[sflag:s21] =	ssyncadd.s32 $0xFFFFFF80  }
0xf4: {  	s25 =	sshra.s32 s24, $0x2;
	s0 =	sshra.s32 s0, $0x2;
	_ =	swait.ge [sflag:s21], $0x80  }
0xf5: {  	s29 =	sadd.s32 $0x3000, s25;
	s26 =	sadd.s32 s25, s0;
	[sflag:s21] =	ssyncset.done $0x0  }
0xf6: {  	s0 =	sadd.s32 $0x2000, s26;
	[sflag:s21] =	ssyncadd.s32 $0xFFFFFF80  }
0xf7: {  	[spmem:s1] =	stream.indirect.scatter [tilespmem:s0], [sflag:$0x1], $0x1, s29, s20, $0xb8;
	[tilespmem:$0x1F000] =	vst v63  }
0xf8: {  	s24 =	sadd.s32 $0x2080, s26;
	s23 =	sadd.s32 $0x3080, s25  }
0xf9: {  	[spmem:s1] =	stream.indirect.scatter [tilespmem:s24], [sflag:$0x1], $0x1, s23, s20, $0xb8;
	[tilespmem:$0x1F000] =	vst v63  }
0xfa: {  	s31 =	sadd.s32 $0x2100, s26;
	s16 =	sadd.s32 $0x3100, s25  }
0xfb: {  	[spmem:s1] =	stream.indirect.scatter [tilespmem:s31], [sflag:$0x1], $0x1, s16, s20, $0xb8;
	[tilespmem:$0x1F000] =	vst v63  }
0xfc: {  	s23 =	sadd.s32 $0x2180, s26;
	s24 =	sadd.s32 $0x3180, s25  }
0xfd: {  	[spmem:s1] =	stream.indirect.scatter [tilespmem:s23], [sflag:$0x1], $0x1, s24, s20, $0xb8;
	[tilespmem:$0x1F000] =	vst v63  }
0xfe: {  	s31 =	sadd.s32 $0x2200, s26;
	s16 =	sadd.s32 $0x3200, s25  }
0xff: {  	[spmem:s1] =	stream.indirect.scatter [tilespmem:s31], [sflag:$0x1], $0x1, s16, s20, $0xb8;
	[tilespmem:$0x1F000] =	vst v63  }
0x100: {  	s23 =	sadd.s32 $0x2280, s26;
	s24 =	sadd.s32 $0x3280, s25  }
0x101: {  	[spmem:s1] =	stream.indirect.scatter [tilespmem:s23], [sflag:$0x1], $0x1, s24, s20, $0xb8;
	[tilespmem:$0x1F000] =	vst v63  }
0x102: {  	s31 =	sadd.s32 $0x2300, s26;
	s16 =	sadd.s32 $0x3300, s25  }
0x103: {  	[spmem:s1] =	stream.indirect.scatter [tilespmem:s31], [sflag:$0x1], $0x1, s16, s20, $0xb8;
	[tilespmem:$0x1F000] =	vst v63  }
0x104: {  	s25 =	sadd.s32 $0x3380, s25;
	s24 =	sadd.s32 $0x2380, s26  }
0x105: {  	[spmem:s1] =	stream.indirect.scatter [tilespmem:s24], [sflag:$0x1], $0x1, s25, s20, $0xb8;
	[tilespmem:$0x1F000] =	vst v63  }
0x106: {  	_ =	swait.ge [sflag:s21], $0x80  }
0x107: {  	[sflag:s21] =	ssyncset.done $0x0  }
0x108: {  	[sflag:s21] =	ssyncadd.s32 $0xFFFFFF80  }
0x109: {  	_ =	swait.ge [sflag:s21], $0x80  }
0x10a: {  	[sflag:s21] =	ssyncset.done $0x0  }
0x10b: {  	[sflag:s21] =	ssyncadd.s32 $0xFFFFFF80  }
0x10c: {  	_ =	swait.ge [sflag:s21], $0x80  }
0x10d: {  	[sflag:s21] =	ssyncset.done $0x0  }
0x10e: {  	[sflag:s21] =	ssyncadd.s32 $0xFFFFFF80  }
0x10f: {  	_ =	swait.ge [sflag:s21], $0x80  }
0x110: {  	[sflag:s21] =	ssyncset.done $0x0  }
0x111: {  	[sflag:s21] =	ssyncadd.s32 $0xFFFFFF80  }
0x112: {  	_ =	swait.ge [sflag:s21], $0x80  }
0x113: {  	[sflag:s21] =	ssyncset.done $0x0  }
0x114: {  	[sflag:s21] =	ssyncadd.s32 $0xFFFFFF80  }
0x115: {  	_ =	swait.ge [sflag:s21], $0x80  }
0x116: {  	[sflag:s21] =	ssyncset.done $0x0  }
0x117: {  	[sflag:s21] =	ssyncadd.s32 $0xFFFFFF80  }
0x118: {  	_ =	swait.ge [sflag:s21], $0x80  }
0x119: {  	[sflag:s21] =	ssyncset.done $0x0  }
0x11a: {  	[sflag:s21] =	ssyncadd.s32 $0xFFFFFF80  }
0x11b: {  	_ =	swait.ge [sflag:s21], $0x80  }
0x11c: {  	s26 =	sshll.u32 s2, $0x6;
	[sflag:s21] =	ssyncset.done $0x0  }
0x11d: {  	s23 =	sor.u32 $0x1C02, s26;
	[sflag:s21] =	ssyncadd.s32 $0xFFFFFF80  }
0x11e: {  	s24 =	sshrl.u32 s8, $0x3;
	s25 =	sshrl.u32 s9, $0x3;
	[bflag:$0x0] =	sbarrier.arrive $0xFFFF  }
0x11f: {  	[hbm:s10], [sflag:s23] =	dma.local [spmem:s24], $0x1000  }
0x120: {  	[hbm:s11], [sflag:s23] =	dma.local [spmem:s25], $0x1000  }
0x121: {  	_ =	swait.ge [sflag:s19], $0x1000  }
0x122: {  	[sflag:s19] =	ssyncset.done $0x0  }
0x123: {  	[sflag:s19] =	ssyncadd.s32 $0xFFFFF000  }
0x124: {  	_ =	swait.ge [sflag:s19], $0x1000  }
0x125: {  	[sflag:s19] =	ssyncset.done $0x0  }
0x126: {  	[sflag:s19] =	ssyncadd.s32 $0xFFFFF000  }
0x127: {  	[spmem:s8] =	stream.linear.scatter [tilespmem:s18], [sflag:$0x2], $0x8000, $0x38;
	[tilespmem:$0x1F000] =	vst v63  }
0x128: {  	s31 =	simm.s32 $0x40  }
0x129: {  	[spmem:s9] =	stream.linear.scatter [tilespmem:s18], [sflag:$0x2], $0x8000, $0x38;
	[tilespmem:$0x1F000] =	vst v63  }
0x12a: {  	v4 =	vld [tilespmem:s31+$0xFFFFFFC0];
	_ =	sdelay $0x3  }
0x12b: {  	s28 =	sadd.s32 $0x0, s7  }
0x12c: {  	s16 =	sadd.s32 $0x100000, s28;
	v4 =	vsub.s32 v4, v1  }
0x12d: {  	v5 =	vor.u32 s16, v3;
	vm0 =	vlt.u32 v4, $0x100000  }
0x12e: {  	s26 =	simm.s32 $0x3040;
	v4 =	vsel vm0, v4, v5  }
0x12f: {  	[tilespmem:s26+$0xFFFFFFC0] =	vst v4  }
0x130: {  	v4 =	vld [tilespmem:s31+$0xFFFFFFD0];
	_ =	sdelay $0x4  }
0x131: {  	s29 =	sadd.s32 $0x100010, s28;
	v4 =	vsub.s32 v4, v1  }
0x132: {  	v5 =	vor.u32 s29, v3;
	vm9 =	vlt.u32 v4, $0x100000  }
0x133: {  	v4 =	vsel vm9, v4, v5  }
0x134: {  	[tilespmem:s26+$0xFFFFFFD0] =	vst v4  }
0x135: {  	v4 =	vld [tilespmem:s31+$0xFFFFFFE0];
	_ =	sdelay $0x4  }
0x136: {  	s29 =	sadd.s32 $0x100020, s28;
	v4 =	vsub.s32 v4, v1  }
0x137: {  	v5 =	vor.u32 s29, v3;
	vm10 =	vlt.u32 v4, $0x100000  }
0x138: {  	v4 =	vsel vm10, v4, v5  }
0x139: {  	[tilespmem:s26+$0xFFFFFFE0] =	vst v4  }
0x13a: {  	v4 =	vld [tilespmem:s31+$0xFFFFFFF0];
	_ =	sdelay $0x4  }
0x13b: {  	s29 =	sadd.s32 $0x100030, s28;
	v4 =	vsub.s32 v4, v1  }
0x13c: {  	v5 =	vor.u32 s29, v3;
	vm11 =	vlt.u32 v4, $0x100000  }
0x13d: {  	v4 =	vsel vm11, v4, v5  }
0x13e: {  	[tilespmem:s26+$0xFFFFFFF0] =	vst v4  }
0x13f: {  	v4 =	vld [tilespmem:s31+$0x0];
	_ =	sdelay $0x4  }
0x140: {  	s29 =	sadd.s32 $0x100040, s28;
	v4 =	vsub.s32 v4, v1  }
0x141: {  	v5 =	vor.u32 s29, v3;
	vm12 =	vlt.u32 v4, $0x100000  }
0x142: {  	v4 =	vsel vm12, v4, v5  }
0x143: {  	[tilespmem:s26+$0x0] =	vst v4  }
0x144: {  	v4 =	vld [tilespmem:s31+$0x10];
	_ =	sdelay $0x4  }
0x145: {  	s29 =	sadd.s32 $0x100050, s28;
	v4 =	vsub.s32 v4, v1  }
0x146: {  	v5 =	vor.u32 s29, v3;
	vm13 =	vlt.u32 v4, $0x100000  }
0x147: {  	v4 =	vsel vm13, v4, v5  }
0x148: {  	[tilespmem:s26+$0x10] =	vst v4  }
0x149: {  	v4 =	vld [tilespmem:s31+$0x20];
	_ =	sdelay $0x4  }
0x14a: {  	s29 =	sadd.s32 $0x100060, s28;
	v4 =	vsub.s32 v4, v1  }
0x14b: {  	v5 =	vor.u32 s29, v3;
	vm14 =	vlt.u32 v4, $0x100000  }
0x14c: {  	v4 =	vsel vm14, v4, v5  }
0x14d: {  	[tilespmem:s26+$0x20] =	vst v4  }
0x14e: {  	v4 =	vld [tilespmem:s31+$0x30];
	_ =	sdelay $0x4  }
0x14f: {  	s31 =	sadd.s32 $0x100070, s28;
	v4 =	vsub.s32 v4, v1  }
0x150: {  	v5 =	vor.u32 s31, v3;
	vm15 =	vlt.u32 v4, $0x100000  }
0x151: {  	v4 =	vsel vm15, v4, v5  }
0x152: {  	s28 =	simm.s32 $0xC0;
	[tilespmem:s26+$0x30] =	vst v4  }
0x153: {  	s30 =	simm.s32 $0x100;
	s29 =	simm.s32 $0x80;
	v4 =	vld [tilespmem:s28+$0xFFFFFFC0]  }
.LBB2_8:
0x154: {  	p0 =	sne.s32 s30, $0x1F80;
	_ =	sdelay $0x2  }
0x155: {  	s31 =	sadd.s32 s29, s7;
	s29 =	smov.u32 s30  }
0x156: {  	s0 =	sadd.s32 $0x100000, s31;
	v4 =	vsub.s32 v4, v1  }
0x157: {  	v5 =	vor.u32 s0, v3;
	vm0 =	vlt.u32 v4, $0x100000  }
0x158: {  	s26 =	sadd.s32 $0x80, s26;
	v4 =	vsel vm0, v4, v5  }
0x159: {  	[tilespmem:s26+$0xFFFFFFC0] =	vst v4  }
0x15a: {  	v4 =	vld [tilespmem:s28+$0xFFFFFFD0];
	_ =	sdelay $0x4  }
0x15b: {  	s0 =	sadd.s32 $0x100010, s31;
	v4 =	vsub.s32 v4, v1  }
0x15c: {  	v5 =	vor.u32 s0, v3;
	vm0 =	vlt.u32 v4, $0x100000  }
0x15d: {  	v4 =	vsel vm0, v4, v5  }
0x15e: {  	[tilespmem:s26+$0xFFFFFFD0] =	vst v4  }
0x15f: {  	v4 =	vld [tilespmem:s28+$0xFFFFFFE0];
	_ =	sdelay $0x4  }
0x160: {  	s0 =	sadd.s32 $0x100020, s31;
	v4 =	vsub.s32 v4, v1  }
0x161: {  	v5 =	vor.u32 s0, v3;
	vm0 =	vlt.u32 v4, $0x100000  }
0x162: {  	v4 =	vsel vm0, v4, v5  }
0x163: {  	[tilespmem:s26+$0xFFFFFFE0] =	vst v4  }
0x164: {  	v4 =	vld [tilespmem:s28+$0xFFFFFFF0];
	_ =	sdelay $0x4  }
0x165: {  	s0 =	sadd.s32 $0x100030, s31;
	v4 =	vsub.s32 v4, v1  }
0x166: {  	v5 =	vor.u32 s0, v3;
	vm0 =	vlt.u32 v4, $0x100000  }
0x167: {  	v4 =	vsel vm0, v4, v5  }
0x168: {  	[tilespmem:s26+$0xFFFFFFF0] =	vst v4  }
0x169: {  	v4 =	vld [tilespmem:s28+$0x0];
	_ =	sdelay $0x4  }
0x16a: {  	s0 =	sadd.s32 $0x100040, s31;
	v4 =	vsub.s32 v4, v1  }
0x16b: {  	v5 =	vor.u32 s0, v3;
	vm0 =	vlt.u32 v4, $0x100000  }
0x16c: {  	v4 =	vsel vm0, v4, v5  }
0x16d: {  	[tilespmem:s26+$0x0] =	vst v4  }
0x16e: {  	v4 =	vld [tilespmem:s28+$0x10];
	_ =	sdelay $0x4  }
0x16f: {  	s0 =	sadd.s32 $0x100050, s31;
	v4 =	vsub.s32 v4, v1  }
0x170: {  	v5 =	vor.u32 s0, v3;
	vm0 =	vlt.u32 v4, $0x100000  }
0x171: {  	v4 =	vsel vm0, v4, v5  }
0x172: {  	[tilespmem:s26+$0x10] =	vst v4  }
0x173: {  	v4 =	vld [tilespmem:s28+$0x20];
	_ =	sdelay $0x4  }
0x174: {  	s0 =	sadd.s32 $0x100060, s31;
	v4 =	vsub.s32 v4, v1  }
0x175: {  	v5 =	vor.u32 s0, v3;
	vm0 =	vlt.u32 v4, $0x100000  }
0x176: {  	v4 =	vsel vm0, v4, v5  }
0x177: {  	[tilespmem:s26+$0x20] =	vst v4  }
0x178: {  	v4 =	vld [tilespmem:s28+$0x30];
	_ =	sdelay $0x4  }
.Ltmp3:
0x179: {  	s0 =	sadd.s32 $0x100070, s31;
	v4 =	vsub.s32 v4, v1;
	(pc) =	sbr.rel @p0 .LBB2_8-.Ltmp3, $4  }
0x17a: {  	v5 =	vor.u32 s0, v3;
	vm0 =	vlt.u32 v4, $0x100000  }
0x17b: {  	v4 =	vsel vm0, v4, v5  }
0x17c: {  	s28 =	sadd.s32 $0x80, s28;
	[tilespmem:s26+$0x30] =	vst v4  }
0x17d: {  	s30 =	sadd.s32 $0x80, s30;
	v4 =	vld [tilespmem:s28+$0xFFFFFFC0]  }
0x17e: {  	_ =	sdelay $0x2  }
0x17f: {  	s0 =	sadd.s32 s29, s7  }
0x180: {  	s29 =	sadd.s32 $0x100000, s0;
	v4 =	vsub.s32 v4, v1  }
0x181: {  	v5 =	vor.u32 s29, v3;
	vm0 =	vlt.u32 v4, $0x100000  }
0x182: {  	s26 =	sadd.s32 $0x80, s26;
	v4 =	vsel vm0, v4, v5  }
0x183: {  	[tilespmem:s26+$0xFFFFFFC0] =	vst v4  }
0x184: {  	v4 =	vld [tilespmem:s28+$0xFFFFFFD0];
	_ =	sdelay $0x4  }
0x185: {  	s29 =	sadd.s32 $0x100010, s0;
	v4 =	vsub.s32 v4, v1  }
0x186: {  	v5 =	vor.u32 s29, v3;
	vm9 =	vlt.u32 v4, $0x100000  }
0x187: {  	v4 =	vsel vm9, v4, v5  }
0x188: {  	[tilespmem:s26+$0xFFFFFFD0] =	vst v4  }
0x189: {  	v4 =	vld [tilespmem:s28+$0xFFFFFFE0];
	_ =	sdelay $0x4  }
0x18a: {  	s29 =	sadd.s32 $0x100020, s0;
	v4 =	vsub.s32 v4, v1  }
0x18b: {  	v5 =	vor.u32 s29, v3;
	vm10 =	vlt.u32 v4, $0x100000  }
0x18c: {  	v4 =	vsel vm10, v4, v5  }
0x18d: {  	[tilespmem:s26+$0xFFFFFFE0] =	vst v4  }
0x18e: {  	v4 =	vld [tilespmem:s28+$0xFFFFFFF0];
	_ =	sdelay $0x4  }
0x18f: {  	s29 =	sadd.s32 $0x100030, s0;
	v4 =	vsub.s32 v4, v1  }
0x190: {  	v5 =	vor.u32 s29, v3;
	vm11 =	vlt.u32 v4, $0x100000  }
0x191: {  	v4 =	vsel vm11, v4, v5  }
0x192: {  	[tilespmem:s26+$0xFFFFFFF0] =	vst v4  }
0x193: {  	v4 =	vld [tilespmem:s28+$0x0];
	_ =	sdelay $0x4  }
0x194: {  	s29 =	sadd.s32 $0x100040, s0;
	v4 =	vsub.s32 v4, v1  }
0x195: {  	v5 =	vor.u32 s29, v3;
	vm12 =	vlt.u32 v4, $0x100000  }
0x196: {  	v4 =	vsel vm12, v4, v5  }
0x197: {  	[tilespmem:s26+$0x0] =	vst v4  }
0x198: {  	v4 =	vld [tilespmem:s28+$0x10];
	_ =	sdelay $0x4  }
0x199: {  	s29 =	sadd.s32 $0x100050, s0;
	v4 =	vsub.s32 v4, v1  }
0x19a: {  	v5 =	vor.u32 s29, v3;
	vm13 =	vlt.u32 v4, $0x100000  }
0x19b: {  	v4 =	vsel vm13, v4, v5  }
0x19c: {  	[tilespmem:s26+$0x10] =	vst v4  }
0x19d: {  	v4 =	vld [tilespmem:s28+$0x20];
	_ =	sdelay $0x4  }
0x19e: {  	s29 =	sadd.s32 $0x100060, s0;
	v4 =	vsub.s32 v4, v1  }
0x19f: {  	v5 =	vor.u32 s29, v3;
	vm14 =	vlt.u32 v4, $0x100000  }
0x1a0: {  	v4 =	vsel vm14, v4, v5  }
0x1a1: {  	[tilespmem:s26+$0x20] =	vst v4  }
0x1a2: {  	v4 =	vld [tilespmem:s28+$0x30];
	_ =	sdelay $0x4  }
0x1a3: {  	s0 =	sadd.s32 $0x100070, s0;
	v4 =	vsub.s32 v4, v1  }
0x1a4: {  	v5 =	vor.u32 s0, v3;
	vm15 =	vlt.u32 v4, $0x100000  }
0x1a5: {  	v4 =	vsel vm15, v4, v5  }
0x1a6: {  	[tilespmem:s26+$0x30] =	vst v4  }
0x1a7: {  	_ =	swait.ge [sflag:s19], $0x8000  }
0x1a8: {  	s28 =	simm.s32 $0x0;
	[sflag:s19] =	ssyncset.done $0x0  }
0x1a9: {  	s0 =	sand.u32 $0xFFFFC000, s28;
	[sflag:s19] =	ssyncadd.s32 $0xFFFF8000  }
0x1aa: {  	s0 =	ssub.s32 $0x0, s0;
	_ =	swait.ge [sflag:s19], $0x8000  }
0x1ab: {  	s0 =	sshra.s32 s0, $0x2;
	[sflag:s19] =	ssyncset.done $0x0  }
0x1ac: {  	s0 =	sadd.s32 $0x0, s0;
	[sflag:s19] =	ssyncadd.s32 $0xFFFF8000  }
0x1ad: {  	s16 =	sadd.s32 $0x2000, s0;
	s26 =	simm.s32 $0x3000;
	[bflag:$0x0] =	sbarrier.arrive $0xFFFF  }
0x1ae: {  	[spmem:s1] =	stream.indirect.scatter [tilespmem:s16], [sflag:$0x1], $0x1, s26, s20, $0xb8;
	[tilespmem:$0x1F000] =	vst v63  }
0x1af: {  	s26 =	sadd.s32 $0x2080, s0;
	s16 =	simm.s32 $0x3080  }
0x1b0: {  	[spmem:s1] =	stream.indirect.scatter [tilespmem:s26], [sflag:$0x1], $0x1, s16, s20, $0xb8;
	[tilespmem:$0x1F000] =	vst v63  }
0x1b1: {  	s26 =	sadd.s32 $0x2100, s0;
	s16 =	simm.s32 $0x3100  }
0x1b2: {  	[spmem:s1] =	stream.indirect.scatter [tilespmem:s26], [sflag:$0x1], $0x1, s16, s20, $0xb8;
	[tilespmem:$0x1F000] =	vst v63  }
0x1b3: {  	s26 =	sadd.s32 $0x2180, s0;
	s16 =	simm.s32 $0x3180  }
0x1b4: {  	[spmem:s1] =	stream.indirect.scatter [tilespmem:s26], [sflag:$0x1], $0x1, s16, s20, $0xb8;
	[tilespmem:$0x1F000] =	vst v63  }
0x1b5: {  	s26 =	sadd.s32 $0x2200, s0;
	s16 =	simm.s32 $0x3200  }
0x1b6: {  	[spmem:s1] =	stream.indirect.scatter [tilespmem:s26], [sflag:$0x1], $0x1, s16, s20, $0xb8;
	[tilespmem:$0x1F000] =	vst v63  }
0x1b7: {  	s26 =	sadd.s32 $0x2280, s0;
	s16 =	simm.s32 $0x3280  }
0x1b8: {  	[spmem:s1] =	stream.indirect.scatter [tilespmem:s26], [sflag:$0x1], $0x1, s16, s20, $0xb8;
	[tilespmem:$0x1F000] =	vst v63  }
0x1b9: {  	s26 =	sadd.s32 $0x2300, s0;
	s16 =	simm.s32 $0x3300  }
0x1ba: {  	[spmem:s1] =	stream.indirect.scatter [tilespmem:s26], [sflag:$0x1], $0x1, s16, s20, $0xb8;
	[tilespmem:$0x1F000] =	vst v63  }
0x1bb: {  	s0 =	sadd.s32 $0x2380, s0;
	s16 =	simm.s32 $0x3380  }
0x1bc: {  	[spmem:s1] =	stream.indirect.scatter [tilespmem:s0], [sflag:$0x1], $0x1, s16, s20, $0xb8;
	[tilespmem:$0x1F000] =	vst v63  }
0x1bd: {  	_ =	swait.ge [sflag:s21], $0x80  }
0x1be: {  	[sflag:s21] =	ssyncset.done $0x0  }
0x1bf: {  	[sflag:s21] =	ssyncadd.s32 $0xFFFFFF80  }
0x1c0: {  	_ =	swait.ge [sflag:s21], $0x80  }
0x1c1: {  	[sflag:s21] =	ssyncset.done $0x0  }
0x1c2: {  	[sflag:s21] =	ssyncadd.s32 $0xFFFFFF80  }
0x1c3: {  	_ =	swait.ge [sflag:s21], $0x80  }
0x1c4: {  	[sflag:s21] =	ssyncset.done $0x0  }
0x1c5: {  	[sflag:s21] =	ssyncadd.s32 $0xFFFFFF80  }
0x1c6: {  	_ =	swait.ge [sflag:s21], $0x80  }
0x1c7: {  	[sflag:s21] =	ssyncset.done $0x0  }
0x1c8: {  	[sflag:s21] =	ssyncadd.s32 $0xFFFFFF80  }
0x1c9: {  	_ =	swait.ge [sflag:s21], $0x80  }
0x1ca: {  	[sflag:s21] =	ssyncset.done $0x0  }
0x1cb: {  	[sflag:s21] =	ssyncadd.s32 $0xFFFFFF80  }
0x1cc: {  	_ =	swait.ge [sflag:s21], $0x80  }
0x1cd: {  	[sflag:s21] =	ssyncset.done $0x0  }
0x1ce: {  	[sflag:s21] =	ssyncadd.s32 $0xFFFFFF80  }
0x1cf: {  	s28 =	simm.s32 $0x1000;
	_ =	swait.ge [sflag:s21], $0x80  }
0x1d0: {  	s0 =	sand.u32 $0xFFFFC000, s28;
	[sflag:s21] =	ssyncset.done $0x0  }
0x1d1: {  	s31 =	simm.s32 $0x2000;
	s0 =	ssub.s32 $0x0, s0;
	[sflag:s21] =	ssyncadd.s32 $0xFFFFFF80  }
0x1d2: {  	s29 =	simm.s32 $0x400;
	s0 =	sshra.s32 s0, $0x2;
	_ =	swait.ge [sflag:s21], $0x80  }
0x1d3: {  	s30 =	sadd.s32 $0x400, s0;
	s0 =	simm.s32 $0x3400;
	[sflag:s21] =	ssyncset.done $0x0  }
.LBB2_10:
0x1d4: {  	s16 =	sadd.s32 $0x2000, s30  }
0x1d5: {  	[sflag:s21] =	ssyncadd.s32 $0xFFFFFF80;
	s28 =	smov.u32 s31;
	s26 =	sadd.s32 $0x1000, s31  }
0x1d6: {  	[spmem:s1] =	stream.indirect.scatter [tilespmem:s16], [sflag:$0x1], $0x1, s0, s20, $0xb8;
	[tilespmem:$0x1F000] =	vst v63  }
0x1d7: {  	p0 =	sne.s32 s31, $0x7000;
	s0 =	sadd.s32 $0x2080, s30;
	s16 =	sadd.s32 $0x3080, s29  }
0x1d8: {  	[spmem:s1] =	stream.indirect.scatter [tilespmem:s0], [sflag:$0x1], $0x1, s16, s20, $0xb8;
	[tilespmem:$0x1F000] =	vst v63  }
0x1d9: {  	s0 =	sadd.s32 $0x2100, s30;
	s16 =	sadd.s32 $0x3100, s29  }
0x1da: {  	[spmem:s1] =	stream.indirect.scatter [tilespmem:s0], [sflag:$0x1], $0x1, s16, s20, $0xb8;
	[tilespmem:$0x1F000] =	vst v63  }
0x1db: {  	s0 =	sadd.s32 $0x2180, s30;
	s16 =	sadd.s32 $0x3180, s29  }
0x1dc: {  	[spmem:s1] =	stream.indirect.scatter [tilespmem:s0], [sflag:$0x1], $0x1, s16, s20, $0xb8;
	[tilespmem:$0x1F000] =	vst v63  }
0x1dd: {  	s0 =	sadd.s32 $0x2200, s30;
	s16 =	sadd.s32 $0x3200, s29  }
0x1de: {  	[spmem:s1] =	stream.indirect.scatter [tilespmem:s0], [sflag:$0x1], $0x1, s16, s20, $0xb8;
	[tilespmem:$0x1F000] =	vst v63  }
0x1df: {  	s0 =	sadd.s32 $0x2280, s30;
	s16 =	sadd.s32 $0x3280, s29  }
0x1e0: {  	[spmem:s1] =	stream.indirect.scatter [tilespmem:s0], [sflag:$0x1], $0x1, s16, s20, $0xb8;
	[tilespmem:$0x1F000] =	vst v63  }
0x1e1: {  	s0 =	sadd.s32 $0x2300, s30;
	s16 =	sadd.s32 $0x3300, s29  }
0x1e2: {  	[spmem:s1] =	stream.indirect.scatter [tilespmem:s0], [sflag:$0x1], $0x1, s16, s20, $0xb8;
	[tilespmem:$0x1F000] =	vst v63  }
0x1e3: {  	s0 =	sadd.s32 $0x2380, s30;
	s16 =	sadd.s32 $0x3380, s29  }
0x1e4: {  	[spmem:s1] =	stream.indirect.scatter [tilespmem:s0], [sflag:$0x1], $0x1, s16, s20, $0xb8;
	[tilespmem:$0x1F000] =	vst v63  }
0x1e5: {  	_ =	swait.ge [sflag:s21], $0x80  }
0x1e6: {  	[sflag:s21] =	ssyncset.done $0x0  }
0x1e7: {  	[sflag:s21] =	ssyncadd.s32 $0xFFFFFF80  }
0x1e8: {  	_ =	swait.ge [sflag:s21], $0x80  }
0x1e9: {  	[sflag:s21] =	ssyncset.done $0x0  }
0x1ea: {  	[sflag:s21] =	ssyncadd.s32 $0xFFFFFF80  }
0x1eb: {  	_ =	swait.ge [sflag:s21], $0x80  }
0x1ec: {  	[sflag:s21] =	ssyncset.done $0x0  }
0x1ed: {  	[sflag:s21] =	ssyncadd.s32 $0xFFFFFF80  }
0x1ee: {  	_ =	swait.ge [sflag:s21], $0x80  }
0x1ef: {  	[sflag:s21] =	ssyncset.done $0x0  }
0x1f0: {  	[sflag:s21] =	ssyncadd.s32 $0xFFFFFF80  }
0x1f1: {  	_ =	swait.ge [sflag:s21], $0x80  }
0x1f2: {  	[sflag:s21] =	ssyncset.done $0x0  }
0x1f3: {  	[sflag:s21] =	ssyncadd.s32 $0xFFFFFF80  }
0x1f4: {  	_ =	swait.ge [sflag:s21], $0x80  }
0x1f5: {  	[sflag:s21] =	ssyncset.done $0x0  }
0x1f6: {  	[sflag:s21] =	ssyncadd.s32 $0xFFFFFF80  }
.Ltmp4:
0x1f7: {  	_ =	swait.ge [sflag:s21], $0x80;
	(pc) =	sbr.rel @p0 .LBB2_10-.Ltmp4, $4  }
0x1f8: {  	s0 =	sand.u32 $0xFFFFC000, s28;
	[sflag:s21] =	ssyncset.done $0x0  }
0x1f9: {  	s31 =	smov.u32 s26;
	s0 =	ssub.s32 $0x0, s0;
	[sflag:s21] =	ssyncadd.s32 $0xFFFFFF80  }
0x1fa: {  	s29 =	sshra.s32 s28, $0x2;
	s0 =	sshra.s32 s0, $0x2;
	_ =	swait.ge [sflag:s21], $0x80  }
0x1fb: {  	s30 =	sadd.s32 s29, s0;
	s0 =	sadd.s32 $0x3000, s29;
	[sflag:s21] =	ssyncset.done $0x0  }
0x1fc: {  	s16 =	sadd.s32 $0x2000, s30;
	[sflag:s21] =	ssyncadd.s32 $0xFFFFFF80  }
0x1fd: {  	[spmem:s1] =	stream.indirect.scatter [tilespmem:s16], [sflag:$0x1], $0x1, s0, s20, $0xb8;
	[tilespmem:$0x1F000] =	vst v63  }
0x1fe: {  	s28 =	sadd.s32 $0x2080, s30;
	s31 =	sadd.s32 $0x3080, s29  }
0x1ff: {  	[spmem:s1] =	stream.indirect.scatter [tilespmem:s28], [sflag:$0x1], $0x1, s31, s20, $0xb8;
	[tilespmem:$0x1F000] =	vst v63  }
0x200: {  	s26 =	sadd.s32 $0x3100, s29;
	s16 =	sadd.s32 $0x2100, s30  }
0x201: {  	[spmem:s1] =	stream.indirect.scatter [tilespmem:s16], [sflag:$0x1], $0x1, s26, s20, $0xb8;
	[tilespmem:$0x1F000] =	vst v63  }
0x202: {  	s28 =	sadd.s32 $0x2180, s30;
	s31 =	sadd.s32 $0x3180, s29  }
0x203: {  	[spmem:s1] =	stream.indirect.scatter [tilespmem:s28], [sflag:$0x1], $0x1, s31, s20, $0xb8;
	[tilespmem:$0x1F000] =	vst v63  }
0x204: {  	s16 =	sadd.s32 $0x2200, s30;
	s26 =	sadd.s32 $0x3200, s29  }
0x205: {  	[spmem:s1] =	stream.indirect.scatter [tilespmem:s16], [sflag:$0x1], $0x1, s26, s20, $0xb8;
	[tilespmem:$0x1F000] =	vst v63  }
0x206: {  	s28 =	sadd.s32 $0x2280, s30;
	s31 =	sadd.s32 $0x3280, s29  }
0x207: {  	[spmem:s1] =	stream.indirect.scatter [tilespmem:s28], [sflag:$0x1], $0x1, s31, s20, $0xb8;
	[tilespmem:$0x1F000] =	vst v63  }
0x208: {  	s26 =	sadd.s32 $0x2300, s30;
	s28 =	sadd.s32 $0x3300, s29  }
0x209: {  	[spmem:s1] =	stream.indirect.scatter [tilespmem:s26], [sflag:$0x1], $0x1, s28, s20, $0xb8;
	[tilespmem:$0x1F000] =	vst v63  }
0x20a: {  	s30 =	sadd.s32 $0x2380, s30;
	s31 =	sadd.s32 $0x3380, s29  }
0x20b: {  	[spmem:s1] =	stream.indirect.scatter [tilespmem:s30], [sflag:$0x1], $0x1, s31, s20, $0xb8;
	[tilespmem:$0x1F000] =	vst v63  }
0x20c: {  	_ =	swait.ge [sflag:s21], $0x80  }
0x20d: {  	[sflag:s21] =	ssyncset.done $0x0  }
0x20e: {  	[sflag:s21] =	ssyncadd.s32 $0xFFFFFF80  }
0x20f: {  	_ =	swait.ge [sflag:s21], $0x80  }
0x210: {  	[sflag:s21] =	ssyncset.done $0x0  }
0x211: {  	[sflag:s21] =	ssyncadd.s32 $0xFFFFFF80  }
0x212: {  	_ =	swait.ge [sflag:s21], $0x80  }
0x213: {  	[sflag:s21] =	ssyncset.done $0x0  }
0x214: {  	[sflag:s21] =	ssyncadd.s32 $0xFFFFFF80  }
0x215: {  	_ =	swait.ge [sflag:s21], $0x80  }
0x216: {  	[sflag:s21] =	ssyncset.done $0x0  }
0x217: {  	[sflag:s21] =	ssyncadd.s32 $0xFFFFFF80  }
0x218: {  	_ =	swait.ge [sflag:s21], $0x80  }
0x219: {  	[sflag:s21] =	ssyncset.done $0x0  }
0x21a: {  	[sflag:s21] =	ssyncadd.s32 $0xFFFFFF80  }
0x21b: {  	_ =	swait.ge [sflag:s21], $0x80  }
0x21c: {  	[sflag:s21] =	ssyncset.done $0x0  }
0x21d: {  	[sflag:s21] =	ssyncadd.s32 $0xFFFFFF80  }
0x21e: {  	_ =	swait.ge [sflag:s21], $0x80  }
0x21f: {  	[sflag:s21] =	ssyncset.done $0x0  }
0x220: {  	[sflag:s21] =	ssyncadd.s32 $0xFFFFFF80  }
0x221: {  	_ =	swait.ge [sflag:s21], $0x80  }
0x222: {  	[sflag:s21] =	ssyncset.done $0x0  }
0x223: {  	[sflag:s21] =	ssyncadd.s32 $0xFFFFFF80  }
0x224: {  	s22 =	sadd.s32 $0x1, s22;
	[bflag:$0x0] =	sbarrier.arrive $0xFFFF  }
0x225: {  	[hbm:s12], [sflag:s23] =	dma.local [spmem:s24], $0x1000  }
0x226: {  	[hbm:s13], [sflag:s23] =	dma.local [spmem:s25], $0x1000  }
0x227: {  	p0 =	sne.s32 s22, s14;
	_ =	swait.ge [sflag:s19], $0x1000  }
.Ltmp5:
0x228: {  	[sflag:s19] =	ssyncset.done $0x0;
	(pc) =	sbr.rel @p0 .LBB2_1-.Ltmp5, $4  }
0x229: {  	[sflag:s19] =	ssyncadd.s32 $0xFFFFF000  }
0x22a: {  	_ =	swait.ge [sflag:s19], $0x1000  }
0x22b: {  	[sflag:s19] =	ssyncset.done $0x0  }
0x22c: {  	[sflag:s19] =	ssyncadd.s32 $0xFFFFF000  }
0x22d: {  	_ =	sfence.sel $0x180000  }
0x22e: {  	[bflag:$0x0] =	sbarrier.arrive $0xFFFF  }
0x22f: {  	_ =	strace $0x90000047  }
0x230: {  	[bflag:$0x2] =	sbarrier.arrive $0xFFFF  }
0x231: {  	p0 =	sne.s32 s2, $0x0;
	s0 =	rddreg [dreg:$0x3]  }
0x232: {  	s0 =	sadd.s32 @!p0 $0x100000, s0  }
0x233: {  	[sflag:s0] =	ssyncadd.tile.s32 @!p0 $0x1;
	_ =	shalt  }
.Lfunc_end2:
_tile_overlayer_lowered:
.L_overlay_start_2:
0x234: {  	(tag) =	ssettag $0x2  }
0x235: {  	s0 =	rddreg [dreg:$0x0];
	s2 =	stileid.u32  }
0x236: {  	s1 =	rddreg [dreg:$0x1];
	p0 =	sne.s32 s2, $0x0  }
0x237: {  	s3 =	rddreg [dreg:$0x2];
	[bflag:$0x3] =	sbarrier.arrive $0xFFFF;
	s2 =	simm.s32 @!p0 $0x1C03  }
0x238: {  	[timem:s3], [sflag:s2] =	dma.local @!p0 [hbm:s0], s1  }
0x239: {  	s0 =	simm.s32 @!p0 $0x3  }
0x23a: {  	_ =	swait.ge @!p0 [sflag:s0], s1  }
0x23b: {  	s1 =	ssub.s32 @!p0 $0x0, s1;
	[sflag:s0] =	ssyncset.done @!p0 $0x0  }
0x23c: {  	[sflag:s0] =	ssyncadd.s32 @!p0 s1  }
0x23d: {  	[bflag:$0x3] =	sbarrier.arrive $0xFFFF  }
0x23e: {  	_ =	shalt  }

</sc_bundles>
